<compile_context>
chip_gen: v7x
topology: tpu7x:2x2x1
jax: 0.10.2.dev20260603
libtpu: 0.0.44.dev20260713+nightly
codegen_flags: <defaults>
</compile_context>

<pallas_src>
import functools

import jax
import jax.numpy as jnp
from jax import lax
from jax.experimental import pallas as pl
from jax.experimental.pallas import tpu as pltpu
from jax.experimental.pallas import tpu_sc as plsc

N = 10000
NPAD = 10240
E = 320000
D = 128
D3 = 3 * D
NUM_LAYERS = 3
NC = 2
NS = 16
NW = NC * NS
CHUNK = 128
K = 80
EPAD = NW * K * CHUNK
ROWS_PER_TILE = NPAD // NS



def _idx_start(s_hbm, d_hbm, wid, j, s_buf, d_buf, sem):
    pltpu.async_copy(s_hbm.at[wid, j], s_buf, sem)
    pltpu.async_copy(d_hbm.at[wid, j], d_buf, sem)


def _idx_wait(s_hbm, d_hbm, wid, j, s_buf, d_buf, sem):
    pltpu.make_async_copy(s_hbm.at[wid, j], s_buf, sem).wait()
    pltpu.make_async_copy(d_hbm.at[wid, j], d_buf, sem).wait()


def _segsum_body(h_hbm, s_hbm, d_hbm, out_hbm, sa, da, sb, db, rows_a, rows_b,
                 agg_sh, isem_a, isem_b, gsem_a, gsem_b):
    ci = lax.axis_index("c")
    si = lax.axis_index("s")
    wid = si * NC + ci
    _idx_start(s_hbm, d_hbm, wid, 0, sa, da, isem_a)
    _idx_start(s_hbm, d_hbm, wid, 1, sb, db, isem_b)
    zero16 = jnp.zeros((16,), jnp.float32)

    def zbody(i, c):
        for j in range(D // 16):
            rows_a[i, pl.ds(j * 16, 16)] = zero16
        return c

    lax.fori_loop(0, CHUNK, zbody, 0)
    base = si * ROWS_PER_TILE
    for k in range(ROWS_PER_TILE // CHUNK):
        pltpu.sync_copy(rows_a, agg_sh.at[pl.ds(base + k * CHUNK, CHUNK)])
    _idx_wait(s_hbm, d_hbm, wid, 0, sa, da, isem_a)
    pltpu.async_copy(h_hbm.at[sa], rows_a, gsem_a)
    plsc.subcore_barrier()

    def ebody(p, c):
        j = 2 * p
        _idx_wait(s_hbm, d_hbm, wid, j + 1, sb, db, isem_b)
        pltpu.async_copy(h_hbm.at[sb], rows_b, gsem_b)
        pltpu.make_async_copy(h_hbm.at[sa], rows_a, gsem_a).wait()
        pltpu.sync_copy(rows_a, agg_sh.at[da], add=True)
        j2 = jnp.minimum(j + 2, K - 1)
        _idx_start(s_hbm, d_hbm, wid, j2, sa, da, isem_a)
        pltpu.make_async_copy(h_hbm.at[sb], rows_b, gsem_b).wait()
        _idx_wait(s_hbm, d_hbm, wid, j2, sa, da, isem_a)
        pltpu.async_copy(h_hbm.at[sa], rows_a, gsem_a)
        pltpu.sync_copy(rows_b, agg_sh.at[db], add=True)
        j3 = jnp.minimum(j + 3, K - 1)
        _idx_start(s_hbm, d_hbm, wid, j3, sb, db, isem_b)
        return c

    lax.fori_loop(0, K // 2, ebody, 0)
    pltpu.make_async_copy(h_hbm.at[sa], rows_a, gsem_a).wait()
    _idx_wait(s_hbm, d_hbm, wid, K - 1, sb, db, isem_b)
    plsc.subcore_barrier()
    pltpu.sync_copy(agg_sh.at[pl.ds(base, ROWS_PER_TILE)],
                    out_hbm.at[ci, pl.ds(base, ROWS_PER_TILE)])


_sc_segsum = functools.partial(
    pl.kernel,
    mesh=plsc.VectorSubcoreMesh(core_axis_name="c", subcore_axis_name="s"),
    out_type=jax.ShapeDtypeStruct((NC, NPAD, D), jnp.float32),
    scratch_types=[
        pltpu.VMEM((CHUNK,), jnp.int32),
        pltpu.VMEM((CHUNK,), jnp.int32),
        pltpu.VMEM((CHUNK,), jnp.int32),
        pltpu.VMEM((CHUNK,), jnp.int32),
        pltpu.VMEM((CHUNK, D), jnp.float32),
        pltpu.VMEM((CHUNK, D), jnp.float32),
        pltpu.VMEM_SHARED((NPAD, D), jnp.float32),
        pltpu.SemaphoreType.DMA,
        pltpu.SemaphoreType.DMA,
        pltpu.SemaphoreType.DMA,
        pltpu.SemaphoreType.DMA,
    ],
)(_segsum_body)

BN = 2000


def _nt_body(x_ref, wt_ref, b_ref, o_ref):
    o_ref[...] = jnp.maximum(
        jnp.dot(x_ref[...], wt_ref[...], preferred_element_type=jnp.float32)
        + b_ref[...], 0.0)


def _node_transform(x, wt, b):
    return pl.pallas_call(
        _nt_body,
        grid=(N // BN,),
        in_specs=[
            pl.BlockSpec((BN, D), lambda i: (i, 0)),
            pl.BlockSpec((D, D), lambda i: (0, 0)),
            pl.BlockSpec((1, D), lambda i: (0, 0)),
        ],
        out_specs=pl.BlockSpec((BN, D), lambda i: (i, 0)),
        out_shape=jax.ShapeDtypeStruct((N, D), jnp.float32),
    )(x, wt, b)


def _gru_body(parts_ref, h_ref, wg_ref, wiht_ref, bih_ref, whht_ref, bhh_ref, o_ref):
    s = parts_ref[0] + parts_ref[1]
    h = h_ref[...]
    agg = jnp.dot(s, wg_ref[...], preferred_element_type=jnp.float32)
    gi = jnp.dot(agg, wiht_ref[...], preferred_element_type=jnp.float32) + bih_ref[...]
    gh = jnp.dot(h, whht_ref[...], preferred_element_type=jnp.float32) + bhh_ref[...]
    r = jax.nn.sigmoid(gi[:, 0:D] + gh[:, 0:D])
    z = jax.nn.sigmoid(gi[:, D:2 * D] + gh[:, D:2 * D])
    n = jnp.tanh(gi[:, 2 * D:] + r * gh[:, 2 * D:])
    o_ref[...] = (1.0 - z) * n + z * h


def _gru(parts, h, wg, wiht, bih, whht, bhh):
    return pl.pallas_call(
        _gru_body,
        grid=(N // BN,),
        in_specs=[
            pl.BlockSpec((NC, BN, D), lambda i: (0, i, 0)),
            pl.BlockSpec((BN, D), lambda i: (i, 0)),
            pl.BlockSpec((D, D), lambda i: (0, 0)),
            pl.BlockSpec((D, D3), lambda i: (0, 0)),
            pl.BlockSpec((1, D3), lambda i: (0, 0)),
            pl.BlockSpec((D, D3), lambda i: (0, 0)),
            pl.BlockSpec((1, D3), lambda i: (0, 0)),
        ],
        out_specs=pl.BlockSpec((BN, D), lambda i: (i, 0)),
        out_shape=jax.ShapeDtypeStruct((N, D), jnp.float32),
    )(parts, h, wg, wiht, bih, whht, bhh)



def kernel(x, edge_index, edge_attr, z_soft, W_nt, b_nt, W_ggc, W_ih, b_ih, W_hh, b_hh):
    del edge_attr, z_soft
    src = edge_index[0].astype(jnp.int32)
    dst = edge_index[1].astype(jnp.int32)
    pad = EPAD - E
    pad_idx = jnp.arange(pad, dtype=jnp.int32)
    pad_dst = N + pad_idx % (NPAD - N)
    pad_src = pad_idx % N
    src3 = jnp.concatenate([src, pad_src]).reshape(NW, K, CHUNK)
    dst3 = jnp.concatenate([dst, pad_dst]).reshape(NW, K, CHUNK)

    h = _node_transform(x, W_nt.T, b_nt.reshape(1, D))
    wiht = W_ih.T
    whht = W_hh.T
    bih = b_ih.reshape(1, D3)
    bhh = b_hh.reshape(1, D3)
    for i in range(NUM_LAYERS):
        parts = _sc_segsum(h, src3, dst3)
        h = _gru(parts, h, W_ggc[i], wiht, bih, whht, bhh)
    return h

# --- scband reference (transcript-rebuilt; emitter-appended) ---
"""Pipeline reference for scband-rnndecoder-29987461660935 (READ-ONLY COPY).

The authoritative reference and input builder live on the scoring server;
editing this copy changes nothing except your own understanding.
"""

import jax, jax.numpy as jnp
import numpy as np

N_NODES = 10000
N_EDGES = 320000
D_IN = 128
D_OUT = 128
D_EDGE = 16
NUM_LAYERS = 3


def setup_inputs(seed: int = 0) -> dict:
    key = jax.random.key(seed)
    ks = jax.random.split(key, 12)
    x = jax.random.normal(ks[0], (N_NODES, D_IN), dtype=jnp.float32)
    edge_index = jax.random.randint(ks[1], (2, N_EDGES), 0, N_NODES, dtype=jnp.int64 if jax.config.jax_enable_x64 else jnp.int32).astype(jnp.int32)
    edge_attr = jax.random.normal(ks[2], (N_EDGES, D_EDGE), dtype=jnp.float32)
    z_soft = jax.random.uniform(ks[3], (N_EDGES, 1), dtype=jnp.float32)
    # node_transform: Linear(D_IN, D_OUT) + ReLU
    W_nt = jax.random.normal(ks[4], (D_OUT, D_IN), dtype=jnp.float32) * 0.05
    b_nt = jax.random.normal(ks[5], (D_OUT,), dtype=jnp.float32) * 0.05
    # GatedGraphConv: weight [num_layers, out_channels, out_channels]
    W_ggc = jax.random.normal(ks[6], (NUM_LAYERS, D_OUT, D_OUT), dtype=jnp.float32) * 0.05
    # GRUCell(D_OUT, D_OUT) params
    W_ih = jax.random.normal(ks[7], (3 * D_OUT, D_OUT), dtype=jnp.float32) * 0.05
    b_ih = jax.random.normal(ks[8], (3 * D_OUT,), dtype=jnp.float32) * 0.05
    W_hh = jax.random.normal(ks[9], (3 * D_OUT, D_OUT), dtype=jnp.float32) * 0.05
    b_hh = jax.random.normal(ks[10], (3 * D_OUT,), dtype=jnp.float32) * 0.05
    return {"x": x, "edge_index": edge_index, "edge_attr": edge_attr, "z_soft": z_soft,
            "W_nt": W_nt, "b_nt": b_nt, "W_ggc": W_ggc,
            "W_ih": W_ih, "b_ih": b_ih, "W_hh": W_hh, "b_hh": b_hh}


def _gru_cell(m, h, W_ih, b_ih, W_hh, b_hh):
    gi = m @ W_ih.T + b_ih
    gh = h @ W_hh.T + b_hh
    i_r, i_z, i_n = jnp.split(gi, 3, axis=-1)
    h_r, h_z, h_n = jnp.split(gh, 3, axis=-1)
    r = jax.nn.sigmoid(i_r + h_r)
    z = jax.nn.sigmoid(i_z + h_z)
    n = jnp.tanh(i_n + r * h_n)
    return (1.0 - z) * n + z * h


def reference(x, edge_index, edge_attr, z_soft, W_nt, b_nt, W_ggc, W_ih, b_ih, W_hh, b_hh):
    # node_transform: Linear + ReLU
    h = jax.nn.relu(x @ W_nt.T + b_nt)
    # edge_attr scaling (computed as in original forward; not consumed by graph_conv)
    _ea = z_soft * edge_attr
    src = edge_index[0]
    dst = edge_index[1]
    n = h.shape[0]
    # GatedGraphConv with edge_weight=None, aggr='add'
    for i in range(NUM_LAYERS):
        m = h @ W_ggc[i]
        agg = jax.ops.segment_sum(jnp.take(m, src, axis=0), dst, num_segments=n)
        h = _gru_cell(agg, h, W_ih, b_ih, W_hh, b_hh)
    return h

if __name__ == "__main__":
    import jax
    _d = setup_inputs()
    print(jax.jit(kernel)(*tuple(_d.values())))

</pallas_src>

<mosaic_0001>
#map = affine_map<(d0, d1) -> (0, 0)>
#map1 = affine_map<(d0, d1) -> (0, 0, 0)>
module attributes {stable_mosaic.version = 14 : i64} {
  func.func @_segsum_body(%arg0: i32, %arg1: i32, %arg2: memref<10000x128xf32, #tpu.memory_space<hbm>>, %arg3: memref<32x80x128xi32, #tpu.memory_space<hbm>>, %arg4: memref<32x80x128xi32, #tpu.memory_space<hbm>>, %arg5: memref<2x10240x128xf32, #tpu.memory_space<hbm>>, %arg6: memref<128xi32, #tpu.memory_space<vmem>>, %arg7: memref<128xi32, #tpu.memory_space<vmem>>, %arg8: memref<128xi32, #tpu.memory_space<vmem>>, %arg9: memref<128xi32, #tpu.memory_space<vmem>>, %arg10: memref<128x128xf32, #tpu.memory_space<vmem>>, %arg11: memref<128x128xf32, #tpu.memory_space<vmem>>, %arg12: memref<10240x128xf32, #tpu.memory_space<vmem_shared>>, %arg13: memref<!tpu.dma_semaphore, #tpu.memory_space<semaphore_mem>>, %arg14: memref<!tpu.dma_semaphore, #tpu.memory_space<semaphore_mem>>, %arg15: memref<!tpu.dma_semaphore, #tpu.memory_space<semaphore_mem>>, %arg16: memref<!tpu.dma_semaphore, #tpu.memory_space<semaphore_mem>>) attributes {dimension_semantics = [#tpu.dimension_semantics<core_parallel>, #tpu.dimension_semantics<subcore_parallel>], iteration_bounds = array<i64: 2, 16>, scalar_prefetch = 0 : i64, scratch_operands = 11 : i64, tpu.core_type = #tpu.core_type<sc_vector_subcore>, window_params = [{transform_indices = #map}, {transform_indices = #map1}, {transform_indices = #map1}, {transform_indices = #map1}]} {
    %mul3A = arith.constant 2 : i32
    %mul3A_0 = arith.muli %arg1, %mul3A : i32
    %add3A = arith.addi %mul3A_0, %arg0 : i32
    %dma_start3A = arith.constant 0 : i32
    %dma_start3A_1 = arith.constant 0 : i32
    %dma_start3A_2 = tpu.memref_slice %arg3[%add3A, %dma_start3A, %dma_start3A_1] : memref<32x80x128xi32, #tpu.memory_space<hbm>> -> memref<1x1x128xi32, #tpu.memory_space<hbm>>
    %dma_start3A_3 = tpu.memref_squeeze %dma_start3A_2 : memref<1x1x128xi32, #tpu.memory_space<hbm>> -> memref<128xi32, #tpu.memory_space<hbm>>
    %dma_start3A_4 = arith.constant 0 : i32
    %dma_start3A_5 = tpu.memref_slice %arg3[%add3A, %dma_start3A, %dma_start3A_4] : memref<32x80x128xi32, #tpu.memory_space<hbm>> -> memref<1x1x128xi32, #tpu.memory_space<hbm>>
    %dma_start3A_6 = tpu.memref_squeeze %dma_start3A_5 : memref<1x1x128xi32, #tpu.memory_space<hbm>> -> memref<128xi32, #tpu.memory_space<hbm>>
    tpu.enqueue_dma source(%dma_start3A_6 : memref<128xi32, #tpu.memory_space<hbm>>) target(%arg6 : memref<128xi32, #tpu.memory_space<vmem>>) target_semaphore(%arg13 : memref<!tpu.dma_semaphore, #tpu.memory_space<semaphore_mem>>)
    %dma_start3A_7 = arith.constant 0 : i32
    %dma_start3A_8 = arith.constant 0 : i32
    %dma_start3A_9 = tpu.memref_slice %arg4[%add3A, %dma_start3A_7, %dma_start3A_8] : memref<32x80x128xi32, #tpu.memory_space<hbm>> -> memref<1x1x128xi32, #tpu.memory_space<hbm>>
    %dma_start3A_10 = tpu.memref_squeeze %dma_start3A_9 : memref<1x1x128xi32, #tpu.memory_space<hbm>> -> memref<128xi32, #tpu.memory_space<hbm>>
    %dma_start3A_11 = arith.constant 0 : i32
    %dma_start3A_12 = tpu.memref_slice %arg4[%add3A, %dma_start3A_7, %dma_start3A_11] : memref<32x80x128xi32, #tpu.memory_space<hbm>> -> memref<1x1x128xi32, #tpu.memory_space<hbm>>
    %dma_start3A_13 = tpu.memref_squeeze %dma_start3A_12 : memref<1x1x128xi32, #tpu.memory_space<hbm>> -> memref<128xi32, #tpu.memory_space<hbm>>
    tpu.enqueue_dma source(%dma_start3A_13 : memref<128xi32, #tpu.memory_space<hbm>>) target(%arg7 : memref<128xi32, #tpu.memory_space<vmem>>) target_semaphore(%arg13 : memref<!tpu.dma_semaphore, #tpu.memory_space<semaphore_mem>>)
    %dma_start3A_14 = arith.constant 1 : i32
    %dma_start3A_15 = arith.constant 0 : i32
    %dma_start3A_16 = tpu.memref_slice %arg3[%add3A, %dma_start3A_14, %dma_start3A_15] : memref<32x80x128xi32, #tpu.memory_space<hbm>> -> memref<1x1x128xi32, #tpu.memory_space<hbm>>
    %dma_start3A_17 = tpu.memref_squeeze %dma_start3A_16 : memref<1x1x128xi32, #tpu.memory_space<hbm>> -> memref<128xi32, #tpu.memory_space<hbm>>
    %dma_start3A_18 = arith.constant 0 : i32
    %dma_start3A_19 = tpu.memref_slice %arg3[%add3A, %dma_start3A_14, %dma_start3A_18] : memref<32x80x128xi32, #tpu.memory_space<hbm>> -> memref<1x1x128xi32, #tpu.memory_space<hbm>>
    %dma_start3A_20 = tpu.memref_squeeze %dma_start3A_19 : memref<1x1x128xi32, #tpu.memory_space<hbm>> -> memref<128xi32, #tpu.memory_space<hbm>>
    tpu.enqueue_dma source(%dma_start3A_20 : memref<128xi32, #tpu.memory_space<hbm>>) target(%arg8 : memref<128xi32, #tpu.memory_space<vmem>>) target_semaphore(%arg14 : memref<!tpu.dma_semaphore, #tpu.memory_space<semaphore_mem>>)
    %dma_start3A_21 = arith.constant 1 : i32
    %dma_start3A_22 = arith.constant 0 : i32
    %dma_start3A_23 = tpu.memref_slice %arg4[%add3A, %dma_start3A_21, %dma_start3A_22] : memref<32x80x128xi32, #tpu.memory_space<hbm>> -> memref<1x1x128xi32, #tpu.memory_space<hbm>>
    %dma_start3A_24 = tpu.memref_squeeze %dma_start3A_23 : memref<1x1x128xi32, #tpu.memory_space<hbm>> -> memref<128xi32, #tpu.memory_space<hbm>>
    %dma_start3A_25 = arith.constant 0 : i32
    %dma_start3A_26 = tpu.memref_slice %arg4[%add3A, %dma_start3A_21, %dma_start3A_25] : memref<32x80x128xi32, #tpu.memory_space<hbm>> -> memref<1x1x128xi32, #tpu.memory_space<hbm>>
    %dma_start3A_27 = tpu.memref_squeeze %dma_start3A_26 : memref<1x1x128xi32, #tpu.memory_space<hbm>> -> memref<128xi32, #tpu.memory_space<hbm>>
    tpu.enqueue_dma source(%dma_start3A_27 : memref<128xi32, #tpu.memory_space<hbm>>) target(%arg9 : memref<128xi32, #tpu.memory_space<vmem>>) target_semaphore(%arg14 : memref<!tpu.dma_semaphore, #tpu.memory_space<semaphore_mem>>)
    %broadcast_in_dim3A = arith.constant 0.000000e+00 : f32
    %broadcast_in_dim3A_28 = vector.broadcast %broadcast_in_dim3A : f32 to vector<16xf32>
    %scan3A = arith.constant 0 : i32
    %scan3A_29 = arith.constant 0 : i32
    %scan3A_30 = arith.constant 128 : i32
    %scan3A_31 = arith.addi %scan3A_29, %scan3A_30 : i32
    %scan3A_32 = arith.constant 1 : i32
    scf.for %scan3A_86 = %scan3A_29 to %scan3A_31 step %scan3A_32  : i32 {
      %swap3A = arith.index_cast %scan3A_86 : i32 to index
      %swap3A_87 = arith.constant 0 : index
      %swap3A_88 = tpu.vector_load %arg10[%swap3A, %swap3A_87] {strides = array<i32>} : memref<128x128xf32, #tpu.memory_space<vmem>>, vector<1x16xf32>,
      %swap3A_89 = vector.shape_cast %swap3A_88 : vector<1x16xf32> to vector<16xf32>
      %swap3A_90 = vector.shape_cast %broadcast_in_dim3A_28 : vector<16xf32> to vector<1x16xf32>
      tpu.vector_store %arg10[%swap3A, %swap3A_87], %swap3A_90 {strides = array<i32>} : memref<128x128xf32, #tpu.memory_space<vmem>>, vector<1x16xf32>,
      %swap3A_91 = arith.index_cast %scan3A_86 : i32 to index
      %swap3A_92 = arith.constant 16 : index
      %swap3A_93 = tpu.vector_load %arg10[%swap3A_91, %swap3A_92] {strides = array<i32>} : memref<128x128xf32, #tpu.memory_space<vmem>>, vector<1x16xf32>,
      %swap3A_94 = vector.shape_cast %swap3A_93 : vector<1x16xf32> to vector<16xf32>
      %swap3A_95 = vector.shape_cast %broadcast_in_dim3A_28 : vector<16xf32> to vector<1x16xf32>
      tpu.vector_store %arg10[%swap3A_91, %swap3A_92], %swap3A_95 {strides = array<i32>} : memref<128x128xf32, #tpu.memory_space<vmem>>, vector<1x16xf32>,
      %swap3A_96 = arith.index_cast %scan3A_86 : i32 to index
      %swap3A_97 = arith.constant 32 : index
      %swap3A_98 = tpu.vector_load %arg10[%swap3A_96, %swap3A_97] {strides = array<i32>} : memref<128x128xf32, #tpu.memory_space<vmem>>, vector<1x16xf32>,
      %swap3A_99 = vector.shape_cast %swap3A_98 : vector<1x16xf32> to vector<16xf32>
      %swap3A_100 = vector.shape_cast %broadcast_in_dim3A_28 : vector<16xf32> to vector<1x16xf32>
      tpu.vector_store %arg10[%swap3A_96, %swap3A_97], %swap3A_100 {strides = array<i32>} : memref<128x128xf32, #tpu.memory_space<vmem>>, vector<1x16xf32>,
      %swap3A_101 = arith.index_cast %scan3A_86 : i32 to index
      %swap3A_102 = arith.constant 48 : index
      %swap3A_103 = tpu.vector_load %arg10[%swap3A_101, %swap3A_102] {strides = array<i32>} : memref<128x128xf32, #tpu.memory_space<vmem>>, vector<1x16xf32>,
      %swap3A_104 = vector.shape_cast %swap3A_103 : vector<1x16xf32> to vector<16xf32>
      %swap3A_105 = vector.shape_cast %broadcast_in_dim3A_28 : vector<16xf32> to vector<1x16xf32>
      tpu.vector_store %arg10[%swap3A_101, %swap3A_102], %swap3A_105 {strides = array<i32>} : memref<128x128xf32, #tpu.memory_space<vmem>>, vector<1x16xf32>,
      %swap3A_106 = arith.index_cast %scan3A_86 : i32 to index
      %swap3A_107 = arith.constant 64 : index
      %swap3A_108 = tpu.vector_load %arg10[%swap3A_106, %swap3A_107] {strides = array<i32>} : memref<128x128xf32, #tpu.memory_space<vmem>>, vector<1x16xf32>,
      %swap3A_109 = vector.shape_cast %swap3A_108 : vector<1x16xf32> to vector<16xf32>
      %swap3A_110 = vector.shape_cast %broadcast_in_dim3A_28 : vector<16xf32> to vector<1x16xf32>
      tpu.vector_store %arg10[%swap3A_106, %swap3A_107], %swap3A_110 {strides = array<i32>} : memref<128x128xf32, #tpu.memory_space<vmem>>, vector<1x16xf32>,
      %swap3A_111 = arith.index_cast %scan3A_86 : i32 to index
      %swap3A_112 = arith.constant 80 : index
      %swap3A_113 = tpu.vector_load %arg10[%swap3A_111, %swap3A_112] {strides = array<i32>} : memref<128x128xf32, #tpu.memory_space<vmem>>, vector<1x16xf32>,
      %swap3A_114 = vector.shape_cast %swap3A_113 : vector<1x16xf32> to vector<16xf32>
      %swap3A_115 = vector.shape_cast %broadcast_in_dim3A_28 : vector<16xf32> to vector<1x16xf32>
      tpu.vector_store %arg10[%swap3A_111, %swap3A_112], %swap3A_115 {strides = array<i32>} : memref<128x128xf32, #tpu.memory_space<vmem>>, vector<1x16xf32>,
      %swap3A_116 = arith.index_cast %scan3A_86 : i32 to index
      %swap3A_117 = arith.constant 96 : index
      %swap3A_118 = tpu.vector_load %arg10[%swap3A_116, %swap3A_117] {strides = array<i32>} : memref<128x128xf32, #tpu.memory_space<vmem>>, vector<1x16xf32>,
      %swap3A_119 = vector.shape_cast %swap3A_118 : vector<1x16xf32> to vector<16xf32>
      %swap3A_120 = vector.shape_cast %broadcast_in_dim3A_28 : vector<16xf32> to vector<1x16xf32>
      tpu.vector_store %arg10[%swap3A_116, %swap3A_117], %swap3A_120 {strides = array<i32>} : memref<128x128xf32, #tpu.memory_space<vmem>>, vector<1x16xf32>,
      %swap3A_121 = arith.index_cast %scan3A_86 : i32 to index
      %swap3A_122 = arith.constant 112 : index
      %swap3A_123 = tpu.vector_load %arg10[%swap3A_121, %swap3A_122] {strides = array<i32>} : memref<128x128xf32, #tpu.memory_space<vmem>>, vector<1x16xf32>,
      %swap3A_124 = vector.shape_cast %swap3A_123 : vector<1x16xf32> to vector<16xf32>
      %swap3A_125 = vector.shape_cast %broadcast_in_dim3A_28 : vector<16xf32> to vector<1x16xf32>
      tpu.vector_store %arg10[%swap3A_121, %swap3A_122], %swap3A_125 {strides = array<i32>} : memref<128x128xf32, #tpu.memory_space<vmem>>, vector<1x16xf32>,
    }
    %scan3A_33 = arith.constant 128 : i32
    %mul3A_34 = arith.constant 640 : i32
    %mul3A_35 = arith.muli %arg1, %mul3A_34 : i32
    %add3A_36 = arith.constant 0 : i32
    %add3A_37 = arith.addi %mul3A_35, %add3A_36 : i32
    "tpu.region"() ({
      %run_scoped3A = tpu.sem_alloc : memref<!tpu.dma_semaphore, #tpu.memory_space<semaphore_mem>>
      %dma_start3A_86 = arith.constant 0 : i32
      %dma_start3A_87 = tpu.memref_slice %arg12[%add3A_37, %dma_start3A_86] : memref<10240x128xf32, #tpu.memory_space<vmem_shared>> -> memref<128x128xf32, #tpu.memory_space<vmem_shared>>
      %dma_start3A_88 = arith.constant 0 : i32
      %dma_start3A_89 = tpu.memref_slice %arg12[%add3A_37, %dma_start3A_88] : memref<10240x128xf32, #tpu.memory_space<vmem_shared>> -> memref<128x128xf32, #tpu.memory_space<vmem_shared>>
      tpu.enqueue_dma source(%arg10 : memref<128x128xf32, #tpu.memory_space<vmem>>) target(%dma_start3A_89 : memref<128x128xf32, #tpu.memory_space<vmem_shared>>) target_semaphore(%run_scoped3A : memref<!tpu.dma_semaphore, #tpu.memory_space<semaphore_mem>>)
      %dma_wait3A_90 = arith.constant 0 : i32
      %dma_wait3A_91 = tpu.memref_slice %arg12[%add3A_37, %dma_wait3A_90] : memref<10240x128xf32, #tpu.memory_space<vmem_shared>> -> memref<128x128xf32, #tpu.memory_space<vmem_shared>>
      %dma_wait3A_92 = arith.constant 0 : i32
      %dma_wait3A_93 = tpu.memref_slice %arg12[%add3A_37, %dma_wait3A_92] : memref<10240x128xf32, #tpu.memory_space<vmem_shared>> -> memref<128x128xf32, #tpu.memory_space<vmem_shared>>
      tpu.wait_dma2 semaphore(%run_scoped3A : memref<!tpu.dma_semaphore, #tpu.memory_space<semaphore_mem>>) src(%arg10 : memref<128x128xf32, #tpu.memory_space<vmem>>) dst(%dma_wait3A_93 : memref<128x128xf32, #tpu.memory_space<vmem_shared>>)
      tpu.yield
    }) : () -> ()
    %add3A_38 = arith.constant 128 : i32
    %add3A_39 = arith.addi %mul3A_35, %add3A_38 : i32
    "tpu.region"() ({
      %run_scoped3A = tpu.sem_alloc : memref<!tpu.dma_semaphore, #tpu.memory_space<semaphore_mem>>
      %dma_start3A_86 = arith.constant 0 : i32
      %dma_start3A_87 = tpu.memref_slice %arg12[%add3A_39, %dma_start3A_86] : memref<10240x128xf32, #tpu.memory_space<vmem_shared>> -> memref<128x128xf32, #tpu.memory_space<vmem_shared>>
      %dma_start3A_88 = arith.constant 0 : i32
      %dma_start3A_89 = tpu.memref_slice %arg12[%add3A_39, %dma_start3A_88] : memref<10240x128xf32, #tpu.memory_space<vmem_shared>> -> memref<128x128xf32, #tpu.memory_space<vmem_shared>>
      tpu.enqueue_dma source(%arg10 : memref<128x128xf32, #tpu.memory_space<vmem>>) target(%dma_start3A_89 : memref<128x128xf32, #tpu.memory_space<vmem_shared>>) target_semaphore(%run_scoped3A : memref<!tpu.dma_semaphore, #tpu.memory_space<semaphore_mem>>)
      %dma_wait3A_90 = arith.constant 0 : i32
      %dma_wait3A_91 = tpu.memref_slice %arg12[%add3A_39, %dma_wait3A_90] : memref<10240x128xf32, #tpu.memory_space<vmem_shared>> -> memref<128x128xf32, #tpu.memory_space<vmem_shared>>
      %dma_wait3A_92 = arith.constant 0 : i32
      %dma_wait3A_93 = tpu.memref_slice %arg12[%add3A_39, %dma_wait3A_92] : memref<10240x128xf32, #tpu.memory_space<vmem_shared>> -> memref<128x128xf32, #tpu.memory_space<vmem_shared>>
      tpu.wait_dma2 semaphore(%run_scoped3A : memref<!tpu.dma_semaphore, #tpu.memory_space<semaphore_mem>>) src(%arg10 : memref<128x128xf32, #tpu.memory_space<vmem>>) dst(%dma_wait3A_93 : memref<128x128xf32, #tpu.memory_space<vmem_shared>>)
      tpu.yield
    }) : () -> ()
    %add3A_40 = arith.constant 256 : i32
    %add3A_41 = arith.addi %mul3A_35, %add3A_40 : i32
    "tpu.region"() ({
      %run_scoped3A = tpu.sem_alloc : memref<!tpu.dma_semaphore, #tpu.memory_space<semaphore_mem>>
      %dma_start3A_86 = arith.constant 0 : i32
      %dma_start3A_87 = tpu.memref_slice %arg12[%add3A_41, %dma_start3A_86] : memref<10240x128xf32, #tpu.memory_space<vmem_shared>> -> memref<128x128xf32, #tpu.memory_space<vmem_shared>>
      %dma_start3A_88 = arith.constant 0 : i32
      %dma_start3A_89 = tpu.memref_slice %arg12[%add3A_41, %dma_start3A_88] : memref<10240x128xf32, #tpu.memory_space<vmem_shared>> -> memref<128x128xf32, #tpu.memory_space<vmem_shared>>
      tpu.enqueue_dma source(%arg10 : memref<128x128xf32, #tpu.memory_space<vmem>>) target(%dma_start3A_89 : memref<128x128xf32, #tpu.memory_space<vmem_shared>>) target_semaphore(%run_scoped3A : memref<!tpu.dma_semaphore, #tpu.memory_space<semaphore_mem>>)
      %dma_wait3A_90 = arith.constant 0 : i32
      %dma_wait3A_91 = tpu.memref_slice %arg12[%add3A_41, %dma_wait3A_90] : memref<10240x128xf32, #tpu.memory_space<vmem_shared>> -> memref<128x128xf32, #tpu.memory_space<vmem_shared>>
      %dma_wait3A_92 = arith.constant 0 : i32
      %dma_wait3A_93 = tpu.memref_slice %arg12[%add3A_41, %dma_wait3A_92] : memref<10240x128xf32, #tpu.memory_space<vmem_shared>> -> memref<128x128xf32, #tpu.memory_space<vmem_shared>>
      tpu.wait_dma2 semaphore(%run_scoped3A : memref<!tpu.dma_semaphore, #tpu.memory_space<semaphore_mem>>) src(%arg10 : memref<128x128xf32, #tpu.memory_space<vmem>>) dst(%dma_wait3A_93 : memref<128x128xf32, #tpu.memory_space<vmem_shared>>)
      tpu.yield
    }) : () -> ()
    %add3A_42 = arith.constant 384 : i32
    %add3A_43 = arith.addi %mul3A_35, %add3A_42 : i32
    "tpu.region"() ({
      %run_scoped3A = tpu.sem_alloc : memref<!tpu.dma_semaphore, #tpu.memory_space<semaphore_mem>>
      %dma_start3A_86 = arith.constant 0 : i32
      %dma_start3A_87 = tpu.memref_slice %arg12[%add3A_43, %dma_start3A_86] : memref<10240x128xf32, #tpu.memory_space<vmem_shared>> -> memref<128x128xf32, #tpu.memory_space<vmem_shared>>
      %dma_start3A_88 = arith.constant 0 : i32
      %dma_start3A_89 = tpu.memref_slice %arg12[%add3A_43, %dma_start3A_88] : memref<10240x128xf32, #tpu.memory_space<vmem_shared>> -> memref<128x128xf32, #tpu.memory_space<vmem_shared>>
      tpu.enqueue_dma source(%arg10 : memref<128x128xf32, #tpu.memory_space<vmem>>) target(%dma_start3A_89 : memref<128x128xf32, #tpu.memory_space<vmem_shared>>) target_semaphore(%run_scoped3A : memref<!tpu.dma_semaphore, #tpu.memory_space<semaphore_mem>>)
      %dma_wait3A_90 = arith.constant 0 : i32
      %dma_wait3A_91 = tpu.memref_slice %arg12[%add3A_43, %dma_wait3A_90] : memref<10240x128xf32, #tpu.memory_space<vmem_shared>> -> memref<128x128xf32, #tpu.memory_space<vmem_shared>>
      %dma_wait3A_92 = arith.constant 0 : i32
      %dma_wait3A_93 = tpu.memref_slice %arg12[%add3A_43, %dma_wait3A_92] : memref<10240x128xf32, #tpu.memory_space<vmem_shared>> -> memref<128x128xf32, #tpu.memory_space<vmem_shared>>
      tpu.wait_dma2 semaphore(%run_scoped3A : memref<!tpu.dma_semaphore, #tpu.memory_space<semaphore_mem>>) src(%arg10 : memref<128x128xf32, #tpu.memory_space<vmem>>) dst(%dma_wait3A_93 : memref<128x128xf32, #tpu.memory_space<vmem_shared>>)
      tpu.yield
    }) : () -> ()
    %add3A_44 = arith.constant 512 : i32
    %add3A_45 = arith.addi %mul3A_35, %add3A_44 : i32
    "tpu.region"() ({
      %run_scoped3A = tpu.sem_alloc : memref<!tpu.dma_semaphore, #tpu.memory_space<semaphore_mem>>
      %dma_start3A_86 = arith.constant 0 : i32
      %dma_start3A_87 = tpu.memref_slice %arg12[%add3A_45, %dma_start3A_86] : memref<10240x128xf32, #tpu.memory_space<vmem_shared>> -> memref<128x128xf32, #tpu.memory_space<vmem_shared>>
      %dma_start3A_88 = arith.constant 0 : i32
      %dma_start3A_89 = tpu.memref_slice %arg12[%add3A_45, %dma_start3A_88] : memref<10240x128xf32, #tpu.memory_space<vmem_shared>> -> memref<128x128xf32, #tpu.memory_space<vmem_shared>>
      tpu.enqueue_dma source(%arg10 : memref<128x128xf32, #tpu.memory_space<vmem>>) target(%dma_start3A_89 : memref<128x128xf32, #tpu.memory_space<vmem_shared>>) target_semaphore(%run_scoped3A : memref<!tpu.dma_semaphore, #tpu.memory_space<semaphore_mem>>)
      %dma_wait3A_90 = arith.constant 0 : i32
      %dma_wait3A_91 = tpu.memref_slice %arg12[%add3A_45, %dma_wait3A_90] : memref<10240x128xf32, #tpu.memory_space<vmem_shared>> -> memref<128x128xf32, #tpu.memory_space<vmem_shared>>
      %dma_wait3A_92 = arith.constant 0 : i32
      %dma_wait3A_93 = tpu.memref_slice %arg12[%add3A_45, %dma_wait3A_92] : memref<10240x128xf32, #tpu.memory_space<vmem_shared>> -> memref<128x128xf32, #tpu.memory_space<vmem_shared>>
      tpu.wait_dma2 semaphore(%run_scoped3A : memref<!tpu.dma_semaphore, #tpu.memory_space<semaphore_mem>>) src(%arg10 : memref<128x128xf32, #tpu.memory_space<vmem>>) dst(%dma_wait3A_93 : memref<128x128xf32, #tpu.memory_space<vmem_shared>>)
      tpu.yield
    }) : () -> ()
    %dma_wait3A = arith.constant 0 : i32
    %dma_wait3A_46 = arith.constant 0 : i32
    %dma_wait3A_47 = tpu.memref_slice %arg3[%add3A, %dma_wait3A, %dma_wait3A_46] : memref<32x80x128xi32, #tpu.memory_space<hbm>> -> memref<1x1x128xi32, #tpu.memory_space<hbm>>
    %dma_wait3A_48 = tpu.memref_squeeze %dma_wait3A_47 : memref<1x1x128xi32, #tpu.memory_space<hbm>> -> memref<128xi32, #tpu.memory_space<hbm>>
    %dma_wait3A_49 = arith.constant 0 : i32
    %dma_wait3A_50 = tpu.memref_slice %arg3[%add3A, %dma_wait3A, %dma_wait3A_49] : memref<32x80x128xi32, #tpu.memory_space<hbm>> -> memref<1x1x128xi32, #tpu.memory_space<hbm>>
    %dma_wait3A_51 = tpu.memref_squeeze %dma_wait3A_50 : memref<1x1x128xi32, #tpu.memory_space<hbm>> -> memref<128xi32, #tpu.memory_space<hbm>>
    tpu.wait_dma2 semaphore(%arg13 : memref<!tpu.dma_semaphore, #tpu.memory_space<semaphore_mem>>) src(%dma_wait3A_51 : memref<128xi32, #tpu.memory_space<hbm>>) dst(%arg6 : memref<128xi32, #tpu.memory_space<vmem>>)
    %dma_wait3A_52 = arith.constant 0 : i32
    %dma_wait3A_53 = arith.constant 0 : i32
    %dma_wait3A_54 = tpu.memref_slice %arg4[%add3A, %dma_wait3A_52, %dma_wait3A_53] : memref<32x80x128xi32, #tpu.memory_space<hbm>> -> memref<1x1x128xi32, #tpu.memory_space<hbm>>
    %dma_wait3A_55 = tpu.memref_squeeze %dma_wait3A_54 : memref<1x1x128xi32, #tpu.memory_space<hbm>> -> memref<128xi32, #tpu.memory_space<hbm>>
    %dma_wait3A_56 = arith.constant 0 : i32
    %dma_wait3A_57 = tpu.memref_slice %arg4[%add3A, %dma_wait3A_52, %dma_wait3A_56] : memref<32x80x128xi32, #tpu.memory_space<hbm>> -> memref<1x1x128xi32, #tpu.memory_space<hbm>>
    %dma_wait3A_58 = tpu.memref_squeeze %dma_wait3A_57 : memref<1x1x128xi32, #tpu.memory_space<hbm>> -> memref<128xi32, #tpu.memory_space<hbm>>
    tpu.wait_dma2 semaphore(%arg13 : memref<!tpu.dma_semaphore, #tpu.memory_space<semaphore_mem>>) src(%dma_wait3A_58 : memref<128xi32, #tpu.memory_space<hbm>>) dst(%arg7 : memref<128xi32, #tpu.memory_space<vmem>>)
    %dma_start3A_59 = arith.constant 0 : i32
    %dma_start3A_60 = arith.constant 0 : i32
    %dma_start3A_61 = tpu.memref_slice %arg2[%dma_start3A_59, %dma_start3A_60] : memref<10000x128xf32, #tpu.memory_space<hbm>> -> memref<10000x128xf32, #tpu.memory_space<hbm>>
    tpu.enqueue_indirect_dma source(%dma_start3A_61 : memref<10000x128xf32, #tpu.memory_space<hbm>>) target(%arg10 : memref<128x128xf32, #tpu.memory_space<vmem>>) offsets(%arg6 : memref<128xi32, #tpu.memory_space<vmem>>) semaphore(%arg15 : memref<!tpu.dma_semaphore, #tpu.memory_space<semaphore_mem>>)
    %barrier3A = arith.constant 0 : index
    tpu.barrier barrier_id(%barrier3A)
    %scan3A_62 = arith.constant 0 : i32
    %scan3A_63 = arith.constant 0 : i32
    %scan3A_64 = arith.constant 40 : i32
    %scan3A_65 = arith.addi %scan3A_63, %scan3A_64 : i32
    %scan3A_66 = arith.constant 1 : i32
    scf.for %scan3A_86 = %scan3A_63 to %scan3A_65 step %scan3A_66  : i32 {
      %mul3A_87 = arith.constant 2 : i32
      %mul3A_88 = arith.muli %mul3A_87, %scan3A_86 : i32
      %add3A_89 = arith.constant 1 : i32
      %add3A_90 = arith.addi %mul3A_88, %add3A_89 : i32
      %dma_wait3A_91 = arith.constant 0 : i32
      %dma_wait3A_92 = tpu.memref_slice %arg3[%add3A, %add3A_90, %dma_wait3A_91] : memref<32x80x128xi32, #tpu.memory_space<hbm>> -> memref<1x1x128xi32, #tpu.memory_space<hbm>>
      %dma_wait3A_93 = tpu.memref_squeeze %dma_wait3A_92 : memref<1x1x128xi32, #tpu.memory_space<hbm>> -> memref<128xi32, #tpu.memory_space<hbm>>
      %dma_wait3A_94 = arith.constant 0 : i32
      %dma_wait3A_95 = tpu.memref_slice %arg3[%add3A, %add3A_90, %dma_wait3A_94] : memref<32x80x128xi32, #tpu.memory_space<hbm>> -> memref<1x1x128xi32, #tpu.memory_space<hbm>>
      %dma_wait3A_96 = tpu.memref_squeeze %dma_wait3A_95 : memref<1x1x128xi32, #tpu.memory_space<hbm>> -> memref<128xi32, #tpu.memory_space<hbm>>
      tpu.wait_dma2 semaphore(%arg14 : memref<!tpu.dma_semaphore, #tpu.memory_space<semaphore_mem>>) src(%dma_wait3A_96 : memref<128xi32, #tpu.memory_space<hbm>>) dst(%arg8 : memref<128xi32, #tpu.memory_space<vmem>>)
      %dma_wait3A_97 = arith.constant 0 : i32
      %dma_wait3A_98 = tpu.memref_slice %arg4[%add3A, %add3A_90, %dma_wait3A_97] : memref<32x80x128xi32, #tpu.memory_space<hbm>> -> memref<1x1x128xi32, #tpu.memory_space<hbm>>
      %dma_wait3A_99 = tpu.memref_squeeze %dma_wait3A_98 : memref<1x1x128xi32, #tpu.memory_space<hbm>> -> memref<128xi32, #tpu.memory_space<hbm>>
      %dma_wait3A_100 = arith.constant 0 : i32
      %dma_wait3A_101 = tpu.memref_slice %arg4[%add3A, %add3A_90, %dma_wait3A_100] : memref<32x80x128xi32, #tpu.memory_space<hbm>> -> memref<1x1x128xi32, #tpu.memory_space<hbm>>
      %dma_wait3A_102 = tpu.memref_squeeze %dma_wait3A_101 : memref<1x1x128xi32, #tpu.memory_space<hbm>> -> memref<128xi32, #tpu.memory_space<hbm>>
      tpu.wait_dma2 semaphore(%arg14 : memref<!tpu.dma_semaphore, #tpu.memory_space<semaphore_mem>>) src(%dma_wait3A_102 : memref<128xi32, #tpu.memory_space<hbm>>) dst(%arg9 : memref<128xi32, #tpu.memory_space<vmem>>)
      %dma_start3A_103 = arith.constant 0 : i32
      %dma_start3A_104 = arith.constant 0 : i32
      %dma_start3A_105 = tpu.memref_slice %arg2[%dma_start3A_103, %dma_start3A_104] : memref<10000x128xf32, #tpu.memory_space<hbm>> -> memref<10000x128xf32, #tpu.memory_space<hbm>>
      tpu.enqueue_indirect_dma source(%dma_start3A_105 : memref<10000x128xf32, #tpu.memory_space<hbm>>) target(%arg11 : memref<128x128xf32, #tpu.memory_space<vmem>>) offsets(%arg8 : memref<128xi32, #tpu.memory_space<vmem>>) semaphore(%arg16 : memref<!tpu.dma_semaphore, #tpu.memory_space<semaphore_mem>>)
      %dma_wait3A_106 = arith.constant 0 : i32
      %dma_wait3A_107 = arith.constant 0 : i32
      %dma_wait3A_108 = tpu.memref_slice %arg2[%dma_wait3A_106, %dma_wait3A_107] : memref<10000x128xf32, #tpu.memory_space<hbm>> -> memref<10000x128xf32, #tpu.memory_space<hbm>>
      tpu.wait_indirect_dma semaphore(%arg15 : memref<!tpu.dma_semaphore, #tpu.memory_space<semaphore_mem>>) src(%dma_wait3A_108 : memref<10000x128xf32, #tpu.memory_space<hbm>>) dst(%arg10 : memref<128x128xf32, #tpu.memory_space<vmem>>)
      "tpu.region"() ({
        %run_scoped3A = tpu.sem_alloc : memref<!tpu.dma_semaphore, #tpu.memory_space<semaphore_mem>>
        %dma_start3A_158 = arith.constant 0 : i32
        %dma_start3A_159 = arith.constant 0 : i32
        %dma_start3A_160 = tpu.memref_slice %arg12[%dma_start3A_158, %dma_start3A_159] : memref<10240x128xf32, #tpu.memory_space<vmem_shared>> -> memref<10240x128xf32, #tpu.memory_space<vmem_shared>>
        tpu.enqueue_indirect_dma source(%arg10 : memref<128x128xf32, #tpu.memory_space<vmem>>) target(%dma_start3A_160 : memref<10240x128xf32, #tpu.memory_space<vmem_shared>>) offsets(%arg7 : memref<128xi32, #tpu.memory_space<vmem>>) semaphore(%run_scoped3A : memref<!tpu.dma_semaphore, #tpu.memory_space<semaphore_mem>>) {add = true}
        %dma_wait3A_161 = arith.constant 0 : i32
        %dma_wait3A_162 = arith.constant 0 : i32
        %dma_wait3A_163 = tpu.memref_slice %arg12[%dma_wait3A_161, %dma_wait3A_162] : memref<10240x128xf32, #tpu.memory_space<vmem_shared>> -> memref<10240x128xf32, #tpu.memory_space<vmem_shared>>
        tpu.wait_indirect_dma semaphore(%run_scoped3A : memref<!tpu.dma_semaphore, #tpu.memory_space<semaphore_mem>>) src(%arg10 : memref<128x128xf32, #tpu.memory_space<vmem>>) dst(%dma_wait3A_163 : memref<10240x128xf32, #tpu.memory_space<vmem_shared>>)
        tpu.yield
      }) : () -> ()
      %add3A_109 = arith.constant 2 : i32
      %add3A_110 = arith.addi %mul3A_88, %add3A_109 : i32
      %min3A = arith.constant 79 : i32
      %min3A_111 = arith.minsi %add3A_110, %min3A : i32
      %dma_start3A_112 = arith.constant 0 : i32
      %dma_start3A_113 = tpu.memref_slice %arg3[%add3A, %min3A_111, %dma_start3A_112] : memref<32x80x128xi32, #tpu.memory_space<hbm>> -> memref<1x1x128xi32, #tpu.memory_space<hbm>>
      %dma_start3A_114 = tpu.memref_squeeze %dma_start3A_113 : memref<1x1x128xi32, #tpu.memory_space<hbm>> -> memref<128xi32, #tpu.memory_space<hbm>>
      %dma_start3A_115 = arith.constant 0 : i32
      %dma_start3A_116 = tpu.memref_slice %arg3[%add3A, %min3A_111, %dma_start3A_115] : memref<32x80x128xi32, #tpu.memory_space<hbm>> -> memref<1x1x128xi32, #tpu.memory_space<hbm>>
      %dma_start3A_117 = tpu.memref_squeeze %dma_start3A_116 : memref<1x1x128xi32, #tpu.memory_space<hbm>> -> memref<128xi32, #tpu.memory_space<hbm>>
      tpu.enqueue_dma source(%dma_start3A_117 : memref<128xi32, #tpu.memory_space<hbm>>) target(%arg6 : memref<128xi32, #tpu.memory_space<vmem>>) target_semaphore(%arg13 : memref<!tpu.dma_semaphore, #tpu.memory_space<semaphore_mem>>)
      %dma_start3A_118 = arith.constant 0 : i32
      %dma_start3A_119 = tpu.memref_slice %arg4[%add3A, %min3A_111, %dma_start3A_118] : memref<32x80x128xi32, #tpu.memory_space<hbm>> -> memref<1x1x128xi32, #tpu.memory_space<hbm>>
      %dma_start3A_120 = tpu.memref_squeeze %dma_start3A_119 : memref<1x1x128xi32, #tpu.memory_space<hbm>> -> memref<128xi32, #tpu.memory_space<hbm>>
      %dma_start3A_121 = arith.constant 0 : i32
      %dma_start3A_122 = tpu.memref_slice %arg4[%add3A, %min3A_111, %dma_start3A_121] : memref<32x80x128xi32, #tpu.memory_space<hbm>> -> memref<1x1x128xi32, #tpu.memory_space<hbm>>
      %dma_start3A_123 = tpu.memref_squeeze %dma_start3A_122 : memref<1x1x128xi32, #tpu.memory_space<hbm>> -> memref<128xi32, #tpu.memory_space<hbm>>
      tpu.enqueue_dma source(%dma_start3A_123 : memref<128xi32, #tpu.memory_space<hbm>>) target(%arg7 : memref<128xi32, #tpu.memory_space<vmem>>) target_semaphore(%arg13 : memref<!tpu.dma_semaphore, #tpu.memory_space<semaphore_mem>>)
      %dma_wait3A_124 = arith.constant 0 : i32
      %dma_wait3A_125 = arith.constant 0 : i32
      %dma_wait3A_126 = tpu.memref_slice %arg2[%dma_wait3A_124, %dma_wait3A_125] : memref<10000x128xf32, #tpu.memory_space<hbm>> -> memref<10000x128xf32, #tpu.memory_space<hbm>>
      tpu.wait_indirect_dma semaphore(%arg16 : memref<!tpu.dma_semaphore, #tpu.memory_space<semaphore_mem>>) src(%dma_wait3A_126 : memref<10000x128xf32, #tpu.memory_space<hbm>>) dst(%arg11 : memref<128x128xf32, #tpu.memory_space<vmem>>)
      %dma_wait3A_127 = arith.constant 0 : i32
      %dma_wait3A_128 = tpu.memref_slice %arg3[%add3A, %min3A_111, %dma_wait3A_127] : memref<32x80x128xi32, #tpu.memory_space<hbm>> -> memref<1x1x128xi32, #tpu.memory_space<hbm>>
      %dma_wait3A_129 = tpu.memref_squeeze %dma_wait3A_128 : memref<1x1x128xi32, #tpu.memory_space<hbm>> -> memref<128xi32, #tpu.memory_space<hbm>>
      %dma_wait3A_130 = arith.constant 0 : i32
      %dma_wait3A_131 = tpu.memref_slice %arg3[%add3A, %min3A_111, %dma_wait3A_130] : memref<32x80x128xi32, #tpu.memory_space<hbm>> -> memref<1x1x128xi32, #tpu.memory_space<hbm>>
      %dma_wait3A_132 = tpu.memref_squeeze %dma_wait3A_131 : memref<1x1x128xi32, #tpu.memory_space<hbm>> -> memref<128xi32, #tpu.memory_space<hbm>>
      tpu.wait_dma2 semaphore(%arg13 : memref<!tpu.dma_semaphore, #tpu.memory_space<semaphore_mem>>) src(%dma_wait3A_132 : memref<128xi32, #tpu.memory_space<hbm>>) dst(%arg6 : memref<128xi32, #tpu.memory_space<vmem>>)
      %dma_wait3A_133 = arith.constant 0 : i32
      %dma_wait3A_134 = tpu.memref_slice %arg4[%add3A, %min3A_111, %dma_wait3A_133] : memref<32x80x128xi32, #tpu.memory_space<hbm>> -> memref<1x1x128xi32, #tpu.memory_space<hbm>>
      %dma_wait3A_135 = tpu.memref_squeeze %dma_wait3A_134 : memref<1x1x128xi32, #tpu.memory_space<hbm>> -> memref<128xi32, #tpu.memory_space<hbm>>
      %dma_wait3A_136 = arith.constant 0 : i32
      %dma_wait3A_137 = tpu.memref_slice %arg4[%add3A, %min3A_111, %dma_wait3A_136] : memref<32x80x128xi32, #tpu.memory_space<hbm>> -> memref<1x1x128xi32, #tpu.memory_space<hbm>>
      %dma_wait3A_138 = tpu.memref_squeeze %dma_wait3A_137 : memref<1x1x128xi32, #tpu.memory_space<hbm>> -> memref<128xi32, #tpu.memory_space<hbm>>
      tpu.wait_dma2 semaphore(%arg13 : memref<!tpu.dma_semaphore, #tpu.memory_space<semaphore_mem>>) src(%dma_wait3A_138 : memref<128xi32, #tpu.memory_space<hbm>>) dst(%arg7 : memref<128xi32, #tpu.memory_space<vmem>>)
      %dma_start3A_139 = arith.constant 0 : i32
      %dma_start3A_140 = arith.constant 0 : i32
      %dma_start3A_141 = tpu.memref_slice %arg2[%dma_start3A_139, %dma_start3A_140] : memref<10000x128xf32, #tpu.memory_space<hbm>> -> memref<10000x128xf32, #tpu.memory_space<hbm>>
      tpu.enqueue_indirect_dma source(%dma_start3A_141 : memref<10000x128xf32, #tpu.memory_space<hbm>>) target(%arg10 : memref<128x128xf32, #tpu.memory_space<vmem>>) offsets(%arg6 : memref<128xi32, #tpu.memory_space<vmem>>) semaphore(%arg15 : memref<!tpu.dma_semaphore, #tpu.memory_space<semaphore_mem>>)
      "tpu.region"() ({
        %run_scoped3A = tpu.sem_alloc : memref<!tpu.dma_semaphore, #tpu.memory_space<semaphore_mem>>
        %dma_start3A_158 = arith.constant 0 : i32
        %dma_start3A_159 = arith.constant 0 : i32
        %dma_start3A_160 = tpu.memref_slice %arg12[%dma_start3A_158, %dma_start3A_159] : memref<10240x128xf32, #tpu.memory_space<vmem_shared>> -> memref<10240x128xf32, #tpu.memory_space<vmem_shared>>
        tpu.enqueue_indirect_dma source(%arg11 : memref<128x128xf32, #tpu.memory_space<vmem>>) target(%dma_start3A_160 : memref<10240x128xf32, #tpu.memory_space<vmem_shared>>) offsets(%arg9 : memref<128xi32, #tpu.memory_space<vmem>>) semaphore(%run_scoped3A : memref<!tpu.dma_semaphore, #tpu.memory_space<semaphore_mem>>) {add = true}
        %dma_wait3A_161 = arith.constant 0 : i32
        %dma_wait3A_162 = arith.constant 0 : i32
        %dma_wait3A_163 = tpu.memref_slice %arg12[%dma_wait3A_161, %dma_wait3A_162] : memref<10240x128xf32, #tpu.memory_space<vmem_shared>> -> memref<10240x128xf32, #tpu.memory_space<vmem_shared>>
        tpu.wait_indirect_dma semaphore(%run_scoped3A : memref<!tpu.dma_semaphore, #tpu.memory_space<semaphore_mem>>) src(%arg11 : memref<128x128xf32, #tpu.memory_space<vmem>>) dst(%dma_wait3A_163 : memref<10240x128xf32, #tpu.memory_space<vmem_shared>>)
        tpu.yield
      }) : () -> ()
      %add3A_142 = arith.constant 3 : i32
      %add3A_143 = arith.addi %mul3A_88, %add3A_142 : i32
      %min3A_144 = arith.constant 79 : i32
      %min3A_145 = arith.minsi %add3A_143, %min3A_144 : i32
      %dma_start3A_146 = arith.constant 0 : i32
      %dma_start3A_147 = tpu.memref_slice %arg3[%add3A, %min3A_145, %dma_start3A_146] : memref<32x80x128xi32, #tpu.memory_space<hbm>> -> memref<1x1x128xi32, #tpu.memory_space<hbm>>
      %dma_start3A_148 = tpu.memref_squeeze %dma_start3A_147 : memref<1x1x128xi32, #tpu.memory_space<hbm>> -> memref<128xi32, #tpu.memory_space<hbm>>
      %dma_start3A_149 = arith.constant 0 : i32
      %dma_start3A_150 = tpu.memref_slice %arg3[%add3A, %min3A_145, %dma_start3A_149] : memref<32x80x128xi32, #tpu.memory_space<hbm>> -> memref<1x1x128xi32, #tpu.memory_space<hbm>>
      %dma_start3A_151 = tpu.memref_squeeze %dma_start3A_150 : memref<1x1x128xi32, #tpu.memory_space<hbm>> -> memref<128xi32, #tpu.memory_space<hbm>>
      tpu.enqueue_dma source(%dma_start3A_151 : memref<128xi32, #tpu.memory_space<hbm>>) target(%arg8 : memref<128xi32, #tpu.memory_space<vmem>>) target_semaphore(%arg14 : memref<!tpu.dma_semaphore, #tpu.memory_space<semaphore_mem>>)
      %dma_start3A_152 = arith.constant 0 : i32
      %dma_start3A_153 = tpu.memref_slice %arg4[%add3A, %min3A_145, %dma_start3A_152] : memref<32x80x128xi32, #tpu.memory_space<hbm>> -> memref<1x1x128xi32, #tpu.memory_space<hbm>>
      %dma_start3A_154 = tpu.memref_squeeze %dma_start3A_153 : memref<1x1x128xi32, #tpu.memory_space<hbm>> -> memref<128xi32, #tpu.memory_space<hbm>>
      %dma_start3A_155 = arith.constant 0 : i32
      %dma_start3A_156 = tpu.memref_slice %arg4[%add3A, %min3A_145, %dma_start3A_155] : memref<32x80x128xi32, #tpu.memory_space<hbm>> -> memref<1x1x128xi32, #tpu.memory_space<hbm>>
      %dma_start3A_157 = tpu.memref_squeeze %dma_start3A_156 : memref<1x1x128xi32, #tpu.memory_space<hbm>> -> memref<128xi32, #tpu.memory_space<hbm>>
      tpu.enqueue_dma source(%dma_start3A_157 : memref<128xi32, #tpu.memory_space<hbm>>) target(%arg9 : memref<128xi32, #tpu.memory_space<vmem>>) target_semaphore(%arg14 : memref<!tpu.dma_semaphore, #tpu.memory_space<semaphore_mem>>)
    }
    %scan3A_67 = arith.constant 40 : i32
    %dma_wait3A_68 = arith.constant 0 : i32
    %dma_wait3A_69 = arith.constant 0 : i32
    %dma_wait3A_70 = tpu.memref_slice %arg2[%dma_wait3A_68, %dma_wait3A_69] : memref<10000x128xf32, #tpu.memory_space<hbm>> -> memref<10000x128xf32, #tpu.memory_space<hbm>>
    tpu.wait_indirect_dma semaphore(%arg15 : memref<!tpu.dma_semaphore, #tpu.memory_space<semaphore_mem>>) src(%dma_wait3A_70 : memref<10000x128xf32, #tpu.memory_space<hbm>>) dst(%arg10 : memref<128x128xf32, #tpu.memory_space<vmem>>)
    %dma_wait3A_71 = arith.constant 79 : i32
    %dma_wait3A_72 = arith.constant 0 : i32
    %dma_wait3A_73 = tpu.memref_slice %arg3[%add3A, %dma_wait3A_71, %dma_wait3A_72] : memref<32x80x128xi32, #tpu.memory_space<hbm>> -> memref<1x1x128xi32, #tpu.memory_space<hbm>>
    %dma_wait3A_74 = tpu.memref_squeeze %dma_wait3A_73 : memref<1x1x128xi32, #tpu.memory_space<hbm>> -> memref<128xi32, #tpu.memory_space<hbm>>
    %dma_wait3A_75 = arith.constant 0 : i32
    %dma_wait3A_76 = tpu.memref_slice %arg3[%add3A, %dma_wait3A_71, %dma_wait3A_75] : memref<32x80x128xi32, #tpu.memory_space<hbm>> -> memref<1x1x128xi32, #tpu.memory_space<hbm>>
    %dma_wait3A_77 = tpu.memref_squeeze %dma_wait3A_76 : memref<1x1x128xi32, #tpu.memory_space<hbm>> -> memref<128xi32, #tpu.memory_space<hbm>>
    tpu.wait_dma2 semaphore(%arg14 : memref<!tpu.dma_semaphore, #tpu.memory_space<semaphore_mem>>) src(%dma_wait3A_77 : memref<128xi32, #tpu.memory_space<hbm>>) dst(%arg8 : memref<128xi32, #tpu.memory_space<vmem>>)
    %dma_wait3A_78 = arith.constant 79 : i32
    %dma_wait3A_79 = arith.constant 0 : i32
    %dma_wait3A_80 = tpu.memref_slice %arg4[%add3A, %dma_wait3A_78, %dma_wait3A_79] : memref<32x80x128xi32, #tpu.memory_space<hbm>> -> memref<1x1x128xi32, #tpu.memory_space<hbm>>
    %dma_wait3A_81 = tpu.memref_squeeze %dma_wait3A_80 : memref<1x1x128xi32, #tpu.memory_space<hbm>> -> memref<128xi32, #tpu.memory_space<hbm>>
    %dma_wait3A_82 = arith.constant 0 : i32
    %dma_wait3A_83 = tpu.memref_slice %arg4[%add3A, %dma_wait3A_78, %dma_wait3A_82] : memref<32x80x128xi32, #tpu.memory_space<hbm>> -> memref<1x1x128xi32, #tpu.memory_space<hbm>>
    %dma_wait3A_84 = tpu.memref_squeeze %dma_wait3A_83 : memref<1x1x128xi32, #tpu.memory_space<hbm>> -> memref<128xi32, #tpu.memory_space<hbm>>
    tpu.wait_dma2 semaphore(%arg14 : memref<!tpu.dma_semaphore, #tpu.memory_space<semaphore_mem>>) src(%dma_wait3A_84 : memref<128xi32, #tpu.memory_space<hbm>>) dst(%arg9 : memref<128xi32, #tpu.memory_space<vmem>>)
    %barrier3A_85 = arith.constant 0 : index
    tpu.barrier barrier_id(%barrier3A_85)
    "tpu.region"() ({
      %run_scoped3A = tpu.sem_alloc : memref<!tpu.dma_semaphore, #tpu.memory_space<semaphore_mem>>
      %dma_start3A_86 = arith.constant 0 : i32
      %dma_start3A_87 = tpu.memref_slice %arg5[%arg0, %mul3A_35, %dma_start3A_86] : memref<2x10240x128xf32, #tpu.memory_space<hbm>> -> memref<1x640x128xf32, #tpu.memory_space<hbm>>
      %dma_start3A_88 = tpu.memref_squeeze %dma_start3A_87 : memref<1x640x128xf32, #tpu.memory_space<hbm>> -> memref<640x128xf32, #tpu.memory_space<hbm>>
      %dma_start3A_89 = arith.constant 0 : i32
      %dma_start3A_90 = tpu.memref_slice %arg12[%mul3A_35, %dma_start3A_89] : memref<10240x128xf32, #tpu.memory_space<vmem_shared>> -> memref<640x128xf32, #tpu.memory_space<vmem_shared>>
      tpu.enqueue_dma source(%dma_start3A_90 : memref<640x128xf32, #tpu.memory_space<vmem_shared>>) target(%dma_start3A_88 : memref<640x128xf32, #tpu.memory_space<hbm>>) target_semaphore(%run_scoped3A : memref<!tpu.dma_semaphore, #tpu.memory_space<semaphore_mem>>)
      %dma_wait3A_91 = arith.constant 0 : i32
      %dma_wait3A_92 = tpu.memref_slice %arg5[%arg0, %mul3A_35, %dma_wait3A_91] : memref<2x10240x128xf32, #tpu.memory_space<hbm>> -> memref<1x640x128xf32, #tpu.memory_space<hbm>>
      %dma_wait3A_93 = tpu.memref_squeeze %dma_wait3A_92 : memref<1x640x128xf32, #tpu.memory_space<hbm>> -> memref<640x128xf32, #tpu.memory_space<hbm>>
      %dma_wait3A_94 = arith.constant 0 : i32
      %dma_wait3A_95 = tpu.memref_slice %arg12[%mul3A_35, %dma_wait3A_94] : memref<10240x128xf32, #tpu.memory_space<vmem_shared>> -> memref<640x128xf32, #tpu.memory_space<vmem_shared>>
      tpu.wait_dma2 semaphore(%run_scoped3A : memref<!tpu.dma_semaphore, #tpu.memory_space<semaphore_mem>>) src(%dma_wait3A_95 : memref<640x128xf32, #tpu.memory_space<vmem_shared>>) dst(%dma_wait3A_93 : memref<640x128xf32, #tpu.memory_space<hbm>>)
      tpu.yield
    }) : () -> ()
    return
  }
}

#map = affine_map<(d0, d1) -> (0, 0)>
#map1 = affine_map<(d0, d1) -> (0, 0, 0)>
module attributes {stable_mosaic.version = 14 : i64} {
  func.func @_segsum_body(%arg0: i32, %arg1: i32, %arg2: memref<10000x128xf32, #tpu.memory_space<hbm>>, %arg3: memref<32x80x128xi32, #tpu.memory_space<hbm>>, %arg4: memref<32x80x128xi32, #tpu.memory_space<hbm>>, %arg5: memref<2x10240x128xf32, #tpu.memory_space<hbm>>, %arg6: memref<128xi32, #tpu.memory_space<vmem>>, %arg7: memref<128xi32, #tpu.memory_space<vmem>>, %arg8: memref<128xi32, #tpu.memory_space<vmem>>, %arg9: memref<128xi32, #tpu.memory_space<vmem>>, %arg10: memref<128x128xf32, #tpu.memory_space<vmem>>, %arg11: memref<128x128xf32, #tpu.memory_space<vmem>>, %arg12: memref<10240x128xf32, #tpu.memory_space<vmem_shared>>, %arg13: memref<!tpu.dma_semaphore, #tpu.memory_space<semaphore_mem>>, %arg14: memref<!tpu.dma_semaphore, #tpu.memory_space<semaphore_mem>>, %arg15: memref<!tpu.dma_semaphore, #tpu.memory_space<semaphore_mem>>, %arg16: memref<!tpu.dma_semaphore, #tpu.memory_space<semaphore_mem>>) attributes {dimension_semantics = [#tpu.dimension_semantics<core_parallel>, #tpu.dimension_semantics<subcore_parallel>], iteration_bounds = array<i64: 2, 16>, scalar_prefetch = 0 : i64, scratch_operands = 11 : i64, tpu.core_type = #tpu.core_type<sc_vector_subcore>, window_params = [{transform_indices = #map}, {transform_indices = #map1}, {transform_indices = #map1}, {transform_indices = #map1}]} {
    %mul3A = arith.constant 2 : i32
    %mul3A_0 = arith.muli %arg1, %mul3A : i32
    %add3A = arith.addi %mul3A_0, %arg0 : i32
    %dma_start3A = arith.constant 0 : i32
    %dma_start3A_1 = arith.constant 0 : i32
    %dma_start3A_2 = tpu.memref_slice %arg3[%add3A, %dma_start3A, %dma_start3A_1] : memref<32x80x128xi32, #tpu.memory_space<hbm>> -> memref<1x1x128xi32, #tpu.memory_space<hbm>>
    %dma_start3A_3 = tpu.memref_squeeze %dma_start3A_2 : memref<1x1x128xi32, #tpu.memory_space<hbm>> -> memref<128xi32, #tpu.memory_space<hbm>>
    %dma_start3A_4 = arith.constant 0 : i32
    %dma_start3A_5 = tpu.memref_slice %arg3[%add3A, %dma_start3A, %dma_start3A_4] : memref<32x80x128xi32, #tpu.memory_space<hbm>> -> memref<1x1x128xi32, #tpu.memory_space<hbm>>
    %dma_start3A_6 = tpu.memref_squeeze %dma_start3A_5 : memref<1x1x128xi32, #tpu.memory_space<hbm>> -> memref<128xi32, #tpu.memory_space<hbm>>
    tpu.enqueue_dma source(%dma_start3A_6 : memref<128xi32, #tpu.memory_space<hbm>>) target(%arg6 : memref<128xi32, #tpu.memory_space<vmem>>) target_semaphore(%arg13 : memref<!tpu.dma_semaphore, #tpu.memory_space<semaphore_mem>>)
    %dma_start3A_7 = arith.constant 0 : i32
    %dma_start3A_8 = arith.constant 0 : i32
    %dma_start3A_9 = tpu.memref_slice %arg4[%add3A, %dma_start3A_7, %dma_start3A_8] : memref<32x80x128xi32, #tpu.memory_space<hbm>> -> memref<1x1x128xi32, #tpu.memory_space<hbm>>
    %dma_start3A_10 = tpu.memref_squeeze %dma_start3A_9 : memref<1x1x128xi32, #tpu.memory_space<hbm>> -> memref<128xi32, #tpu.memory_space<hbm>>
    %dma_start3A_11 = arith.constant 0 : i32
    %dma_start3A_12 = tpu.memref_slice %arg4[%add3A, %dma_start3A_7, %dma_start3A_11] : memref<32x80x128xi32, #tpu.memory_space<hbm>> -> memref<1x1x128xi32, #tpu.memory_space<hbm>>
    %dma_start3A_13 = tpu.memref_squeeze %dma_start3A_12 : memref<1x1x128xi32, #tpu.memory_space<hbm>> -> memref<128xi32, #tpu.memory_space<hbm>>
    tpu.enqueue_dma source(%dma_start3A_13 : memref<128xi32, #tpu.memory_space<hbm>>) target(%arg7 : memref<128xi32, #tpu.memory_space<vmem>>) target_semaphore(%arg13 : memref<!tpu.dma_semaphore, #tpu.memory_space<semaphore_mem>>)
    %dma_start3A_14 = arith.constant 1 : i32
    %dma_start3A_15 = arith.constant 0 : i32
    %dma_start3A_16 = tpu.memref_slice %arg3[%add3A, %dma_start3A_14, %dma_start3A_15] : memref<32x80x128xi32, #tpu.memory_space<hbm>> -> memref<1x1x128xi32, #tpu.memory_space<hbm>>
    %dma_start3A_17 = tpu.memref_squeeze %dma_start3A_16 : memref<1x1x128xi32, #tpu.memory_space<hbm>> -> memref<128xi32, #tpu.memory_space<hbm>>
    %dma_start3A_18 = arith.constant 0 : i32
    %dma_start3A_19 = tpu.memref_slice %arg3[%add3A, %dma_start3A_14, %dma_start3A_18] : memref<32x80x128xi32, #tpu.memory_space<hbm>> -> memref<1x1x128xi32, #tpu.memory_space<hbm>>
    %dma_start3A_20 = tpu.memref_squeeze %dma_start3A_19 : memref<1x1x128xi32, #tpu.memory_space<hbm>> -> memref<128xi32, #tpu.memory_space<hbm>>
    tpu.enqueue_dma source(%dma_start3A_20 : memref<128xi32, #tpu.memory_space<hbm>>) target(%arg8 : memref<128xi32, #tpu.memory_space<vmem>>) target_semaphore(%arg14 : memref<!tpu.dma_semaphore, #tpu.memory_space<semaphore_mem>>)
    %dma_start3A_21 = arith.constant 1 : i32
    %dma_start3A_22 = arith.constant 0 : i32
    %dma_start3A_23 = tpu.memref_slice %arg4[%add3A, %dma_start3A_21, %dma_start3A_22] : memref<32x80x128xi32, #tpu.memory_space<hbm>> -> memref<1x1x128xi32, #tpu.memory_space<hbm>>
    %dma_start3A_24 = tpu.memref_squeeze %dma_start3A_23 : memref<1x1x128xi32, #tpu.memory_space<hbm>> -> memref<128xi32, #tpu.memory_space<hbm>>
    %dma_start3A_25 = arith.constant 0 : i32
    %dma_start3A_26 = tpu.memref_slice %arg4[%add3A, %dma_start3A_21, %dma_start3A_25] : memref<32x80x128xi32, #tpu.memory_space<hbm>> -> memref<1x1x128xi32, #tpu.memory_space<hbm>>
    %dma_start3A_27 = tpu.memref_squeeze %dma_start3A_26 : memref<1x1x128xi32, #tpu.memory_space<hbm>> -> memref<128xi32, #tpu.memory_space<hbm>>
    tpu.enqueue_dma source(%dma_start3A_27 : memref<128xi32, #tpu.memory_space<hbm>>) target(%arg9 : memref<128xi32, #tpu.memory_space<vmem>>) target_semaphore(%arg14 : memref<!tpu.dma_semaphore, #tpu.memory_space<semaphore_mem>>)
    %broadcast_in_dim3A = arith.constant 0.000000e+00 : f32
    %broadcast_in_dim3A_28 = vector.broadcast %broadcast_in_dim3A : f32 to vector<16xf32>
    %scan3A = arith.constant 0 : i32
    %scan3A_29 = arith.constant 0 : i32
    %scan3A_30 = arith.constant 128 : i32
    %scan3A_31 = arith.addi %scan3A_29, %scan3A_30 : i32
    %scan3A_32 = arith.constant 1 : i32
    scf.for %scan3A_86 = %scan3A_29 to %scan3A_31 step %scan3A_32  : i32 {
      %swap3A = arith.index_cast %scan3A_86 : i32 to index
      %swap3A_87 = arith.constant 0 : index
      %swap3A_88 = tpu.vector_load %arg10[%swap3A, %swap3A_87] {strides = array<i32>} : memref<128x128xf32, #tpu.memory_space<vmem>>, vector<1x16xf32>,
      %swap3A_89 = vector.shape_cast %swap3A_88 : vector<1x16xf32> to vector<16xf32>
      %swap3A_90 = vector.shape_cast %broadcast_in_dim3A_28 : vector<16xf32> to vector<1x16xf32>
      tpu.vector_store %arg10[%swap3A, %swap3A_87], %swap3A_90 {strides = array<i32>} : memref<128x128xf32, #tpu.memory_space<vmem>>, vector<1x16xf32>,
      %swap3A_91 = arith.index_cast %scan3A_86 : i32 to index
      %swap3A_92 = arith.constant 16 : index
      %swap3A_93 = tpu.vector_load %arg10[%swap3A_91, %swap3A_92] {strides = array<i32>} : memref<128x128xf32, #tpu.memory_space<vmem>>, vector<1x16xf32>,
      %swap3A_94 = vector.shape_cast %swap3A_93 : vector<1x16xf32> to vector<16xf32>
      %swap3A_95 = vector.shape_cast %broadcast_in_dim3A_28 : vector<16xf32> to vector<1x16xf32>
      tpu.vector_store %arg10[%swap3A_91, %swap3A_92], %swap3A_95 {strides = array<i32>} : memref<128x128xf32, #tpu.memory_space<vmem>>, vector<1x16xf32>,
      %swap3A_96 = arith.index_cast %scan3A_86 : i32 to index
      %swap3A_97 = arith.constant 32 : index
      %swap3A_98 = tpu.vector_load %arg10[%swap3A_96, %swap3A_97] {strides = array<i32>} : memref<128x128xf32, #tpu.memory_space<vmem>>, vector<1x16xf32>,
      %swap3A_99 = vector.shape_cast %swap3A_98 : vector<1x16xf32> to vector<16xf32>
      %swap3A_100 = vector.shape_cast %broadcast_in_dim3A_28 : vector<16xf32> to vector<1x16xf32>
      tpu.vector_store %arg10[%swap3A_96, %swap3A_97], %swap3A_100 {strides = array<i32>} : memref<128x128xf32, #tpu.memory_space<vmem>>, vector<1x16xf32>,
      %swap3A_101 = arith.index_cast %scan3A_86 : i32 to index
      %swap3A_102 = arith.constant 48 : index
      %swap3A_103 = tpu.vector_load %arg10[%swap3A_101, %swap3A_102] {strides = array<i32>} : memref<128x128xf32, #tpu.memory_space<vmem>>, vector<1x16xf32>,
      %swap3A_104 = vector.shape_cast %swap3A_103 : vector<1x16xf32> to vector<16xf32>
      %swap3A_105 = vector.shape_cast %broadcast_in_dim3A_28 : vector<16xf32> to vector<1x16xf32>
      tpu.vector_store %arg10[%swap3A_101, %swap3A_102], %swap3A_105 {strides = array<i32>} : memref<128x128xf32, #tpu.memory_space<vmem>>, vector<1x16xf32>,
      %swap3A_106 = arith.index_cast %scan3A_86 : i32 to index
      %swap3A_107 = arith.constant 64 : index
      %swap3A_108 = tpu.vector_load %arg10[%swap3A_106, %swap3A_107] {strides = array<i32>} : memref<128x128xf32, #tpu.memory_space<vmem>>, vector<1x16xf32>,
      %swap3A_109 = vector.shape_cast %swap3A_108 : vector<1x16xf32> to vector<16xf32>
      %swap3A_110 = vector.shape_cast %broadcast_in_dim3A_28 : vector<16xf32> to vector<1x16xf32>
      tpu.vector_store %arg10[%swap3A_106, %swap3A_107], %swap3A_110 {strides = array<i32>} : memref<128x128xf32, #tpu.memory_space<vmem>>, vector<1x16xf32>,
      %swap3A_111 = arith.index_cast %scan3A_86 : i32 to index
      %swap3A_112 = arith.constant 80 : index
      %swap3A_113 = tpu.vector_load %arg10[%swap3A_111, %swap3A_112] {strides = array<i32>} : memref<128x128xf32, #tpu.memory_space<vmem>>, vector<1x16xf32>,
      %swap3A_114 = vector.shape_cast %swap3A_113 : vector<1x16xf32> to vector<16xf32>
      %swap3A_115 = vector.shape_cast %broadcast_in_dim3A_28 : vector<16xf32> to vector<1x16xf32>
      tpu.vector_store %arg10[%swap3A_111, %swap3A_112], %swap3A_115 {strides = array<i32>} : memref<128x128xf32, #tpu.memory_space<vmem>>, vector<1x16xf32>,
      %swap3A_116 = arith.index_cast %scan3A_86 : i32 to index
      %swap3A_117 = arith.constant 96 : index
      %swap3A_118 = tpu.vector_load %arg10[%swap3A_116, %swap3A_117] {strides = array<i32>} : memref<128x128xf32, #tpu.memory_space<vmem>>, vector<1x16xf32>,
      %swap3A_119 = vector.shape_cast %swap3A_118 : vector<1x16xf32> to vector<16xf32>
      %swap3A_120 = vector.shape_cast %broadcast_in_dim3A_28 : vector<16xf32> to vector<1x16xf32>
      tpu.vector_store %arg10[%swap3A_116, %swap3A_117], %swap3A_120 {strides = array<i32>} : memref<128x128xf32, #tpu.memory_space<vmem>>, vector<1x16xf32>,
      %swap3A_121 = arith.index_cast %scan3A_86 : i32 to index
      %swap3A_122 = arith.constant 112 : index
      %swap3A_123 = tpu.vector_load %arg10[%swap3A_121, %swap3A_122] {strides = array<i32>} : memref<128x128xf32, #tpu.memory_space<vmem>>, vector<1x16xf32>,
      %swap3A_124 = vector.shape_cast %swap3A_123 : vector<1x16xf32> to vector<16xf32>
      %swap3A_125 = vector.shape_cast %broadcast_in_dim3A_28 : vector<16xf32> to vector<1x16xf32>
      tpu.vector_store %arg10[%swap3A_121, %swap3A_122], %swap3A_125 {strides = array<i32>} : memref<128x128xf32, #tpu.memory_space<vmem>>, vector<1x16xf32>,
    }
    %scan3A_33 = arith.constant 128 : i32
    %mul3A_34 = arith.constant 640 : i32
    %mul3A_35 = arith.muli %arg1, %mul3A_34 : i32
    %add3A_36 = arith.constant 0 : i32
    %add3A_37 = arith.addi %mul3A_35, %add3A_36 : i32
    "tpu.region"() ({
      %run_scoped3A = tpu.sem_alloc : memref<!tpu.dma_semaphore, #tpu.memory_space<semaphore_mem>>
      %dma_start3A_86 = arith.constant 0 : i32
      %dma_start3A_87 = tpu.memref_slice %arg12[%add3A_37, %dma_start3A_86] : memref<10240x128xf32, #tpu.memory_space<vmem_shared>> -> memref<128x128xf32, #tpu.memory_space<vmem_shared>>
      %dma_start3A_88 = arith.constant 0 : i32
      %dma_start3A_89 = tpu.memref_slice %arg12[%add3A_37, %dma_start3A_88] : memref<10240x128xf32, #tpu.memory_space<vmem_shared>> -> memref<128x128xf32, #tpu.memory_space<vmem_shared>>
      tpu.enqueue_dma source(%arg10 : memref<128x128xf32, #tpu.memory_space<vmem>>) target(%dma_start3A_89 : memref<128x128xf32, #tpu.memory_space<vmem_shared>>) target_semaphore(%run_scoped3A : memref<!tpu.dma_semaphore, #tpu.memory_space<semaphore_mem>>)
      %dma_wait3A_90 = arith.constant 0 : i32
      %dma_wait3A_91 = tpu.memref_slice %arg12[%add3A_37, %dma_wait3A_90] : memref<10240x128xf32, #tpu.memory_space<vmem_shared>> -> memref<128x128xf32, #tpu.memory_space<vmem_shared>>
      %dma_wait3A_92 = arith.constant 0 : i32
      %dma_wait3A_93 = tpu.memref_slice %arg12[%add3A_37, %dma_wait3A_92] : memref<10240x128xf32, #tpu.memory_space<vmem_shared>> -> memref<128x128xf32, #tpu.memory_space<vmem_shared>>
      tpu.wait_dma2 semaphore(%run_scoped3A : memref<!tpu.dma_semaphore, #tpu.memory_space<semaphore_mem>>) src(%arg10 : memref<128x128xf32, #tpu.memory_space<vmem>>) dst(%dma_wait3A_93 : memref<128x128xf32, #tpu.memory_space<vmem_shared>>)
      tpu.yield
    }) : () -> ()
    %add3A_38 = arith.constant 128 : i32
    %add3A_39 = arith.addi %mul3A_35, %add3A_38 : i32
    "tpu.region"() ({
      %run_scoped3A = tpu.sem_alloc : memref<!tpu.dma_semaphore, #tpu.memory_space<semaphore_mem>>
      %dma_start3A_86 = arith.constant 0 : i32
      %dma_start3A_87 = tpu.memref_slice %arg12[%add3A_39, %dma_start3A_86] : memref<10240x128xf32, #tpu.memory_space<vmem_shared>> -> memref<128x128xf32, #tpu.memory_space<vmem_shared>>
      %dma_start3A_88 = arith.constant 0 : i32
      %dma_start3A_89 = tpu.memref_slice %arg12[%add3A_39, %dma_start3A_88] : memref<10240x128xf32, #tpu.memory_space<vmem_shared>> -> memref<128x128xf32, #tpu.memory_space<vmem_shared>>
      tpu.enqueue_dma source(%arg10 : memref<128x128xf32, #tpu.memory_space<vmem>>) target(%dma_start3A_89 : memref<128x128xf32, #tpu.memory_space<vmem_shared>>) target_semaphore(%run_scoped3A : memref<!tpu.dma_semaphore, #tpu.memory_space<semaphore_mem>>)
      %dma_wait3A_90 = arith.constant 0 : i32
      %dma_wait3A_91 = tpu.memref_slice %arg12[%add3A_39, %dma_wait3A_90] : memref<10240x128xf32, #tpu.memory_space<vmem_shared>> -> memref<128x128xf32, #tpu.memory_space<vmem_shared>>
      %dma_wait3A_92 = arith.constant 0 : i32
      %dma_wait3A_93 = tpu.memref_slice %arg12[%add3A_39, %dma_wait3A_92] : memref<10240x128xf32, #tpu.memory_space<vmem_shared>> -> memref<128x128xf32, #tpu.memory_space<vmem_shared>>
      tpu.wait_dma2 semaphore(%run_scoped3A : memref<!tpu.dma_semaphore, #tpu.memory_space<semaphore_mem>>) src(%arg10 : memref<128x128xf32, #tpu.memory_space<vmem>>) dst(%dma_wait3A_93 : memref<128x128xf32, #tpu.memory_space<vmem_shared>>)
      tpu.yield
    }) : () -> ()
    %add3A_40 = arith.constant 256 : i32
    %add3A_41 = arith.addi %mul3A_35, %add3A_40 : i32
    "tpu.region"() ({
      %run_scoped3A = tpu.sem_alloc : memref<!tpu.dma_semaphore, #tpu.memory_space<semaphore_mem>>
      %dma_start3A_86 = arith.constant 0 : i32
      %dma_start3A_87 = tpu.memref_slice %arg12[%add3A_41, %dma_start3A_86] : memref<10240x128xf32, #tpu.memory_space<vmem_shared>> -> memref<128x128xf32, #tpu.memory_space<vmem_shared>>
      %dma_start3A_88 = arith.constant 0 : i32
      %dma_start3A_89 = tpu.memref_slice %arg12[%add3A_41, %dma_start3A_88] : memref<10240x128xf32, #tpu.memory_space<vmem_shared>> -> memref<128x128xf32, #tpu.memory_space<vmem_shared>>
      tpu.enqueue_dma source(%arg10 : memref<128x128xf32, #tpu.memory_space<vmem>>) target(%dma_start3A_89 : memref<128x128xf32, #tpu.memory_space<vmem_shared>>) target_semaphore(%run_scoped3A : memref<!tpu.dma_semaphore, #tpu.memory_space<semaphore_mem>>)
      %dma_wait3A_90 = arith.constant 0 : i32
      %dma_wait3A_91 = tpu.memref_slice %arg12[%add3A_41, %dma_wait3A_90] : memref<10240x128xf32, #tpu.memory_space<vmem_shared>> -> memref<128x128xf32, #tpu.memory_space<vmem_shared>>
      %dma_wait3A_92 = arith.constant 0 : i32
      %dma_wait3A_93 = tpu.memref_slice %arg12[%add3A_41, %dma_wait3A_92] : memref<10240x128xf32, #tpu.memory_space<vmem_shared>> -> memref<128x128xf32, #tpu.memory_space<vmem_shared>>
      tpu.wait_dma2 semaphore(%run_scoped3A : memref<!tpu.dma_semaphore, #tpu.memory_space<semaphore_mem>>) src(%arg10 : memref<128x128xf32, #tpu.memory_space<vmem>>) dst(%dma_wait3A_93 : memref<128x128xf32, #tpu.memory_space<vmem_shared>>)
      tpu.yield
    }) : () -> ()
    %add3A_42 = arith.constant 384 : i32
    %add3A_43 = arith.addi %mul3A_35, %add3A_42 : i32
    "tpu.region"() ({
      %run_scoped3A = tpu.sem_alloc : memref<!tpu.dma_semaphore, #tpu.memory_space<semaphore_mem>>
      %dma_start3A_86 = arith.constant 0 : i32
      %dma_start3A_87 = tpu.memref_slice %arg12[%add3A_43, %dma_start3A_86] : memref<10240x128xf32, #tpu.memory_space<vmem_shared>> -> memref<128x128xf32, #tpu.memory_space<vmem_shared>>
      %dma_start3A_88 = arith.constant 0 : i32
      %dma_start3A_89 = tpu.memref_slice %arg12[%add3A_43, %dma_start3A_88] : memref<10240x128xf32, #tpu.memory_space<vmem_shared>> -> memref<128x128xf32, #tpu.memory_space<vmem_shared>>
      tpu.enqueue_dma source(%arg10 : memref<128x128xf32, #tpu.memory_space<vmem>>) target(%dma_start3A_89 : memref<128x128xf32, #tpu.memory_space<vmem_shared>>) target_semaphore(%run_scoped3A : memref<!tpu.dma_semaphore, #tpu.memory_space<semaphore_mem>>)
      %dma_wait3A_90 = arith.constant 0 : i32
      %dma_wait3A_91 = tpu.memref_slice %arg12[%add3A_43, %dma_wait3A_90] : memref<10240x128xf32, #tpu.memory_space<vmem_shared>> -> memref<128x128xf32, #tpu.memory_space<vmem_shared>>
      %dma_wait3A_92 = arith.constant 0 : i32
      %dma_wait3A_93 = tpu.memref_slice %arg12[%add3A_43, %dma_wait3A_92] : memref<10240x128xf32, #tpu.memory_space<vmem_shared>> -> memref<128x128xf32, #tpu.memory_space<vmem_shared>>
      tpu.wait_dma2 semaphore(%run_scoped3A : memref<!tpu.dma_semaphore, #tpu.memory_space<semaphore_mem>>) src(%arg10 : memref<128x128xf32, #tpu.memory_space<vmem>>) dst(%dma_wait3A_93 : memref<128x128xf32, #tpu.memory_space<vmem_shared>>)
      tpu.yield
    }) : () -> ()
    %add3A_44 = arith.constant 512 : i32
    %add3A_45 = arith.addi %mul3A_35, %add3A_44 : i32
    "tpu.region"() ({
      %run_scoped3A = tpu.sem_alloc : memref<!tpu.dma_semaphore, #tpu.memory_space<semaphore_mem>>
      %dma_start3A_86 = arith.constant 0 : i32
      %dma_start3A_87 = tpu.memref_slice %arg12[%add3A_45, %dma_start3A_86] : memref<10240x128xf32, #tpu.memory_space<vmem_shared>> -> memref<128x128xf32, #tpu.memory_space<vmem_shared>>
      %dma_start3A_88 = arith.constant 0 : i32
      %dma_start3A_89 = tpu.memref_slice %arg12[%add3A_45, %dma_start3A_88] : memref<10240x128xf32, #tpu.memory_space<vmem_shared>> -> memref<128x128xf32, #tpu.memory_space<vmem_shared>>
      tpu.enqueue_dma source(%arg10 : memref<128x128xf32, #tpu.memory_space<vmem>>) target(%dma_start3A_89 : memref<128x128xf32, #tpu.memory_space<vmem_shared>>) target_semaphore(%run_scoped3A : memref<!tpu.dma_semaphore, #tpu.memory_space<semaphore_mem>>)
      %dma_wait3A_90 = arith.constant 0 : i32
      %dma_wait3A_91 = tpu.memref_slice %arg12[%add3A_45, %dma_wait3A_90] : memref<10240x128xf32, #tpu.memory_space<vmem_shared>> -> memref<128x128xf32, #tpu.memory_space<vmem_shared>>
      %dma_wait3A_92 = arith.constant 0 : i32
      %dma_wait3A_93 = tpu.memref_slice %arg12[%add3A_45, %dma_wait3A_92] : memref<10240x128xf32, #tpu.memory_space<vmem_shared>> -> memref<128x128xf32, #tpu.memory_space<vmem_shared>>
      tpu.wait_dma2 semaphore(%run_scoped3A : memref<!tpu.dma_semaphore, #tpu.memory_space<semaphore_mem>>) src(%arg10 : memref<128x128xf32, #tpu.memory_space<vmem>>) dst(%dma_wait3A_93 : memref<128x128xf32, #tpu.memory_space<vmem_shared>>)
      tpu.yield
    }) : () -> ()
    %dma_wait3A = arith.constant 0 : i32
    %dma_wait3A_46 = arith.constant 0 : i32
    %dma_wait3A_47 = tpu.memref_slice %arg3[%add3A, %dma_wait3A, %dma_wait3A_46] : memref<32x80x128xi32, #tpu.memory_space<hbm>> -> memref<1x1x128xi32, #tpu.memory_space<hbm>>
    %dma_wait3A_48 = tpu.memref_squeeze %dma_wait3A_47 : memref<1x1x128xi32, #tpu.memory_space<hbm>> -> memref<128xi32, #tpu.memory_space<hbm>>
    %dma_wait3A_49 = arith.constant 0 : i32
    %dma_wait3A_50 = tpu.memref_slice %arg3[%add3A, %dma_wait3A, %dma_wait3A_49] : memref<32x80x128xi32, #tpu.memory_space<hbm>> -> memref<1x1x128xi32, #tpu.memory_space<hbm>>
    %dma_wait3A_51 = tpu.memref_squeeze %dma_wait3A_50 : memref<1x1x128xi32, #tpu.memory_space<hbm>> -> memref<128xi32, #tpu.memory_space<hbm>>
    tpu.wait_dma2 semaphore(%arg13 : memref<!tpu.dma_semaphore, #tpu.memory_space<semaphore_mem>>) src(%dma_wait3A_51 : memref<128xi32, #tpu.memory_space<hbm>>) dst(%arg6 : memref<128xi32, #tpu.memory_space<vmem>>)
    %dma_wait3A_52 = arith.constant 0 : i32
    %dma_wait3A_53 = arith.constant 0 : i32
    %dma_wait3A_54 = tpu.memref_slice %arg4[%add3A, %dma_wait3A_52, %dma_wait3A_53] : memref<32x80x128xi32, #tpu.memory_space<hbm>> -> memref<1x1x128xi32, #tpu.memory_space<hbm>>
    %dma_wait3A_55 = tpu.memref_squeeze %dma_wait3A_54 : memref<1x1x128xi32, #tpu.memory_space<hbm>> -> memref<128xi32, #tpu.memory_space<hbm>>
    %dma_wait3A_56 = arith.constant 0 : i32
    %dma_wait3A_57 = tpu.memref_slice %arg4[%add3A, %dma_wait3A_52, %dma_wait3A_56] : memref<32x80x128xi32, #tpu.memory_space<hbm>> -> memref<1x1x128xi32, #tpu.memory_space<hbm>>
    %dma_wait3A_58 = tpu.memref_squeeze %dma_wait3A_57 : memref<1x1x128xi32, #tpu.memory_space<hbm>> -> memref<128xi32, #tpu.memory_space<hbm>>
    tpu.wait_dma2 semaphore(%arg13 : memref<!tpu.dma_semaphore, #tpu.memory_space<semaphore_mem>>) src(%dma_wait3A_58 : memref<128xi32, #tpu.memory_space<hbm>>) dst(%arg7 : memref<128xi32, #tpu.memory_space<vmem>>)
    %dma_start3A_59 = arith.constant 0 : i32
    %dma_start3A_60 = arith.constant 0 : i32
    %dma_start3A_61 = tpu.memref_slice %arg2[%dma_start3A_59, %dma_start3A_60] : memref<10000x128xf32, #tpu.memory_space<hbm>> -> memref<10000x128xf32, #tpu.memory_space<hbm>>
    tpu.enqueue_indirect_dma source(%dma_start3A_61 : memref<10000x128xf32, #tpu.memory_space<hbm>>) target(%arg10 : memref<128x128xf32, #tpu.memory_space<vmem>>) offsets(%arg6 : memref<128xi32, #tpu.memory_space<vmem>>) semaphore(%arg15 : memref<!tpu.dma_semaphore, #tpu.memory_space<semaphore_mem>>)
    %barrier3A = arith.constant 0 : index
    tpu.barrier barrier_id(%barrier3A)
    %scan3A_62 = arith.constant 0 : i32
    %scan3A_63 = arith.constant 0 : i32
    %scan3A_64 = arith.constant 40 : i32
    %scan3A_65 = arith.addi %scan3A_63, %scan3A_64 : i32
    %scan3A_66 = arith.constant 1 : i32
    scf.for %scan3A_86 = %scan3A_63 to %scan3A_65 step %scan3A_66  : i32 {
      %mul3A_87 = arith.constant 2 : i32
      %mul3A_88 = arith.muli %mul3A_87, %scan3A_86 : i32
      %add3A_89 = arith.constant 1 : i32
      %add3A_90 = arith.addi %mul3A_88, %add3A_89 : i32
      %dma_wait3A_91 = arith.constant 0 : i32
      %dma_wait3A_92 = tpu.memref_slice %arg3[%add3A, %add3A_90, %dma_wait3A_91] : memref<32x80x128xi32, #tpu.memory_space<hbm>> -> memref<1x1x128xi32, #tpu.memory_space<hbm>>
      %dma_wait3A_93 = tpu.memref_squeeze %dma_wait3A_92 : memref<1x1x128xi32, #tpu.memory_space<hbm>> -> memref<128xi32, #tpu.memory_space<hbm>>
      %dma_wait3A_94 = arith.constant 0 : i32
      %dma_wait3A_95 = tpu.memref_slice %arg3[%add3A, %add3A_90, %dma_wait3A_94] : memref<32x80x128xi32, #tpu.memory_space<hbm>> -> memref<1x1x128xi32, #tpu.memory_space<hbm>>
      %dma_wait3A_96 = tpu.memref_squeeze %dma_wait3A_95 : memref<1x1x128xi32, #tpu.memory_space<hbm>> -> memref<128xi32, #tpu.memory_space<hbm>>
      tpu.wait_dma2 semaphore(%arg14 : memref<!tpu.dma_semaphore, #tpu.memory_space<semaphore_mem>>) src(%dma_wait3A_96 : memref<128xi32, #tpu.memory_space<hbm>>) dst(%arg8 : memref<128xi32, #tpu.memory_space<vmem>>)
      %dma_wait3A_97 = arith.constant 0 : i32
      %dma_wait3A_98 = tpu.memref_slice %arg4[%add3A, %add3A_90, %dma_wait3A_97] : memref<32x80x128xi32, #tpu.memory_space<hbm>> -> memref<1x1x128xi32, #tpu.memory_space<hbm>>
      %dma_wait3A_99 = tpu.memref_squeeze %dma_wait3A_98 : memref<1x1x128xi32, #tpu.memory_space<hbm>> -> memref<128xi32, #tpu.memory_space<hbm>>
      %dma_wait3A_100 = arith.constant 0 : i32
      %dma_wait3A_101 = tpu.memref_slice %arg4[%add3A, %add3A_90, %dma_wait3A_100] : memref<32x80x128xi32, #tpu.memory_space<hbm>> -> memref<1x1x128xi32, #tpu.memory_space<hbm>>
      %dma_wait3A_102 = tpu.memref_squeeze %dma_wait3A_101 : memref<1x1x128xi32, #tpu.memory_space<hbm>> -> memref<128xi32, #tpu.memory_space<hbm>>
      tpu.wait_dma2 semaphore(%arg14 : memref<!tpu.dma_semaphore, #tpu.memory_space<semaphore_mem>>) src(%dma_wait3A_102 : memref<128xi32, #tpu.memory_space<hbm>>) dst(%arg9 : memref<128xi32, #tpu.memory_space<vmem>>)
      %dma_start3A_103 = arith.constant 0 : i32
      %dma_start3A_104 = arith.constant 0 : i32
      %dma_start3A_105 = tpu.memref_slice %arg2[%dma_start3A_103, %dma_start3A_104] : memref<10000x128xf32, #tpu.memory_space<hbm>> -> memref<10000x128xf32, #tpu.memory_space<hbm>>
      tpu.enqueue_indirect_dma source(%dma_start3A_105 : memref<10000x128xf32, #tpu.memory_space<hbm>>) target(%arg11 : memref<128x128xf32, #tpu.memory_space<vmem>>) offsets(%arg8 : memref<128xi32, #tpu.memory_space<vmem>>) semaphore(%arg16 : memref<!tpu.dma_semaphore, #tpu.memory_space<semaphore_mem>>)
      %dma_wait3A_106 = arith.constant 0 : i32
      %dma_wait3A_107 = arith.constant 0 : i32
      %dma_wait3A_108 = tpu.memref_slice %arg2[%dma_wait3A_106, %dma_wait3A_107] : memref<10000x128xf32, #tpu.memory_space<hbm>> -> memref<10000x128xf32, #tpu.memory_space<hbm>>
      tpu.wait_indirect_dma semaphore(%arg15 : memref<!tpu.dma_semaphore, #tpu.memory_space<semaphore_mem>>) src(%dma_wait3A_108 : memref<10000x128xf32, #tpu.memory_space<hbm>>) dst(%arg10 : memref<128x128xf32, #tpu.memory_space<vmem>>)
      "tpu.region"() ({
        %run_scoped3A = tpu.sem_alloc : memref<!tpu.dma_semaphore, #tpu.memory_space<semaphore_mem>>
        %dma_start3A_158 = arith.constant 0 : i32
        %dma_start3A_159 = arith.constant 0 : i32
        %dma_start3A_160 = tpu.memref_slice %arg12[%dma_start3A_158, %dma_start3A_159] : memref<10240x128xf32, #tpu.memory_space<vmem_shared>> -> memref<10240x128xf32, #tpu.memory_space<vmem_shared>>
        tpu.enqueue_indirect_dma source(%arg10 : memref<128x128xf32, #tpu.memory_space<vmem>>) target(%dma_start3A_160 : memref<10240x128xf32, #tpu.memory_space<vmem_shared>>) offsets(%arg7 : memref<128xi32, #tpu.memory_space<vmem>>) semaphore(%run_scoped3A : memref<!tpu.dma_semaphore, #tpu.memory_space<semaphore_mem>>) {add = true}
        %dma_wait3A_161 = arith.constant 0 : i32
        %dma_wait3A_162 = arith.constant 0 : i32
        %dma_wait3A_163 = tpu.memref_slice %arg12[%dma_wait3A_161, %dma_wait3A_162] : memref<10240x128xf32, #tpu.memory_space<vmem_shared>> -> memref<10240x128xf32, #tpu.memory_space<vmem_shared>>
        tpu.wait_indirect_dma semaphore(%run_scoped3A : memref<!tpu.dma_semaphore, #tpu.memory_space<semaphore_mem>>) src(%arg10 : memref<128x128xf32, #tpu.memory_space<vmem>>) dst(%dma_wait3A_163 : memref<10240x128xf32, #tpu.memory_space<vmem_shared>>)
        tpu.yield
      }) : () -> ()
      %add3A_109 = arith.constant 2 : i32
      %add3A_110 = arith.addi %mul3A_88, %add3A_109 : i32
      %min3A = arith.constant 79 : i32
      %min3A_111 = arith.minsi %add3A_110, %min3A : i32
      %dma_start3A_112 = arith.constant 0 : i32
      %dma_start3A_113 = tpu.memref_slice %arg3[%add3A, %min3A_111, %dma_start3A_112] : memref<32x80x128xi32, #tpu.memory_space<hbm>> -> memref<1x1x128xi32, #tpu.memory_space<hbm>>
      %dma_start3A_114 = tpu.memref_squeeze %dma_start3A_113 : memref<1x1x128xi32, #tpu.memory_space<hbm>> -> memref<128xi32, #tpu.memory_space<hbm>>
      %dma_start3A_115 = arith.constant 0 : i32
      %dma_start3A_116 = tpu.memref_slice %arg3[%add3A, %min3A_111, %dma_start3A_115] : memref<32x80x128xi32, #tpu.memory_space<hbm>> -> memref<1x1x128xi32, #tpu.memory_space<hbm>>
      %dma_start3A_117 = tpu.memref_squeeze %dma_start3A_116 : memref<1x1x128xi32, #tpu.memory_space<hbm>> -> memref<128xi32, #tpu.memory_space<hbm>>
      tpu.enqueue_dma source(%dma_start3A_117 : memref<128xi32, #tpu.memory_space<hbm>>) target(%arg6 : memref<128xi32, #tpu.memory_space<vmem>>) target_semaphore(%arg13 : memref<!tpu.dma_semaphore, #tpu.memory_space<semaphore_mem>>)
      %dma_start3A_118 = arith.constant 0 : i32
      %dma_start3A_119 = tpu.memref_slice %arg4[%add3A, %min3A_111, %dma_start3A_118] : memref<32x80x128xi32, #tpu.memory_space<hbm>> -> memref<1x1x128xi32, #tpu.memory_space<hbm>>
      %dma_start3A_120 = tpu.memref_squeeze %dma_start3A_119 : memref<1x1x128xi32, #tpu.memory_space<hbm>> -> memref<128xi32, #tpu.memory_space<hbm>>
      %dma_start3A_121 = arith.constant 0 : i32
      %dma_start3A_122 = tpu.memref_slice %arg4[%add3A, %min3A_111, %dma_start3A_121] : memref<32x80x128xi32, #tpu.memory_space<hbm>> -> memref<1x1x128xi32, #tpu.memory_space<hbm>>
      %dma_start3A_123 = tpu.memref_squeeze %dma_start3A_122 : memref<1x1x128xi32, #tpu.memory_space<hbm>> -> memref<128xi32, #tpu.memory_space<hbm>>
      tpu.enqueue_dma source(%dma_start3A_123 : memref<128xi32, #tpu.memory_space<hbm>>) target(%arg7 : memref<128xi32, #tpu.memory_space<vmem>>) target_semaphore(%arg13 : memref<!tpu.dma_semaphore, #tpu.memory_space<semaphore_mem>>)
      %dma_wait3A_124 = arith.constant 0 : i32
      %dma_wait3A_125 = arith.constant 0 : i32
      %dma_wait3A_126 = tpu.memref_slice %arg2[%dma_wait3A_124, %dma_wait3A_125] : memref<10000x128xf32, #tpu.memory_space<hbm>> -> memref<10000x128xf32, #tpu.memory_space<hbm>>
      tpu.wait_indirect_dma semaphore(%arg16 : memref<!tpu.dma_semaphore, #tpu.memory_space<semaphore_mem>>) src(%dma_wait3A_126 : memref<10000x128xf32, #tpu.memory_space<hbm>>) dst(%arg11 : memref<128x128xf32, #tpu.memory_space<vmem>>)
      %dma_wait3A_127 = arith.constant 0 : i32
      %dma_wait3A_128 = tpu.memref_slice %arg3[%add3A, %min3A_111, %dma_wait3A_127] : memref<32x80x128xi32, #tpu.memory_space<hbm>> -> memref<1x1x128xi32, #tpu.memory_space<hbm>>
      %dma_wait3A_129 = tpu.memref_squeeze %dma_wait3A_128 : memref<1x1x128xi32, #tpu.memory_space<hbm>> -> memref<128xi32, #tpu.memory_space<hbm>>
      %dma_wait3A_130 = arith.constant 0 : i32
      %dma_wait3A_131 = tpu.memref_slice %arg3[%add3A, %min3A_111, %dma_wait3A_130] : memref<32x80x128xi32, #tpu.memory_space<hbm>> -> memref<1x1x128xi32, #tpu.memory_space<hbm>>
      %dma_wait3A_132 = tpu.memref_squeeze %dma_wait3A_131 : memref<1x1x128xi32, #tpu.memory_space<hbm>> -> memref<128xi32, #tpu.memory_space<hbm>>
      tpu.wait_dma2 semaphore(%arg13 : memref<!tpu.dma_semaphore, #tpu.memory_space<semaphore_mem>>) src(%dma_wait3A_132 : memref<128xi32, #tpu.memory_space<hbm>>) dst(%arg6 : memref<128xi32, #tpu.memory_space<vmem>>)
      %dma_wait3A_133 = arith.constant 0 : i32
      %dma_wait3A_134 = tpu.memref_slice %arg4[%add3A, %min3A_111, %dma_wait3A_133] : memref<32x80x128xi32, #tpu.memory_space<hbm>> -> memref<1x1x128xi32, #tpu.memory_space<hbm>>
      %dma_wait3A_135 = tpu.memref_squeeze %dma_wait3A_134 : memref<1x1x128xi32, #tpu.memory_space<hbm>> -> memref<128xi32, #tpu.memory_space<hbm>>
      %dma_wait3A_136 = arith.constant 0 : i32
      %dma_wait3A_137 = tpu.memref_slice %arg4[%add3A, %min3A_111, %dma_wait3A_136] : memref<32x80x128xi32, #tpu.memory_space<hbm>> -> memref<1x1x128xi32, #tpu.memory_space<hbm>>
      %dma_wait3A_138 = tpu.memref_squeeze %dma_wait3A_137 : memref<1x1x128xi32, #tpu.memory_space<hbm>> -> memref<128xi32, #tpu.memory_space<hbm>>
      tpu.wait_dma2 semaphore(%arg13 : memref<!tpu.dma_semaphore, #tpu.memory_space<semaphore_mem>>) src(%dma_wait3A_138 : memref<128xi32, #tpu.memory_space<hbm>>) dst(%arg7 : memref<128xi32, #tpu.memory_space<vmem>>)
      %dma_start3A_139 = arith.constant 0 : i32
      %dma_start3A_140 = arith.constant 0 : i32
      %dma_start3A_141 = tpu.memref_slice %arg2[%dma_start3A_139, %dma_start3A_140] : memref<10000x128xf32, #tpu.memory_space<hbm>> -> memref<10000x128xf32, #tpu.memory_space<hbm>>
      tpu.enqueue_indirect_dma source(%dma_start3A_141 : memref<10000x128xf32, #tpu.memory_space<hbm>>) target(%arg10 : memref<128x128xf32, #tpu.memory_space<vmem>>) offsets(%arg6 : memref<128xi32, #tpu.memory_space<vmem>>) semaphore(%arg15 : memref<!tpu.dma_semaphore, #tpu.memory_space<semaphore_mem>>)
      "tpu.region"() ({
        %run_scoped3A = tpu.sem_alloc : memref<!tpu.dma_semaphore, #tpu.memory_space<semaphore_mem>>
        %dma_start3A_158 = arith.constant 0 : i32
        %dma_start3A_159 = arith.constant 0 : i32
        %dma_start3A_160 = tpu.memref_slice %arg12[%dma_start3A_158, %dma_start3A_159] : memref<10240x128xf32, #tpu.memory_space<vmem_shared>> -> memref<10240x128xf32, #tpu.memory_space<vmem_shared>>
        tpu.enqueue_indirect_dma source(%arg11 : memref<128x128xf32, #tpu.memory_space<vmem>>) target(%dma_start3A_160 : memref<10240x128xf32, #tpu.memory_space<vmem_shared>>) offsets(%arg9 : memref<128xi32, #tpu.memory_space<vmem>>) semaphore(%run_scoped3A : memref<!tpu.dma_semaphore, #tpu.memory_space<semaphore_mem>>) {add = true}
        %dma_wait3A_161 = arith.constant 0 : i32
        %dma_wait3A_162 = arith.constant 0 : i32
        %dma_wait3A_163 = tpu.memref_slice %arg12[%dma_wait3A_161, %dma_wait3A_162] : memref<10240x128xf32, #tpu.memory_space<vmem_shared>> -> memref<10240x128xf32, #tpu.memory_space<vmem_shared>>
        tpu.wait_indirect_dma semaphore(%run_scoped3A : memref<!tpu.dma_semaphore, #tpu.memory_space<semaphore_mem>>) src(%arg11 : memref<128x128xf32, #tpu.memory_space<vmem>>) dst(%dma_wait3A_163 : memref<10240x128xf32, #tpu.memory_space<vmem_shared>>)
        tpu.yield
      }) : () -> ()
      %add3A_142 = arith.constant 3 : i32
      %add3A_143 = arith.addi %mul3A_88, %add3A_142 : i32
      %min3A_144 = arith.constant 79 : i32
      %min3A_145 = arith.minsi %add3A_143, %min3A_144 : i32
      %dma_start3A_146 = arith.constant 0 : i32
      %dma_start3A_147 = tpu.memref_slice %arg3[%add3A, %min3A_145, %dma_start3A_146] : memref<32x80x128xi32, #tpu.memory_space<hbm>> -> memref<1x1x128xi32, #tpu.memory_space<hbm>>
      %dma_start3A_148 = tpu.memref_squeeze %dma_start3A_147 : memref<1x1x128xi32, #tpu.memory_space<hbm>> -> memref<128xi32, #tpu.memory_space<hbm>>
      %dma_start3A_149 = arith.constant 0 : i32
      %dma_start3A_150 = tpu.memref_slice %arg3[%add3A, %min3A_145, %dma_start3A_149] : memref<32x80x128xi32, #tpu.memory_space<hbm>> -> memref<1x1x128xi32, #tpu.memory_space<hbm>>
      %dma_start3A_151 = tpu.memref_squeeze %dma_start3A_150 : memref<1x1x128xi32, #tpu.memory_space<hbm>> -> memref<128xi32, #tpu.memory_space<hbm>>
      tpu.enqueue_dma source(%dma_start3A_151 : memref<128xi32, #tpu.memory_space<hbm>>) target(%arg8 : memref<128xi32, #tpu.memory_space<vmem>>) target_semaphore(%arg14 : memref<!tpu.dma_semaphore, #tpu.memory_space<semaphore_mem>>)
      %dma_start3A_152 = arith.constant 0 : i32
      %dma_start3A_153 = tpu.memref_slice %arg4[%add3A, %min3A_145, %dma_start3A_152] : memref<32x80x128xi32, #tpu.memory_space<hbm>> -> memref<1x1x128xi32, #tpu.memory_space<hbm>>
      %dma_start3A_154 = tpu.memref_squeeze %dma_start3A_153 : memref<1x1x128xi32, #tpu.memory_space<hbm>> -> memref<128xi32, #tpu.memory_space<hbm>>
      %dma_start3A_155 = arith.constant 0 : i32
      %dma_start3A_156 = tpu.memref_slice %arg4[%add3A, %min3A_145, %dma_start3A_155] : memref<32x80x128xi32, #tpu.memory_space<hbm>> -> memref<1x1x128xi32, #tpu.memory_space<hbm>>
      %dma_start3A_157 = tpu.memref_squeeze %dma_start3A_156 : memref<1x1x128xi32, #tpu.memory_space<hbm>> -> memref<128xi32, #tpu.memory_space<hbm>>
      tpu.enqueue_dma source(%dma_start3A_157 : memref<128xi32, #tpu.memory_space<hbm>>) target(%arg9 : memref<128xi32, #tpu.memory_space<vmem>>) target_semaphore(%arg14 : memref<!tpu.dma_semaphore, #tpu.memory_space<semaphore_mem>>)
    }
    %scan3A_67 = arith.constant 40 : i32
    %dma_wait3A_68 = arith.constant 0 : i32
    %dma_wait3A_69 = arith.constant 0 : i32
    %dma_wait3A_70 = tpu.memref_slice %arg2[%dma_wait3A_68, %dma_wait3A_69] : memref<10000x128xf32, #tpu.memory_space<hbm>> -> memref<10000x128xf32, #tpu.memory_space<hbm>>
    tpu.wait_indirect_dma semaphore(%arg15 : memref<!tpu.dma_semaphore, #tpu.memory_space<semaphore_mem>>) src(%dma_wait3A_70 : memref<10000x128xf32, #tpu.memory_space<hbm>>) dst(%arg10 : memref<128x128xf32, #tpu.memory_space<vmem>>)
    %dma_wait3A_71 = arith.constant 79 : i32
    %dma_wait3A_72 = arith.constant 0 : i32
    %dma_wait3A_73 = tpu.memref_slice %arg3[%add3A, %dma_wait3A_71, %dma_wait3A_72] : memref<32x80x128xi32, #tpu.memory_space<hbm>> -> memref<1x1x128xi32, #tpu.memory_space<hbm>>
    %dma_wait3A_74 = tpu.memref_squeeze %dma_wait3A_73 : memref<1x1x128xi32, #tpu.memory_space<hbm>> -> memref<128xi32, #tpu.memory_space<hbm>>
    %dma_wait3A_75 = arith.constant 0 : i32
    %dma_wait3A_76 = tpu.memref_slice %arg3[%add3A, %dma_wait3A_71, %dma_wait3A_75] : memref<32x80x128xi32, #tpu.memory_space<hbm>> -> memref<1x1x128xi32, #tpu.memory_space<hbm>>
    %dma_wait3A_77 = tpu.memref_squeeze %dma_wait3A_76 : memref<1x1x128xi32, #tpu.memory_space<hbm>> -> memref<128xi32, #tpu.memory_space<hbm>>
    tpu.wait_dma2 semaphore(%arg14 : memref<!tpu.dma_semaphore, #tpu.memory_space<semaphore_mem>>) src(%dma_wait3A_77 : memref<128xi32, #tpu.memory_space<hbm>>) dst(%arg8 : memref<128xi32, #tpu.memory_space<vmem>>)
    %dma_wait3A_78 = arith.constant 79 : i32
    %dma_wait3A_79 = arith.constant 0 : i32
    %dma_wait3A_80 = tpu.memref_slice %arg4[%add3A, %dma_wait3A_78, %dma_wait3A_79] : memref<32x80x128xi32, #tpu.memory_space<hbm>> -> memref<1x1x128xi32, #tpu.memory_space<hbm>>
    %dma_wait3A_81 = tpu.memref_squeeze %dma_wait3A_80 : memref<1x1x128xi32, #tpu.memory_space<hbm>> -> memref<128xi32, #tpu.memory_space<hbm>>
    %dma_wait3A_82 = arith.constant 0 : i32
    %dma_wait3A_83 = tpu.memref_slice %arg4[%add3A, %dma_wait3A_78, %dma_wait3A_82] : memref<32x80x128xi32, #tpu.memory_space<hbm>> -> memref<1x1x128xi32, #tpu.memory_space<hbm>>
    %dma_wait3A_84 = tpu.memref_squeeze %dma_wait3A_83 : memref<1x1x128xi32, #tpu.memory_space<hbm>> -> memref<128xi32, #tpu.memory_space<hbm>>
    tpu.wait_dma2 semaphore(%arg14 : memref<!tpu.dma_semaphore, #tpu.memory_space<semaphore_mem>>) src(%dma_wait3A_84 : memref<128xi32, #tpu.memory_space<hbm>>) dst(%arg9 : memref<128xi32, #tpu.memory_space<vmem>>)
    %barrier3A_85 = arith.constant 0 : index
    tpu.barrier barrier_id(%barrier3A_85)
    "tpu.region"() ({
      %run_scoped3A = tpu.sem_alloc : memref<!tpu.dma_semaphore, #tpu.memory_space<semaphore_mem>>
      %dma_start3A_86 = arith.constant 0 : i32
      %dma_start3A_87 = tpu.memref_slice %arg5[%arg0, %mul3A_35, %dma_start3A_86] : memref<2x10240x128xf32, #tpu.memory_space<hbm>> -> memref<1x640x128xf32, #tpu.memory_space<hbm>>
      %dma_start3A_88 = tpu.memref_squeeze %dma_start3A_87 : memref<1x640x128xf32, #tpu.memory_space<hbm>> -> memref<640x128xf32, #tpu.memory_space<hbm>>
      %dma_start3A_89 = arith.constant 0 : i32
      %dma_start3A_90 = tpu.memref_slice %arg12[%mul3A_35, %dma_start3A_89] : memref<10240x128xf32, #tpu.memory_space<vmem_shared>> -> memref<640x128xf32, #tpu.memory_space<vmem_shared>>
      tpu.enqueue_dma source(%dma_start3A_90 : memref<640x128xf32, #tpu.memory_space<vmem_shared>>) target(%dma_start3A_88 : memref<640x128xf32, #tpu.memory_space<hbm>>) target_semaphore(%run_scoped3A : memref<!tpu.dma_semaphore, #tpu.memory_space<semaphore_mem>>)
      %dma_wait3A_91 = arith.constant 0 : i32
      %dma_wait3A_92 = tpu.memref_slice %arg5[%arg0, %mul3A_35, %dma_wait3A_91] : memref<2x10240x128xf32, #tpu.memory_space<hbm>> -> memref<1x640x128xf32, #tpu.memory_space<hbm>>
      %dma_wait3A_93 = tpu.memref_squeeze %dma_wait3A_92 : memref<1x640x128xf32, #tpu.memory_space<hbm>> -> memref<640x128xf32, #tpu.memory_space<hbm>>
      %dma_wait3A_94 = arith.constant 0 : i32
      %dma_wait3A_95 = tpu.memref_slice %arg12[%mul3A_35, %dma_wait3A_94] : memref<10240x128xf32, #tpu.memory_space<vmem_shared>> -> memref<640x128xf32, #tpu.memory_space<vmem_shared>>
      tpu.wait_dma2 semaphore(%run_scoped3A : memref<!tpu.dma_semaphore, #tpu.memory_space<semaphore_mem>>) src(%dma_wait3A_95 : memref<640x128xf32, #tpu.memory_space<vmem_shared>>) dst(%dma_wait3A_93 : memref<640x128xf32, #tpu.memory_space<hbm>>)
      tpu.yield
    }) : () -> ()
    return
  }
}

#map = affine_map<(d0, d1) -> (0, 0)>
#map1 = affine_map<(d0, d1) -> (0, 0, 0)>
module attributes {stable_mosaic.version = 14 : i64} {
  func.func @_segsum_body(%arg0: i32, %arg1: i32, %arg2: memref<10000x128xf32, #tpu.memory_space<hbm>>, %arg3: memref<32x80x128xi32, #tpu.memory_space<hbm>>, %arg4: memref<32x80x128xi32, #tpu.memory_space<hbm>>, %arg5: memref<2x10240x128xf32, #tpu.memory_space<hbm>>, %arg6: memref<128xi32, #tpu.memory_space<vmem>>, %arg7: memref<128xi32, #tpu.memory_space<vmem>>, %arg8: memref<128xi32, #tpu.memory_space<vmem>>, %arg9: memref<128xi32, #tpu.memory_space<vmem>>, %arg10: memref<128x128xf32, #tpu.memory_space<vmem>>, %arg11: memref<128x128xf32, #tpu.memory_space<vmem>>, %arg12: memref<10240x128xf32, #tpu.memory_space<vmem_shared>>, %arg13: memref<!tpu.dma_semaphore, #tpu.memory_space<semaphore_mem>>, %arg14: memref<!tpu.dma_semaphore, #tpu.memory_space<semaphore_mem>>, %arg15: memref<!tpu.dma_semaphore, #tpu.memory_space<semaphore_mem>>, %arg16: memref<!tpu.dma_semaphore, #tpu.memory_space<semaphore_mem>>) attributes {dimension_semantics = [#tpu.dimension_semantics<core_parallel>, #tpu.dimension_semantics<subcore_parallel>], iteration_bounds = array<i64: 2, 16>, scalar_prefetch = 0 : i64, scratch_operands = 11 : i64, tpu.core_type = #tpu.core_type<sc_vector_subcore>, window_params = [{transform_indices = #map}, {transform_indices = #map1}, {transform_indices = #map1}, {transform_indices = #map1}]} {
    %mul3A = arith.constant 2 : i32
    %mul3A_0 = arith.muli %arg1, %mul3A : i32
    %add3A = arith.addi %mul3A_0, %arg0 : i32
    %dma_start3A = arith.constant 0 : i32
    %dma_start3A_1 = arith.constant 0 : i32
    %dma_start3A_2 = tpu.memref_slice %arg3[%add3A, %dma_start3A, %dma_start3A_1] : memref<32x80x128xi32, #tpu.memory_space<hbm>> -> memref<1x1x128xi32, #tpu.memory_space<hbm>>
    %dma_start3A_3 = tpu.memref_squeeze %dma_start3A_2 : memref<1x1x128xi32, #tpu.memory_space<hbm>> -> memref<128xi32, #tpu.memory_space<hbm>>
    %dma_start3A_4 = arith.constant 0 : i32
    %dma_start3A_5 = tpu.memref_slice %arg3[%add3A, %dma_start3A, %dma_start3A_4] : memref<32x80x128xi32, #tpu.memory_space<hbm>> -> memref<1x1x128xi32, #tpu.memory_space<hbm>>
    %dma_start3A_6 = tpu.memref_squeeze %dma_start3A_5 : memref<1x1x128xi32, #tpu.memory_space<hbm>> -> memref<128xi32, #tpu.memory_space<hbm>>
    tpu.enqueue_dma source(%dma_start3A_6 : memref<128xi32, #tpu.memory_space<hbm>>) target(%arg6 : memref<128xi32, #tpu.memory_space<vmem>>) target_semaphore(%arg13 : memref<!tpu.dma_semaphore, #tpu.memory_space<semaphore_mem>>)
    %dma_start3A_7 = arith.constant 0 : i32
    %dma_start3A_8 = arith.constant 0 : i32
    %dma_start3A_9 = tpu.memref_slice %arg4[%add3A, %dma_start3A_7, %dma_start3A_8] : memref<32x80x128xi32, #tpu.memory_space<hbm>> -> memref<1x1x128xi32, #tpu.memory_space<hbm>>
    %dma_start3A_10 = tpu.memref_squeeze %dma_start3A_9 : memref<1x1x128xi32, #tpu.memory_space<hbm>> -> memref<128xi32, #tpu.memory_space<hbm>>
    %dma_start3A_11 = arith.constant 0 : i32
    %dma_start3A_12 = tpu.memref_slice %arg4[%add3A, %dma_start3A_7, %dma_start3A_11] : memref<32x80x128xi32, #tpu.memory_space<hbm>> -> memref<1x1x128xi32, #tpu.memory_space<hbm>>
    %dma_start3A_13 = tpu.memref_squeeze %dma_start3A_12 : memref<1x1x128xi32, #tpu.memory_space<hbm>> -> memref<128xi32, #tpu.memory_space<hbm>>
    tpu.enqueue_dma source(%dma_start3A_13 : memref<128xi32, #tpu.memory_space<hbm>>) target(%arg7 : memref<128xi32, #tpu.memory_space<vmem>>) target_semaphore(%arg13 : memref<!tpu.dma_semaphore, #tpu.memory_space<semaphore_mem>>)
    %dma_start3A_14 = arith.constant 1 : i32
    %dma_start3A_15 = arith.constant 0 : i32
    %dma_start3A_16 = tpu.memref_slice %arg3[%add3A, %dma_start3A_14, %dma_start3A_15] : memref<32x80x128xi32, #tpu.memory_space<hbm>> -> memref<1x1x128xi32, #tpu.memory_space<hbm>>
    %dma_start3A_17 = tpu.memref_squeeze %dma_start3A_16 : memref<1x1x128xi32, #tpu.memory_space<hbm>> -> memref<128xi32, #tpu.memory_space<hbm>>
    %dma_start3A_18 = arith.constant 0 : i32
    %dma_start3A_19 = tpu.memref_slice %arg3[%add3A, %dma_start3A_14, %dma_start3A_18] : memref<32x80x128xi32, #tpu.memory_space<hbm>> -> memref<1x1x128xi32, #tpu.memory_space<hbm>>
    %dma_start3A_20 = tpu.memref_squeeze %dma_start3A_19 : memref<1x1x128xi32, #tpu.memory_space<hbm>> -> memref<128xi32, #tpu.memory_space<hbm>>
    tpu.enqueue_dma source(%dma_start3A_20 : memref<128xi32, #tpu.memory_space<hbm>>) target(%arg8 : memref<128xi32, #tpu.memory_space<vmem>>) target_semaphore(%arg14 : memref<!tpu.dma_semaphore, #tpu.memory_space<semaphore_mem>>)
    %dma_start3A_21 = arith.constant 1 : i32
    %dma_start3A_22 = arith.constant 0 : i32
    %dma_start3A_23 = tpu.memref_slice %arg4[%add3A, %dma_start3A_21, %dma_start3A_22] : memref<32x80x128xi32, #tpu.memory_space<hbm>> -> memref<1x1x128xi32, #tpu.memory_space<hbm>>
    %dma_start3A_24 = tpu.memref_squeeze %dma_start3A_23 : memref<1x1x128xi32, #tpu.memory_space<hbm>> -> memref<128xi32, #tpu.memory_space<hbm>>
    %dma_start3A_25 = arith.constant 0 : i32
    %dma_start3A_26 = tpu.memref_slice %arg4[%add3A, %dma_start3A_21, %dma_start3A_25] : memref<32x80x128xi32, #tpu.memory_space<hbm>> -> memref<1x1x128xi32, #tpu.memory_space<hbm>>
    %dma_start3A_27 = tpu.memref_squeeze %dma_start3A_26 : memref<1x1x128xi32, #tpu.memory_space<hbm>> -> memref<128xi32, #tpu.memory_space<hbm>>
    tpu.enqueue_dma source(%dma_start3A_27 : memref<128xi32, #tpu.memory_space<hbm>>) target(%arg9 : memref<128xi32, #tpu.memory_space<vmem>>) target_semaphore(%arg14 : memref<!tpu.dma_semaphore, #tpu.memory_space<semaphore_mem>>)
    %broadcast_in_dim3A = arith.constant 0.000000e+00 : f32
    %broadcast_in_dim3A_28 = vector.broadcast %broadcast_in_dim3A : f32 to vector<16xf32>
    %scan3A = arith.constant 0 : i32
    %scan3A_29 = arith.constant 0 : i32
    %scan3A_30 = arith.constant 128 : i32
    %scan3A_31 = arith.addi %scan3A_29, %scan3A_30 : i32
    %scan3A_32 = arith.constant 1 : i32
    scf.for %scan3A_86 = %scan3A_29 to %scan3A_31 step %scan3A_32  : i32 {
      %swap3A = arith.index_cast %scan3A_86 : i32 to index
      %swap3A_87 = arith.constant 0 : index
      %swap3A_88 = tpu.vector_load %arg10[%swap3A, %swap3A_87] {strides = array<i32>} : memref<128x128xf32, #tpu.memory_space<vmem>>, vector<1x16xf32>,
      %swap3A_89 = vector.shape_cast %swap3A_88 : vector<1x16xf32> to vector<16xf32>
      %swap3A_90 = vector.shape_cast %broadcast_in_dim3A_28 : vector<16xf32> to vector<1x16xf32>
      tpu.vector_store %arg10[%swap3A, %swap3A_87], %swap3A_90 {strides = array<i32>} : memref<128x128xf32, #tpu.memory_space<vmem>>, vector<1x16xf32>,
      %swap3A_91 = arith.index_cast %scan3A_86 : i32 to index
      %swap3A_92 = arith.constant 16 : index
      %swap3A_93 = tpu.vector_load %arg10[%swap3A_91, %swap3A_92] {strides = array<i32>} : memref<128x128xf32, #tpu.memory_space<vmem>>, vector<1x16xf32>,
      %swap3A_94 = vector.shape_cast %swap3A_93 : vector<1x16xf32> to vector<16xf32>
      %swap3A_95 = vector.shape_cast %broadcast_in_dim3A_28 : vector<16xf32> to vector<1x16xf32>
      tpu.vector_store %arg10[%swap3A_91, %swap3A_92], %swap3A_95 {strides = array<i32>} : memref<128x128xf32, #tpu.memory_space<vmem>>, vector<1x16xf32>,
      %swap3A_96 = arith.index_cast %scan3A_86 : i32 to index
      %swap3A_97 = arith.constant 32 : index
      %swap3A_98 = tpu.vector_load %arg10[%swap3A_96, %swap3A_97] {strides = array<i32>} : memref<128x128xf32, #tpu.memory_space<vmem>>, vector<1x16xf32>,
      %swap3A_99 = vector.shape_cast %swap3A_98 : vector<1x16xf32> to vector<16xf32>
      %swap3A_100 = vector.shape_cast %broadcast_in_dim3A_28 : vector<16xf32> to vector<1x16xf32>
      tpu.vector_store %arg10[%swap3A_96, %swap3A_97], %swap3A_100 {strides = array<i32>} : memref<128x128xf32, #tpu.memory_space<vmem>>, vector<1x16xf32>,
      %swap3A_101 = arith.index_cast %scan3A_86 : i32 to index
      %swap3A_102 = arith.constant 48 : index
      %swap3A_103 = tpu.vector_load %arg10[%swap3A_101, %swap3A_102] {strides = array<i32>} : memref<128x128xf32, #tpu.memory_space<vmem>>, vector<1x16xf32>,
      %swap3A_104 = vector.shape_cast %swap3A_103 : vector<1x16xf32> to vector<16xf32>
      %swap3A_105 = vector.shape_cast %broadcast_in_dim3A_28 : vector<16xf32> to vector<1x16xf32>
      tpu.vector_store %arg10[%swap3A_101, %swap3A_102], %swap3A_105 {strides = array<i32>} : memref<128x128xf32, #tpu.memory_space<vmem>>, vector<1x16xf32>,
      %swap3A_106 = arith.index_cast %scan3A_86 : i32 to index
      %swap3A_107 = arith.constant 64 : index
      %swap3A_108 = tpu.vector_load %arg10[%swap3A_106, %swap3A_107] {strides = array<i32>} : memref<128x128xf32, #tpu.memory_space<vmem>>, vector<1x16xf32>,
      %swap3A_109 = vector.shape_cast %swap3A_108 : vector<1x16xf32> to vector<16xf32>
      %swap3A_110 = vector.shape_cast %broadcast_in_dim3A_28 : vector<16xf32> to vector<1x16xf32>
      tpu.vector_store %arg10[%swap3A_106, %swap3A_107], %swap3A_110 {strides = array<i32>} : memref<128x128xf32, #tpu.memory_space<vmem>>, vector<1x16xf32>,
      %swap3A_111 = arith.index_cast %scan3A_86 : i32 to index
      %swap3A_112 = arith.constant 80 : index
      %swap3A_113 = tpu.vector_load %arg10[%swap3A_111, %swap3A_112] {strides = array<i32>} : memref<128x128xf32, #tpu.memory_space<vmem>>, vector<1x16xf32>,
      %swap3A_114 = vector.shape_cast %swap3A_113 : vector<1x16xf32> to vector<16xf32>
      %swap3A_115 = vector.shape_cast %broadcast_in_dim3A_28 : vector<16xf32> to vector<1x16xf32>
      tpu.vector_store %arg10[%swap3A_111, %swap3A_112], %swap3A_115 {strides = array<i32>} : memref<128x128xf32, #tpu.memory_space<vmem>>, vector<1x16xf32>,
      %swap3A_116 = arith.index_cast %scan3A_86 : i32 to index
      %swap3A_117 = arith.constant 96 : index
      %swap3A_118 = tpu.vector_load %arg10[%swap3A_116, %swap3A_117] {strides = array<i32>} : memref<128x128xf32, #tpu.memory_space<vmem>>, vector<1x16xf32>,
      %swap3A_119 = vector.shape_cast %swap3A_118 : vector<1x16xf32> to vector<16xf32>
      %swap3A_120 = vector.shape_cast %broadcast_in_dim3A_28 : vector<16xf32> to vector<1x16xf32>
      tpu.vector_store %arg10[%swap3A_116, %swap3A_117], %swap3A_120 {strides = array<i32>} : memref<128x128xf32, #tpu.memory_space<vmem>>, vector<1x16xf32>,
      %swap3A_121 = arith.index_cast %scan3A_86 : i32 to index
      %swap3A_122 = arith.constant 112 : index
      %swap3A_123 = tpu.vector_load %arg10[%swap3A_121, %swap3A_122] {strides = array<i32>} : memref<128x128xf32, #tpu.memory_space<vmem>>, vector<1x16xf32>,
      %swap3A_124 = vector.shape_cast %swap3A_123 : vector<1x16xf32> to vector<16xf32>
      %swap3A_125 = vector.shape_cast %broadcast_in_dim3A_28 : vector<16xf32> to vector<1x16xf32>
      tpu.vector_store %arg10[%swap3A_121, %swap3A_122], %swap3A_125 {strides = array<i32>} : memref<128x128xf32, #tpu.memory_space<vmem>>, vector<1x16xf32>,
    }
    %scan3A_33 = arith.constant 128 : i32
    %mul3A_34 = arith.constant 640 : i32
    %mul3A_35 = arith.muli %arg1, %mul3A_34 : i32
    %add3A_36 = arith.constant 0 : i32
    %add3A_37 = arith.addi %mul3A_35, %add3A_36 : i32
    "tpu.region"() ({
      %run_scoped3A = tpu.sem_alloc : memref<!tpu.dma_semaphore, #tpu.memory_space<semaphore_mem>>
      %dma_start3A_86 = arith.constant 0 : i32
      %dma_start3A_87 = tpu.memref_slice %arg12[%add3A_37, %dma_start3A_86] : memref<10240x128xf32, #tpu.memory_space<vmem_shared>> -> memref<128x128xf32, #tpu.memory_space<vmem_shared>>
      %dma_start3A_88 = arith.constant 0 : i32
      %dma_start3A_89 = tpu.memref_slice %arg12[%add3A_37, %dma_start3A_88] : memref<10240x128xf32, #tpu.memory_space<vmem_shared>> -> memref<128x128xf32, #tpu.memory_space<vmem_shared>>
      tpu.enqueue_dma source(%arg10 : memref<128x128xf32, #tpu.memory_space<vmem>>) target(%dma_start3A_89 : memref<128x128xf32, #tpu.memory_space<vmem_shared>>) target_semaphore(%run_scoped3A : memref<!tpu.dma_semaphore, #tpu.memory_space<semaphore_mem>>)
      %dma_wait3A_90 = arith.constant 0 : i32
      %dma_wait3A_91 = tpu.memref_slice %arg12[%add3A_37, %dma_wait3A_90] : memref<10240x128xf32, #tpu.memory_space<vmem_shared>> -> memref<128x128xf32, #tpu.memory_space<vmem_shared>>
      %dma_wait3A_92 = arith.constant 0 : i32
      %dma_wait3A_93 = tpu.memref_slice %arg12[%add3A_37, %dma_wait3A_92] : memref<10240x128xf32, #tpu.memory_space<vmem_shared>> -> memref<128x128xf32, #tpu.memory_space<vmem_shared>>
      tpu.wait_dma2 semaphore(%run_scoped3A : memref<!tpu.dma_semaphore, #tpu.memory_space<semaphore_mem>>) src(%arg10 : memref<128x128xf32, #tpu.memory_space<vmem>>) dst(%dma_wait3A_93 : memref<128x128xf32, #tpu.memory_space<vmem_shared>>)
      tpu.yield
    }) : () -> ()
    %add3A_38 = arith.constant 128 : i32
    %add3A_39 = arith.addi %mul3A_35, %add3A_38 : i32
    "tpu.region"() ({
      %run_scoped3A = tpu.sem_alloc : memref<!tpu.dma_semaphore, #tpu.memory_space<semaphore_mem>>
      %dma_start3A_86 = arith.constant 0 : i32
      %dma_start3A_87 = tpu.memref_slice %arg12[%add3A_39, %dma_start3A_86] : memref<10240x128xf32, #tpu.memory_space<vmem_shared>> -> memref<128x128xf32, #tpu.memory_space<vmem_shared>>
      %dma_start3A_88 = arith.constant 0 : i32
      %dma_start3A_89 = tpu.memref_slice %arg12[%add3A_39, %dma_start3A_88] : memref<10240x128xf32, #tpu.memory_space<vmem_shared>> -> memref<128x128xf32, #tpu.memory_space<vmem_shared>>
      tpu.enqueue_dma source(%arg10 : memref<128x128xf32, #tpu.memory_space<vmem>>) target(%dma_start3A_89 : memref<128x128xf32, #tpu.memory_space<vmem_shared>>) target_semaphore(%run_scoped3A : memref<!tpu.dma_semaphore, #tpu.memory_space<semaphore_mem>>)
      %dma_wait3A_90 = arith.constant 0 : i32
      %dma_wait3A_91 = tpu.memref_slice %arg12[%add3A_39, %dma_wait3A_90] : memref<10240x128xf32, #tpu.memory_space<vmem_shared>> -> memref<128x128xf32, #tpu.memory_space<vmem_shared>>
      %dma_wait3A_92 = arith.constant 0 : i32
      %dma_wait3A_93 = tpu.memref_slice %arg12[%add3A_39, %dma_wait3A_92] : memref<10240x128xf32, #tpu.memory_space<vmem_shared>> -> memref<128x128xf32, #tpu.memory_space<vmem_shared>>
      tpu.wait_dma2 semaphore(%run_scoped3A : memref<!tpu.dma_semaphore, #tpu.memory_space<semaphore_mem>>) src(%arg10 : memref<128x128xf32, #tpu.memory_space<vmem>>) dst(%dma_wait3A_93 : memref<128x128xf32, #tpu.memory_space<vmem_shared>>)
      tpu.yield
    }) : () -> ()
    %add3A_40 = arith.constant 256 : i32
    %add3A_41 = arith.addi %mul3A_35, %add3A_40 : i32
    "tpu.region"() ({
      %run_scoped3A = tpu.sem_alloc : memref<!tpu.dma_semaphore, #tpu.memory_space<semaphore_mem>>
      %dma_start3A_86 = arith.constant 0 : i32
      %dma_start3A_87 = tpu.memref_slice %arg12[%add3A_41, %dma_start3A_86] : memref<10240x128xf32, #tpu.memory_space<vmem_shared>> -> memref<128x128xf32, #tpu.memory_space<vmem_shared>>
      %dma_start3A_88 = arith.constant 0 : i32
      %dma_start3A_89 = tpu.memref_slice %arg12[%add3A_41, %dma_start3A_88] : memref<10240x128xf32, #tpu.memory_space<vmem_shared>> -> memref<128x128xf32, #tpu.memory_space<vmem_shared>>
      tpu.enqueue_dma source(%arg10 : memref<128x128xf32, #tpu.memory_space<vmem>>) target(%dma_start3A_89 : memref<128x128xf32, #tpu.memory_space<vmem_shared>>) target_semaphore(%run_scoped3A : memref<!tpu.dma_semaphore, #tpu.memory_space<semaphore_mem>>)
      %dma_wait3A_90 = arith.constant 0 : i32
      %dma_wait3A_91 = tpu.memref_slice %arg12[%add3A_41, %dma_wait3A_90] : memref<10240x128xf32, #tpu.memory_space<vmem_shared>> -> memref<128x128xf32, #tpu.memory_space<vmem_shared>>
      %dma_wait3A_92 = arith.constant 0 : i32
      %dma_wait3A_93 = tpu.memref_slice %arg12[%add3A_41, %dma_wait3A_92] : memref<10240x128xf32, #tpu.memory_space<vmem_shared>> -> memref<128x128xf32, #tpu.memory_space<vmem_shared>>
      tpu.wait_dma2 semaphore(%run_scoped3A : memref<!tpu.dma_semaphore, #tpu.memory_space<semaphore_mem>>) src(%arg10 : memref<128x128xf32, #tpu.memory_space<vmem>>) dst(%dma_wait3A_93 : memref<128x128xf32, #tpu.memory_space<vmem_shared>>)
      tpu.yield
    }) : () -> ()
    %add3A_42 = arith.constant 384 : i32
    %add3A_43 = arith.addi %mul3A_35, %add3A_42 : i32
    "tpu.region"() ({
      %run_scoped3A = tpu.sem_alloc : memref<!tpu.dma_semaphore, #tpu.memory_space<semaphore_mem>>
      %dma_start3A_86 = arith.constant 0 : i32
      %dma_start3A_87 = tpu.memref_slice %arg12[%add3A_43, %dma_start3A_86] : memref<10240x128xf32, #tpu.memory_space<vmem_shared>> -> memref<128x128xf32, #tpu.memory_space<vmem_shared>>
      %dma_start3A_88 = arith.constant 0 : i32
      %dma_start3A_89 = tpu.memref_slice %arg12[%add3A_43, %dma_start3A_88] : memref<10240x128xf32, #tpu.memory_space<vmem_shared>> -> memref<128x128xf32, #tpu.memory_space<vmem_shared>>
      tpu.enqueue_dma source(%arg10 : memref<128x128xf32, #tpu.memory_space<vmem>>) target(%dma_start3A_89 : memref<128x128xf32, #tpu.memory_space<vmem_shared>>) target_semaphore(%run_scoped3A : memref<!tpu.dma_semaphore, #tpu.memory_space<semaphore_mem>>)
      %dma_wait3A_90 = arith.constant 0 : i32
      %dma_wait3A_91 = tpu.memref_slice %arg12[%add3A_43, %dma_wait3A_90] : memref<10240x128xf32, #tpu.memory_space<vmem_shared>> -> memref<128x128xf32, #tpu.memory_space<vmem_shared>>
      %dma_wait3A_92 = arith.constant 0 : i32
      %dma_wait3A_93 = tpu.memref_slice %arg12[%add3A_43, %dma_wait3A_92] : memref<10240x128xf32, #tpu.memory_space<vmem_shared>> -> memref<128x128xf32, #tpu.memory_space<vmem_shared>>
      tpu.wait_dma2 semaphore(%run_scoped3A : memref<!tpu.dma_semaphore, #tpu.memory_space<semaphore_mem>>) src(%arg10 : memref<128x128xf32, #tpu.memory_space<vmem>>) dst(%dma_wait3A_93 : memref<128x128xf32, #tpu.memory_space<vmem_shared>>)
      tpu.yield
    }) : () -> ()
    %add3A_44 = arith.constant 512 : i32
    %add3A_45 = arith.addi %mul3A_35, %add3A_44 : i32
    "tpu.region"() ({
      %run_scoped3A = tpu.sem_alloc : memref<!tpu.dma_semaphore, #tpu.memory_space<semaphore_mem>>
      %dma_start3A_86 = arith.constant 0 : i32
      %dma_start3A_87 = tpu.memref_slice %arg12[%add3A_45, %dma_start3A_86] : memref<10240x128xf32, #tpu.memory_space<vmem_shared>> -> memref<128x128xf32, #tpu.memory_space<vmem_shared>>
      %dma_start3A_88 = arith.constant 0 : i32
      %dma_start3A_89 = tpu.memref_slice %arg12[%add3A_45, %dma_start3A_88] : memref<10240x128xf32, #tpu.memory_space<vmem_shared>> -> memref<128x128xf32, #tpu.memory_space<vmem_shared>>
      tpu.enqueue_dma source(%arg10 : memref<128x128xf32, #tpu.memory_space<vmem>>) target(%dma_start3A_89 : memref<128x128xf32, #tpu.memory_space<vmem_shared>>) target_semaphore(%run_scoped3A : memref<!tpu.dma_semaphore, #tpu.memory_space<semaphore_mem>>)
      %dma_wait3A_90 = arith.constant 0 : i32
      %dma_wait3A_91 = tpu.memref_slice %arg12[%add3A_45, %dma_wait3A_90] : memref<10240x128xf32, #tpu.memory_space<vmem_shared>> -> memref<128x128xf32, #tpu.memory_space<vmem_shared>>
      %dma_wait3A_92 = arith.constant 0 : i32
      %dma_wait3A_93 = tpu.memref_slice %arg12[%add3A_45, %dma_wait3A_92] : memref<10240x128xf32, #tpu.memory_space<vmem_shared>> -> memref<128x128xf32, #tpu.memory_space<vmem_shared>>
      tpu.wait_dma2 semaphore(%run_scoped3A : memref<!tpu.dma_semaphore, #tpu.memory_space<semaphore_mem>>) src(%arg10 : memref<128x128xf32, #tpu.memory_space<vmem>>) dst(%dma_wait3A_93 : memref<128x128xf32, #tpu.memory_space<vmem_shared>>)
      tpu.yield
    }) : () -> ()
    %dma_wait3A = arith.constant 0 : i32
    %dma_wait3A_46 = arith.constant 0 : i32
    %dma_wait3A_47 = tpu.memref_slice %arg3[%add3A, %dma_wait3A, %dma_wait3A_46] : memref<32x80x128xi32, #tpu.memory_space<hbm>> -> memref<1x1x128xi32, #tpu.memory_space<hbm>>
    %dma_wait3A_48 = tpu.memref_squeeze %dma_wait3A_47 : memref<1x1x128xi32, #tpu.memory_space<hbm>> -> memref<128xi32, #tpu.memory_space<hbm>>
    %dma_wait3A_49 = arith.constant 0 : i32
    %dma_wait3A_50 = tpu.memref_slice %arg3[%add3A, %dma_wait3A, %dma_wait3A_49] : memref<32x80x128xi32, #tpu.memory_space<hbm>> -> memref<1x1x128xi32, #tpu.memory_space<hbm>>
    %dma_wait3A_51 = tpu.memref_squeeze %dma_wait3A_50 : memref<1x1x128xi32, #tpu.memory_space<hbm>> -> memref<128xi32, #tpu.memory_space<hbm>>
    tpu.wait_dma2 semaphore(%arg13 : memref<!tpu.dma_semaphore, #tpu.memory_space<semaphore_mem>>) src(%dma_wait3A_51 : memref<128xi32, #tpu.memory_space<hbm>>) dst(%arg6 : memref<128xi32, #tpu.memory_space<vmem>>)
    %dma_wait3A_52 = arith.constant 0 : i32
    %dma_wait3A_53 = arith.constant 0 : i32
    %dma_wait3A_54 = tpu.memref_slice %arg4[%add3A, %dma_wait3A_52, %dma_wait3A_53] : memref<32x80x128xi32, #tpu.memory_space<hbm>> -> memref<1x1x128xi32, #tpu.memory_space<hbm>>
    %dma_wait3A_55 = tpu.memref_squeeze %dma_wait3A_54 : memref<1x1x128xi32, #tpu.memory_space<hbm>> -> memref<128xi32, #tpu.memory_space<hbm>>
    %dma_wait3A_56 = arith.constant 0 : i32
    %dma_wait3A_57 = tpu.memref_slice %arg4[%add3A, %dma_wait3A_52, %dma_wait3A_56] : memref<32x80x128xi32, #tpu.memory_space<hbm>> -> memref<1x1x128xi32, #tpu.memory_space<hbm>>
    %dma_wait3A_58 = tpu.memref_squeeze %dma_wait3A_57 : memref<1x1x128xi32, #tpu.memory_space<hbm>> -> memref<128xi32, #tpu.memory_space<hbm>>
    tpu.wait_dma2 semaphore(%arg13 : memref<!tpu.dma_semaphore, #tpu.memory_space<semaphore_mem>>) src(%dma_wait3A_58 : memref<128xi32, #tpu.memory_space<hbm>>) dst(%arg7 : memref<128xi32, #tpu.memory_space<vmem>>)
    %dma_start3A_59 = arith.constant 0 : i32
    %dma_start3A_60 = arith.constant 0 : i32
    %dma_start3A_61 = tpu.memref_slice %arg2[%dma_start3A_59, %dma_start3A_60] : memref<10000x128xf32, #tpu.memory_space<hbm>> -> memref<10000x128xf32, #tpu.memory_space<hbm>>
    tpu.enqueue_indirect_dma source(%dma_start3A_61 : memref<10000x128xf32, #tpu.memory_space<hbm>>) target(%arg10 : memref<128x128xf32, #tpu.memory_space<vmem>>) offsets(%arg6 : memref<128xi32, #tpu.memory_space<vmem>>) semaphore(%arg15 : memref<!tpu.dma_semaphore, #tpu.memory_space<semaphore_mem>>)
    %barrier3A = arith.constant 0 : index
    tpu.barrier barrier_id(%barrier3A)
    %scan3A_62 = arith.constant 0 : i32
    %scan3A_63 = arith.constant 0 : i32
    %scan3A_64 = arith.constant 40 : i32
    %scan3A_65 = arith.addi %scan3A_63, %scan3A_64 : i32
    %scan3A_66 = arith.constant 1 : i32
    scf.for %scan3A_86 = %scan3A_63 to %scan3A_65 step %scan3A_66  : i32 {
      %mul3A_87 = arith.constant 2 : i32
      %mul3A_88 = arith.muli %mul3A_87, %scan3A_86 : i32
      %add3A_89 = arith.constant 1 : i32
      %add3A_90 = arith.addi %mul3A_88, %add3A_89 : i32
      %dma_wait3A_91 = arith.constant 0 : i32
      %dma_wait3A_92 = tpu.memref_slice %arg3[%add3A, %add3A_90, %dma_wait3A_91] : memref<32x80x128xi32, #tpu.memory_space<hbm>> -> memref<1x1x128xi32, #tpu.memory_space<hbm>>
      %dma_wait3A_93 = tpu.memref_squeeze %dma_wait3A_92 : memref<1x1x128xi32, #tpu.memory_space<hbm>> -> memref<128xi32, #tpu.memory_space<hbm>>
      %dma_wait3A_94 = arith.constant 0 : i32
      %dma_wait3A_95 = tpu.memref_slice %arg3[%add3A, %add3A_90, %dma_wait3A_94] : memref<32x80x128xi32, #tpu.memory_space<hbm>> -> memref<1x1x128xi32, #tpu.memory_space<hbm>>
      %dma_wait3A_96 = tpu.memref_squeeze %dma_wait3A_95 : memref<1x1x128xi32, #tpu.memory_space<hbm>> -> memref<128xi32, #tpu.memory_space<hbm>>
      tpu.wait_dma2 semaphore(%arg14 : memref<!tpu.dma_semaphore, #tpu.memory_space<semaphore_mem>>) src(%dma_wait3A_96 : memref<128xi32, #tpu.memory_space<hbm>>) dst(%arg8 : memref<128xi32, #tpu.memory_space<vmem>>)
      %dma_wait3A_97 = arith.constant 0 : i32
      %dma_wait3A_98 = tpu.memref_slice %arg4[%add3A, %add3A_90, %dma_wait3A_97] : memref<32x80x128xi32, #tpu.memory_space<hbm>> -> memref<1x1x128xi32, #tpu.memory_space<hbm>>
      %dma_wait3A_99 = tpu.memref_squeeze %dma_wait3A_98 : memref<1x1x128xi32, #tpu.memory_space<hbm>> -> memref<128xi32, #tpu.memory_space<hbm>>
      %dma_wait3A_100 = arith.constant 0 : i32
      %dma_wait3A_101 = tpu.memref_slice %arg4[%add3A, %add3A_90, %dma_wait3A_100] : memref<32x80x128xi32, #tpu.memory_space<hbm>> -> memref<1x1x128xi32, #tpu.memory_space<hbm>>
      %dma_wait3A_102 = tpu.memref_squeeze %dma_wait3A_101 : memref<1x1x128xi32, #tpu.memory_space<hbm>> -> memref<128xi32, #tpu.memory_space<hbm>>
      tpu.wait_dma2 semaphore(%arg14 : memref<!tpu.dma_semaphore, #tpu.memory_space<semaphore_mem>>) src(%dma_wait3A_102 : memref<128xi32, #tpu.memory_space<hbm>>) dst(%arg9 : memref<128xi32, #tpu.memory_space<vmem>>)
      %dma_start3A_103 = arith.constant 0 : i32
      %dma_start3A_104 = arith.constant 0 : i32
      %dma_start3A_105 = tpu.memref_slice %arg2[%dma_start3A_103, %dma_start3A_104] : memref<10000x128xf32, #tpu.memory_space<hbm>> -> memref<10000x128xf32, #tpu.memory_space<hbm>>
      tpu.enqueue_indirect_dma source(%dma_start3A_105 : memref<10000x128xf32, #tpu.memory_space<hbm>>) target(%arg11 : memref<128x128xf32, #tpu.memory_space<vmem>>) offsets(%arg8 : memref<128xi32, #tpu.memory_space<vmem>>) semaphore(%arg16 : memref<!tpu.dma_semaphore, #tpu.memory_space<semaphore_mem>>)
      %dma_wait3A_106 = arith.constant 0 : i32
      %dma_wait3A_107 = arith.constant 0 : i32
      %dma_wait3A_108 = tpu.memref_slice %arg2[%dma_wait3A_106, %dma_wait3A_107] : memref<10000x128xf32, #tpu.memory_space<hbm>> -> memref<10000x128xf32, #tpu.memory_space<hbm>>
      tpu.wait_indirect_dma semaphore(%arg15 : memref<!tpu.dma_semaphore, #tpu.memory_space<semaphore_mem>>) src(%dma_wait3A_108 : memref<10000x128xf32, #tpu.memory_space<hbm>>) dst(%arg10 : memref<128x128xf32, #tpu.memory_space<vmem>>)
      "tpu.region"() ({
        %run_scoped3A = tpu.sem_alloc : memref<!tpu.dma_semaphore, #tpu.memory_space<semaphore_mem>>
        %dma_start3A_158 = arith.constant 0 : i32
        %dma_start3A_159 = arith.constant 0 : i32
        %dma_start3A_160 = tpu.memref_slice %arg12[%dma_start3A_158, %dma_start3A_159] : memref<10240x128xf32, #tpu.memory_space<vmem_shared>> -> memref<10240x128xf32, #tpu.memory_space<vmem_shared>>
        tpu.enqueue_indirect_dma source(%arg10 : memref<128x128xf32, #tpu.memory_space<vmem>>) target(%dma_start3A_160 : memref<10240x128xf32, #tpu.memory_space<vmem_shared>>) offsets(%arg7 : memref<128xi32, #tpu.memory_space<vmem>>) semaphore(%run_scoped3A : memref<!tpu.dma_semaphore, #tpu.memory_space<semaphore_mem>>) {add = true}
        %dma_wait3A_161 = arith.constant 0 : i32
        %dma_wait3A_162 = arith.constant 0 : i32
        %dma_wait3A_163 = tpu.memref_slice %arg12[%dma_wait3A_161, %dma_wait3A_162] : memref<10240x128xf32, #tpu.memory_space<vmem_shared>> -> memref<10240x128xf32, #tpu.memory_space<vmem_shared>>
        tpu.wait_indirect_dma semaphore(%run_scoped3A : memref<!tpu.dma_semaphore, #tpu.memory_space<semaphore_mem>>) src(%arg10 : memref<128x128xf32, #tpu.memory_space<vmem>>) dst(%dma_wait3A_163 : memref<10240x128xf32, #tpu.memory_space<vmem_shared>>)
        tpu.yield
      }) : () -> ()
      %add3A_109 = arith.constant 2 : i32
      %add3A_110 = arith.addi %mul3A_88, %add3A_109 : i32
      %min3A = arith.constant 79 : i32
      %min3A_111 = arith.minsi %add3A_110, %min3A : i32
      %dma_start3A_112 = arith.constant 0 : i32
      %dma_start3A_113 = tpu.memref_slice %arg3[%add3A, %min3A_111, %dma_start3A_112] : memref<32x80x128xi32, #tpu.memory_space<hbm>> -> memref<1x1x128xi32, #tpu.memory_space<hbm>>
      %dma_start3A_114 = tpu.memref_squeeze %dma_start3A_113 : memref<1x1x128xi32, #tpu.memory_space<hbm>> -> memref<128xi32, #tpu.memory_space<hbm>>
      %dma_start3A_115 = arith.constant 0 : i32
      %dma_start3A_116 = tpu.memref_slice %arg3[%add3A, %min3A_111, %dma_start3A_115] : memref<32x80x128xi32, #tpu.memory_space<hbm>> -> memref<1x1x128xi32, #tpu.memory_space<hbm>>
      %dma_start3A_117 = tpu.memref_squeeze %dma_start3A_116 : memref<1x1x128xi32, #tpu.memory_space<hbm>> -> memref<128xi32, #tpu.memory_space<hbm>>
      tpu.enqueue_dma source(%dma_start3A_117 : memref<128xi32, #tpu.memory_space<hbm>>) target(%arg6 : memref<128xi32, #tpu.memory_space<vmem>>) target_semaphore(%arg13 : memref<!tpu.dma_semaphore, #tpu.memory_space<semaphore_mem>>)
      %dma_start3A_118 = arith.constant 0 : i32
      %dma_start3A_119 = tpu.memref_slice %arg4[%add3A, %min3A_111, %dma_start3A_118] : memref<32x80x128xi32, #tpu.memory_space<hbm>> -> memref<1x1x128xi32, #tpu.memory_space<hbm>>
      %dma_start3A_120 = tpu.memref_squeeze %dma_start3A_119 : memref<1x1x128xi32, #tpu.memory_space<hbm>> -> memref<128xi32, #tpu.memory_space<hbm>>
      %dma_start3A_121 = arith.constant 0 : i32
      %dma_start3A_122 = tpu.memref_slice %arg4[%add3A, %min3A_111, %dma_start3A_121] : memref<32x80x128xi32, #tpu.memory_space<hbm>> -> memref<1x1x128xi32, #tpu.memory_space<hbm>>
      %dma_start3A_123 = tpu.memref_squeeze %dma_start3A_122 : memref<1x1x128xi32, #tpu.memory_space<hbm>> -> memref<128xi32, #tpu.memory_space<hbm>>
      tpu.enqueue_dma source(%dma_start3A_123 : memref<128xi32, #tpu.memory_space<hbm>>) target(%arg7 : memref<128xi32, #tpu.memory_space<vmem>>) target_semaphore(%arg13 : memref<!tpu.dma_semaphore, #tpu.memory_space<semaphore_mem>>)
      %dma_wait3A_124 = arith.constant 0 : i32
      %dma_wait3A_125 = arith.constant 0 : i32
      %dma_wait3A_126 = tpu.memref_slice %arg2[%dma_wait3A_124, %dma_wait3A_125] : memref<10000x128xf32, #tpu.memory_space<hbm>> -> memref<10000x128xf32, #tpu.memory_space<hbm>>
      tpu.wait_indirect_dma semaphore(%arg16 : memref<!tpu.dma_semaphore, #tpu.memory_space<semaphore_mem>>) src(%dma_wait3A_126 : memref<10000x128xf32, #tpu.memory_space<hbm>>) dst(%arg11 : memref<128x128xf32, #tpu.memory_space<vmem>>)
      %dma_wait3A_127 = arith.constant 0 : i32
      %dma_wait3A_128 = tpu.memref_slice %arg3[%add3A, %min3A_111, %dma_wait3A_127] : memref<32x80x128xi32, #tpu.memory_space<hbm>> -> memref<1x1x128xi32, #tpu.memory_space<hbm>>
      %dma_wait3A_129 = tpu.memref_squeeze %dma_wait3A_128 : memref<1x1x128xi32, #tpu.memory_space<hbm>> -> memref<128xi32, #tpu.memory_space<hbm>>
      %dma_wait3A_130 = arith.constant 0 : i32
      %dma_wait3A_131 = tpu.memref_slice %arg3[%add3A, %min3A_111, %dma_wait3A_130] : memref<32x80x128xi32, #tpu.memory_space<hbm>> -> memref<1x1x128xi32, #tpu.memory_space<hbm>>
      %dma_wait3A_132 = tpu.memref_squeeze %dma_wait3A_131 : memref<1x1x128xi32, #tpu.memory_space<hbm>> -> memref<128xi32, #tpu.memory_space<hbm>>
      tpu.wait_dma2 semaphore(%arg13 : memref<!tpu.dma_semaphore, #tpu.memory_space<semaphore_mem>>) src(%dma_wait3A_132 : memref<128xi32, #tpu.memory_space<hbm>>) dst(%arg6 : memref<128xi32, #tpu.memory_space<vmem>>)
      %dma_wait3A_133 = arith.constant 0 : i32
      %dma_wait3A_134 = tpu.memref_slice %arg4[%add3A, %min3A_111, %dma_wait3A_133] : memref<32x80x128xi32, #tpu.memory_space<hbm>> -> memref<1x1x128xi32, #tpu.memory_space<hbm>>
      %dma_wait3A_135 = tpu.memref_squeeze %dma_wait3A_134 : memref<1x1x128xi32, #tpu.memory_space<hbm>> -> memref<128xi32, #tpu.memory_space<hbm>>
      %dma_wait3A_136 = arith.constant 0 : i32
      %dma_wait3A_137 = tpu.memref_slice %arg4[%add3A, %min3A_111, %dma_wait3A_136] : memref<32x80x128xi32, #tpu.memory_space<hbm>> -> memref<1x1x128xi32, #tpu.memory_space<hbm>>
      %dma_wait3A_138 = tpu.memref_squeeze %dma_wait3A_137 : memref<1x1x128xi32, #tpu.memory_space<hbm>> -> memref<128xi32, #tpu.memory_space<hbm>>
      tpu.wait_dma2 semaphore(%arg13 : memref<!tpu.dma_semaphore, #tpu.memory_space<semaphore_mem>>) src(%dma_wait3A_138 : memref<128xi32, #tpu.memory_space<hbm>>) dst(%arg7 : memref<128xi32, #tpu.memory_space<vmem>>)
      %dma_start3A_139 = arith.constant 0 : i32
      %dma_start3A_140 = arith.constant 0 : i32
      %dma_start3A_141 = tpu.memref_slice %arg2[%dma_start3A_139, %dma_start3A_140] : memref<10000x128xf32, #tpu.memory_space<hbm>> -> memref<10000x128xf32, #tpu.memory_space<hbm>>
      tpu.enqueue_indirect_dma source(%dma_start3A_141 : memref<10000x128xf32, #tpu.memory_space<hbm>>) target(%arg10 : memref<128x128xf32, #tpu.memory_space<vmem>>) offsets(%arg6 : memref<128xi32, #tpu.memory_space<vmem>>) semaphore(%arg15 : memref<!tpu.dma_semaphore, #tpu.memory_space<semaphore_mem>>)
      "tpu.region"() ({
        %run_scoped3A = tpu.sem_alloc : memref<!tpu.dma_semaphore, #tpu.memory_space<semaphore_mem>>
        %dma_start3A_158 = arith.constant 0 : i32
        %dma_start3A_159 = arith.constant 0 : i32
        %dma_start3A_160 = tpu.memref_slice %arg12[%dma_start3A_158, %dma_start3A_159] : memref<10240x128xf32, #tpu.memory_space<vmem_shared>> -> memref<10240x128xf32, #tpu.memory_space<vmem_shared>>
        tpu.enqueue_indirect_dma source(%arg11 : memref<128x128xf32, #tpu.memory_space<vmem>>) target(%dma_start3A_160 : memref<10240x128xf32, #tpu.memory_space<vmem_shared>>) offsets(%arg9 : memref<128xi32, #tpu.memory_space<vmem>>) semaphore(%run_scoped3A : memref<!tpu.dma_semaphore, #tpu.memory_space<semaphore_mem>>) {add = true}
        %dma_wait3A_161 = arith.constant 0 : i32
        %dma_wait3A_162 = arith.constant 0 : i32
        %dma_wait3A_163 = tpu.memref_slice %arg12[%dma_wait3A_161, %dma_wait3A_162] : memref<10240x128xf32, #tpu.memory_space<vmem_shared>> -> memref<10240x128xf32, #tpu.memory_space<vmem_shared>>
        tpu.wait_indirect_dma semaphore(%run_scoped3A : memref<!tpu.dma_semaphore, #tpu.memory_space<semaphore_mem>>) src(%arg11 : memref<128x128xf32, #tpu.memory_space<vmem>>) dst(%dma_wait3A_163 : memref<10240x128xf32, #tpu.memory_space<vmem_shared>>)
        tpu.yield
      }) : () -> ()
      %add3A_142 = arith.constant 3 : i32
      %add3A_143 = arith.addi %mul3A_88, %add3A_142 : i32
      %min3A_144 = arith.constant 79 : i32
      %min3A_145 = arith.minsi %add3A_143, %min3A_144 : i32
      %dma_start3A_146 = arith.constant 0 : i32
      %dma_start3A_147 = tpu.memref_slice %arg3[%add3A, %min3A_145, %dma_start3A_146] : memref<32x80x128xi32, #tpu.memory_space<hbm>> -> memref<1x1x128xi32, #tpu.memory_space<hbm>>
      %dma_start3A_148 = tpu.memref_squeeze %dma_start3A_147 : memref<1x1x128xi32, #tpu.memory_space<hbm>> -> memref<128xi32, #tpu.memory_space<hbm>>
      %dma_start3A_149 = arith.constant 0 : i32
      %dma_start3A_150 = tpu.memref_slice %arg3[%add3A, %min3A_145, %dma_start3A_149] : memref<32x80x128xi32, #tpu.memory_space<hbm>> -> memref<1x1x128xi32, #tpu.memory_space<hbm>>
      %dma_start3A_151 = tpu.memref_squeeze %dma_start3A_150 : memref<1x1x128xi32, #tpu.memory_space<hbm>> -> memref<128xi32, #tpu.memory_space<hbm>>
      tpu.enqueue_dma source(%dma_start3A_151 : memref<128xi32, #tpu.memory_space<hbm>>) target(%arg8 : memref<128xi32, #tpu.memory_space<vmem>>) target_semaphore(%arg14 : memref<!tpu.dma_semaphore, #tpu.memory_space<semaphore_mem>>)
      %dma_start3A_152 = arith.constant 0 : i32
      %dma_start3A_153 = tpu.memref_slice %arg4[%add3A, %min3A_145, %dma_start3A_152] : memref<32x80x128xi32, #tpu.memory_space<hbm>> -> memref<1x1x128xi32, #tpu.memory_space<hbm>>
      %dma_start3A_154 = tpu.memref_squeeze %dma_start3A_153 : memref<1x1x128xi32, #tpu.memory_space<hbm>> -> memref<128xi32, #tpu.memory_space<hbm>>
      %dma_start3A_155 = arith.constant 0 : i32
      %dma_start3A_156 = tpu.memref_slice %arg4[%add3A, %min3A_145, %dma_start3A_155] : memref<32x80x128xi32, #tpu.memory_space<hbm>> -> memref<1x1x128xi32, #tpu.memory_space<hbm>>
      %dma_start3A_157 = tpu.memref_squeeze %dma_start3A_156 : memref<1x1x128xi32, #tpu.memory_space<hbm>> -> memref<128xi32, #tpu.memory_space<hbm>>
      tpu.enqueue_dma source(%dma_start3A_157 : memref<128xi32, #tpu.memory_space<hbm>>) target(%arg9 : memref<128xi32, #tpu.memory_space<vmem>>) target_semaphore(%arg14 : memref<!tpu.dma_semaphore, #tpu.memory_space<semaphore_mem>>)
    }
    %scan3A_67 = arith.constant 40 : i32
    %dma_wait3A_68 = arith.constant 0 : i32
    %dma_wait3A_69 = arith.constant 0 : i32
    %dma_wait3A_70 = tpu.memref_slice %arg2[%dma_wait3A_68, %dma_wait3A_69] : memref<10000x128xf32, #tpu.memory_space<hbm>> -> memref<10000x128xf32, #tpu.memory_space<hbm>>
    tpu.wait_indirect_dma semaphore(%arg15 : memref<!tpu.dma_semaphore, #tpu.memory_space<semaphore_mem>>) src(%dma_wait3A_70 : memref<10000x128xf32, #tpu.memory_space<hbm>>) dst(%arg10 : memref<128x128xf32, #tpu.memory_space<vmem>>)
    %dma_wait3A_71 = arith.constant 79 : i32
    %dma_wait3A_72 = arith.constant 0 : i32
    %dma_wait3A_73 = tpu.memref_slice %arg3[%add3A, %dma_wait3A_71, %dma_wait3A_72] : memref<32x80x128xi32, #tpu.memory_space<hbm>> -> memref<1x1x128xi32, #tpu.memory_space<hbm>>
    %dma_wait3A_74 = tpu.memref_squeeze %dma_wait3A_73 : memref<1x1x128xi32, #tpu.memory_space<hbm>> -> memref<128xi32, #tpu.memory_space<hbm>>
    %dma_wait3A_75 = arith.constant 0 : i32
    %dma_wait3A_76 = tpu.memref_slice %arg3[%add3A, %dma_wait3A_71, %dma_wait3A_75] : memref<32x80x128xi32, #tpu.memory_space<hbm>> -> memref<1x1x128xi32, #tpu.memory_space<hbm>>
    %dma_wait3A_77 = tpu.memref_squeeze %dma_wait3A_76 : memref<1x1x128xi32, #tpu.memory_space<hbm>> -> memref<128xi32, #tpu.memory_space<hbm>>
    tpu.wait_dma2 semaphore(%arg14 : memref<!tpu.dma_semaphore, #tpu.memory_space<semaphore_mem>>) src(%dma_wait3A_77 : memref<128xi32, #tpu.memory_space<hbm>>) dst(%arg8 : memref<128xi32, #tpu.memory_space<vmem>>)
    %dma_wait3A_78 = arith.constant 79 : i32
    %dma_wait3A_79 = arith.constant 0 : i32
    %dma_wait3A_80 = tpu.memref_slice %arg4[%add3A, %dma_wait3A_78, %dma_wait3A_79] : memref<32x80x128xi32, #tpu.memory_space<hbm>> -> memref<1x1x128xi32, #tpu.memory_space<hbm>>
    %dma_wait3A_81 = tpu.memref_squeeze %dma_wait3A_80 : memref<1x1x128xi32, #tpu.memory_space<hbm>> -> memref<128xi32, #tpu.memory_space<hbm>>
    %dma_wait3A_82 = arith.constant 0 : i32
    %dma_wait3A_83 = tpu.memref_slice %arg4[%add3A, %dma_wait3A_78, %dma_wait3A_82] : memref<32x80x128xi32, #tpu.memory_space<hbm>> -> memref<1x1x128xi32, #tpu.memory_space<hbm>>
    %dma_wait3A_84 = tpu.memref_squeeze %dma_wait3A_83 : memref<1x1x128xi32, #tpu.memory_space<hbm>> -> memref<128xi32, #tpu.memory_space<hbm>>
    tpu.wait_dma2 semaphore(%arg14 : memref<!tpu.dma_semaphore, #tpu.memory_space<semaphore_mem>>) src(%dma_wait3A_84 : memref<128xi32, #tpu.memory_space<hbm>>) dst(%arg9 : memref<128xi32, #tpu.memory_space<vmem>>)
    %barrier3A_85 = arith.constant 0 : index
    tpu.barrier barrier_id(%barrier3A_85)
    "tpu.region"() ({
      %run_scoped3A = tpu.sem_alloc : memref<!tpu.dma_semaphore, #tpu.memory_space<semaphore_mem>>
      %dma_start3A_86 = arith.constant 0 : i32
      %dma_start3A_87 = tpu.memref_slice %arg5[%arg0, %mul3A_35, %dma_start3A_86] : memref<2x10240x128xf32, #tpu.memory_space<hbm>> -> memref<1x640x128xf32, #tpu.memory_space<hbm>>
      %dma_start3A_88 = tpu.memref_squeeze %dma_start3A_87 : memref<1x640x128xf32, #tpu.memory_space<hbm>> -> memref<640x128xf32, #tpu.memory_space<hbm>>
      %dma_start3A_89 = arith.constant 0 : i32
      %dma_start3A_90 = tpu.memref_slice %arg12[%mul3A_35, %dma_start3A_89] : memref<10240x128xf32, #tpu.memory_space<vmem_shared>> -> memref<640x128xf32, #tpu.memory_space<vmem_shared>>
      tpu.enqueue_dma source(%dma_start3A_90 : memref<640x128xf32, #tpu.memory_space<vmem_shared>>) target(%dma_start3A_88 : memref<640x128xf32, #tpu.memory_space<hbm>>) target_semaphore(%run_scoped3A : memref<!tpu.dma_semaphore, #tpu.memory_space<semaphore_mem>>)
      %dma_wait3A_91 = arith.constant 0 : i32
      %dma_wait3A_92 = tpu.memref_slice %arg5[%arg0, %mul3A_35, %dma_wait3A_91] : memref<2x10240x128xf32, #tpu.memory_space<hbm>> -> memref<1x640x128xf32, #tpu.memory_space<hbm>>
      %dma_wait3A_93 = tpu.memref_squeeze %dma_wait3A_92 : memref<1x640x128xf32, #tpu.memory_space<hbm>> -> memref<640x128xf32, #tpu.memory_space<hbm>>
      %dma_wait3A_94 = arith.constant 0 : i32
      %dma_wait3A_95 = tpu.memref_slice %arg12[%mul3A_35, %dma_wait3A_94] : memref<10240x128xf32, #tpu.memory_space<vmem_shared>> -> memref<640x128xf32, #tpu.memory_space<vmem_shared>>
      tpu.wait_dma2 semaphore(%run_scoped3A : memref<!tpu.dma_semaphore, #tpu.memory_space<semaphore_mem>>) src(%dma_wait3A_95 : memref<640x128xf32, #tpu.memory_space<vmem_shared>>) dst(%dma_wait3A_93 : memref<640x128xf32, #tpu.memory_space<hbm>>)
      tpu.yield
    }) : () -> ()
    return
  }
}

module attributes {stable_mosaic.version = 14 : i64} {
  func.func @_nt_body(%arg0: i32, %arg1: memref<2000x128xf32, #tpu.memory_space<vmem>>, %arg2: memref<128x128xf32, #tpu.memory_space<vmem>>, %arg3: memref<1x128xf32, #tpu.memory_space<vmem>>, %arg4: memref<2000x128xf32, #tpu.memory_space<vmem>>) attributes {dimension_semantics = [#tpu.dimension_semantics<arbitrary>], iteration_bounds = array<i64: 5>, scalar_prefetch = 0 : i64, scratch_operands = 0 : i64, tpu.core_type = #tpu.core_type<tc>, window_params = [{transform_indices = @transform_0, window_bounds = array<i64: 2000, 128>}, {pipeline_mode = #tpu.pipeline_mode<synchronous>, transform_indices = @transform_1, window_bounds = array<i64: 128, 128>}, {pipeline_mode = #tpu.pipeline_mode<synchronous>, transform_indices = @transform_2, window_bounds = array<i64: 1, 128>}, {transform_indices = @transform_3, window_bounds = array<i64: 2000, 128>}]} {
    %get3A = arith.constant 0 : index
    %get3A_0 = arith.constant 0 : index
    %get3A_1 = vector.load %arg1[%get3A, %get3A_0] : memref<2000x128xf32, #tpu.memory_space<vmem>>, vector<2000x128xf32>
    %get3A_2 = arith.constant 0 : index
    %get3A_3 = arith.constant 0 : index
    %get3A_4 = vector.load %arg2[%get3A_2, %get3A_3] : memref<128x128xf32, #tpu.memory_space<vmem>>, vector<128x128xf32>
    %dot_general3A = arith.constant dense<0.000000e+00> : vector<2000x128xf32>
    %dot_general3A_5 = tpu.matmul %get3A_1, %get3A_4, %dot_general3A {dimension_numbers = #tpu.dot_dimension_numbers<[1], [0], [0], [1], [0, 0, 1, 1], [], []>, transpose_lhs_hint = false} : vector<2000x128xf32>, vector<128x128xf32>, vector<2000x128xf32> -> vector<2000x128xf32>
    %get3A_6 = arith.constant 0 : index
    %get3A_7 = arith.constant 0 : index
    %get3A_8 = vector.load %arg3[%get3A_6, %get3A_7] : memref<1x128xf32, #tpu.memory_space<vmem>>, vector<1x128xf32>
    %add3A = vector.broadcast %get3A_8 : vector<1x128xf32> to vector<2000x128xf32>
    %add3A_9 = arith.addf %dot_general3A_5, %add3A : vector<2000x128xf32>
    %max3A = arith.constant 0.000000e+00 : f32
    %max3A_10 = vector.broadcast %max3A : f32 to vector<2000x128xf32>
    %max3A_11 = arith.maximumf %add3A_9, %max3A_10 : vector<2000x128xf32>
    %swap3A = arith.constant 0 : index
    %swap3A_12 = arith.constant 0 : index
    %swap3A_13 = vector.load %arg4[%swap3A, %swap3A_12] : memref<2000x128xf32, #tpu.memory_space<vmem>>, vector<2000x128xf32>
    tpu.vector_store %arg4[%swap3A, %swap3A_12], %max3A_11 {strides = array<i32>} : memref<2000x128xf32, #tpu.memory_space<vmem>>, vector<2000x128xf32>,
    return
  }
  func.func @transform_0(%arg0: i32) -> (i32, i32) {
    %c0_i32 = arith.constant 0 : i32
    %c0_i32_0 = arith.constant 0 : i32
    return %arg0, %c0_i32 : i32, i32
  }
  func.func @transform_1(%arg0: i32) -> (i32, i32) {
    %c0_i32 = arith.constant 0 : i32
    %c0_i32_0 = arith.constant 0 : i32
    %c0_i32_1 = arith.constant 0 : i32
    return %c0_i32, %c0_i32_0 : i32, i32
  }
  func.func @transform_2(%arg0: i32) -> (i32, i32) {
    %c0_i32 = arith.constant 0 : i32
    %c0_i32_0 = arith.constant 0 : i32
    %c0_i32_1 = arith.constant 0 : i32
    return %c0_i32, %c0_i32_0 : i32, i32
  }
  func.func @transform_3(%arg0: i32) -> (i32, i32) {
    %c0_i32 = arith.constant 0 : i32
    %c0_i32_0 = arith.constant 0 : i32
    return %arg0, %c0_i32 : i32, i32
  }
}

module attributes {stable_mosaic.version = 14 : i64} {
  func.func @_gru_body(%arg0: i32, %arg1: memref<2x2000x128xf32, #tpu.memory_space<vmem>>, %arg2: memref<2000x128xf32, #tpu.memory_space<vmem>>, %arg3: memref<128x128xf32, #tpu.memory_space<vmem>>, %arg4: memref<128x384xf32, #tpu.memory_space<vmem>>, %arg5: memref<1x384xf32, #tpu.memory_space<vmem>>, %arg6: memref<128x384xf32, #tpu.memory_space<vmem>>, %arg7: memref<1x384xf32, #tpu.memory_space<vmem>>, %arg8: memref<2000x128xf32, #tpu.memory_space<vmem>>) attributes {dimension_semantics = [#tpu.dimension_semantics<arbitrary>], iteration_bounds = array<i64: 5>, scalar_prefetch = 0 : i64, scratch_operands = 0 : i64, tpu.core_type = #tpu.core_type<tc>, window_params = [{transform_indices = @transform_0, window_bounds = array<i64: 2, 2000, 128>}, {transform_indices = @transform_1, window_bounds = array<i64: 2000, 128>}, {pipeline_mode = #tpu.pipeline_mode<synchronous>, transform_indices = @transform_2, window_bounds = array<i64: 128, 128>}, {pipeline_mode = #tpu.pipeline_mode<synchronous>, transform_indices = @transform_3, window_bounds = array<i64: 128, 384>}, {pipeline_mode = #tpu.pipeline_mode<synchronous>, transform_indices = @transform_4, window_bounds = array<i64: 1, 384>}, {pipeline_mode = #tpu.pipeline_mode<synchronous>, transform_indices = @transform_5, window_bounds = array<i64: 128, 384>}, {pipeline_mode = #tpu.pipeline_mode<synchronous>, transform_indices = @transform_6, window_bounds = array<i64: 1, 384>}, {transform_indices = @transform_7, window_bounds = array<i64: 2000, 128>}]} {
    %get3A = arith.constant 0 : index
    %get3A_0 = arith.constant 0 : index
    %get3A_1 = arith.constant 0 : index
    %get3A_2 = vector.load %arg1[%get3A, %get3A_0, %get3A_1] : memref<2x2000x128xf32, #tpu.memory_space<vmem>>, vector<1x2000x128xf32>
    %get3A_3 = vector.shape_cast %get3A_2 : vector<1x2000x128xf32> to vector<2000x128xf32>
    %get3A_4 = arith.constant 1 : index
    %get3A_5 = arith.constant 0 : index
    %get3A_6 = arith.constant 0 : index
    %get3A_7 = vector.load %arg1[%get3A_4, %get3A_5, %get3A_6] : memref<2x2000x128xf32, #tpu.memory_space<vmem>>, vector<1x2000x128xf32>
    %get3A_8 = vector.shape_cast %get3A_7 : vector<1x2000x128xf32> to vector<2000x128xf32>
    %add3A = arith.addf %get3A_3, %get3A_8 : vector<2000x128xf32>
    %get3A_9 = arith.constant 0 : index
    %get3A_10 = arith.constant 0 : index
    %get3A_11 = vector.load %arg2[%get3A_9, %get3A_10] : memref<2000x128xf32, #tpu.memory_space<vmem>>, vector<2000x128xf32>
    %get3A_12 = arith.constant 0 : index
    %get3A_13 = arith.constant 0 : index
    %get3A_14 = vector.load %arg3[%get3A_12, %get3A_13] : memref<128x128xf32, #tpu.memory_space<vmem>>, vector<128x128xf32>
    %dot_general3A = arith.constant dense<0.000000e+00> : vector<2000x128xf32>
    %dot_general3A_15 = tpu.matmul %add3A, %get3A_14, %dot_general3A {dimension_numbers = #tpu.dot_dimension_numbers<[1], [0], [0], [1], [0, 0, 1, 1], [], []>, transpose_lhs_hint = false} : vector<2000x128xf32>, vector<128x128xf32>, vector<2000x128xf32> -> vector<2000x128xf32>
    %get3A_16 = arith.constant 0 : index
    %get3A_17 = arith.constant 0 : index
    %get3A_18 = vector.load %arg4[%get3A_16, %get3A_17] : memref<128x384xf32, #tpu.memory_space<vmem>>, vector<128x384xf32>
    %dot_general3A_19 = arith.constant dense<0.000000e+00> : vector<2000x384xf32>
    %dot_general3A_20 = tpu.matmul %dot_general3A_15, %get3A_18, %dot_general3A_19 {dimension_numbers = #tpu.dot_dimension_numbers<[1], [0], [0], [1], [0, 0, 1, 1], [], []>, transpose_lhs_hint = false} : vector<2000x128xf32>, vector<128x384xf32>, vector<2000x384xf32> -> vector<2000x384xf32>
    %get3A_21 = arith.constant 0 : index
    %get3A_22 = arith.constant 0 : index
    %get3A_23 = vector.load %arg5[%get3A_21, %get3A_22] : memref<1x384xf32, #tpu.memory_space<vmem>>, vector<1x384xf32>
    %add3A_24 = vector.broadcast %get3A_23 : vector<1x384xf32> to vector<2000x384xf32>
    %add3A_25 = arith.addf %dot_general3A_20, %add3A_24 : vector<2000x384xf32>
    %get3A_26 = arith.constant 0 : index
    %get3A_27 = arith.constant 0 : index
    %get3A_28 = vector.load %arg6[%get3A_26, %get3A_27] : memref<128x384xf32, #tpu.memory_space<vmem>>, vector<128x384xf32>
    %dot_general3A_29 = arith.constant dense<0.000000e+00> : vector<2000x384xf32>
    %dot_general3A_30 = tpu.matmul %get3A_11, %get3A_28, %dot_general3A_29 {dimension_numbers = #tpu.dot_dimension_numbers<[1], [0], [0], [1], [0, 0, 1, 1], [], []>, transpose_lhs_hint = false} : vector<2000x128xf32>, vector<128x384xf32>, vector<2000x384xf32> -> vector<2000x384xf32>
    %get3A_31 = arith.constant 0 : index
    %get3A_32 = arith.constant 0 : index
    %get3A_33 = vector.load %arg7[%get3A_31, %get3A_32] : memref<1x384xf32, #tpu.memory_space<vmem>>, vector<1x384xf32>
    %add3A_34 = vector.broadcast %get3A_33 : vector<1x384xf32> to vector<2000x384xf32>
    %add3A_35 = arith.addf %dot_general3A_30, %add3A_34 : vector<2000x384xf32>
    %slice3A = vector.extract_strided_slice %add3A_25 {offsets = [0, 0], sizes = [2000, 128], strides = [1, 1]} : vector<2000x384xf32> to vector<2000x128xf32>
    %slice3A_36 = vector.extract_strided_slice %add3A_35 {offsets = [0, 0], sizes = [2000, 128], strides = [1, 1]} : vector<2000x384xf32> to vector<2000x128xf32>
    %add3A_37 = arith.addf %slice3A, %slice3A_36 : vector<2000x128xf32>
    %logistic3A = arith.negf %add3A_37 : vector<2000x128xf32>
    %logistic3A_38 = math.exp %logistic3A : vector<2000x128xf32>
    %logistic3A_39 = arith.constant 1.000000e+00 : f32
    %logistic3A_40 = vector.broadcast %logistic3A_39 : f32 to vector<2000x128xf32>
    %logistic3A_41 = arith.addf %logistic3A_40, %logistic3A_38 : vector<2000x128xf32>
    %logistic3A_42 = arith.divf %logistic3A_40, %logistic3A_41 : vector<2000x128xf32>
    %slice3A_43 = vector.extract_strided_slice %add3A_25 {offsets = [0, 128], sizes = [2000, 128], strides = [1, 1]} : vector<2000x384xf32> to vector<2000x128xf32>
    %slice3A_44 = vector.extract_strided_slice %add3A_35 {offsets = [0, 128], sizes = [2000, 128], strides = [1, 1]} : vector<2000x384xf32> to vector<2000x128xf32>
    %add3A_45 = arith.addf %slice3A_43, %slice3A_44 : vector<2000x128xf32>
    %logistic3A_46 = arith.negf %add3A_45 : vector<2000x128xf32>
    %logistic3A_47 = math.exp %logistic3A_46 : vector<2000x128xf32>
    %logistic3A_48 = arith.constant 1.000000e+00 : f32
    %logistic3A_49 = vector.broadcast %logistic3A_48 : f32 to vector<2000x128xf32>
    %logistic3A_50 = arith.addf %logistic3A_49, %logistic3A_47 : vector<2000x128xf32>
    %logistic3A_51 = arith.divf %logistic3A_49, %logistic3A_50 : vector<2000x128xf32>
    %slice3A_52 = vector.extract_strided_slice %add3A_25 {offsets = [0, 256], sizes = [2000, 128], strides = [1, 1]} : vector<2000x384xf32> to vector<2000x128xf32>
    %slice3A_53 = vector.extract_strided_slice %add3A_35 {offsets = [0, 256], sizes = [2000, 128], strides = [1, 1]} : vector<2000x384xf32> to vector<2000x128xf32>
    %mul3A = arith.mulf %logistic3A_42, %slice3A_53 : vector<2000x128xf32>
    %add3A_54 = arith.addf %slice3A_52, %mul3A : vector<2000x128xf32>
    %tanh3A = math.tanh %add3A_54 : vector<2000x128xf32>
    %sub3A = arith.constant 1.000000e+00 : f32
    %sub3A_55 = vector.broadcast %sub3A : f32 to vector<2000x128xf32>
    %sub3A_56 = arith.subf %sub3A_55, %logistic3A_51 : vector<2000x128xf32>
    %mul3A_57 = arith.mulf %sub3A_56, %tanh3A : vector<2000x128xf32>
    %mul3A_58 = arith.mulf %logistic3A_51, %get3A_11 : vector<2000x128xf32>
    %add3A_59 = arith.addf %mul3A_57, %mul3A_58 : vector<2000x128xf32>
    %swap3A = arith.constant 0 : index
    %swap3A_60 = arith.constant 0 : index
    %swap3A_61 = vector.load %arg8[%swap3A, %swap3A_60] : memref<2000x128xf32, #tpu.memory_space<vmem>>, vector<2000x128xf32>
    tpu.vector_store %arg8[%swap3A, %swap3A_60], %add3A_59 {strides = array<i32>} : memref<2000x128xf32, #tpu.memory_space<vmem>>, vector<2000x128xf32>,
    return
  }
  func.func @transform_0(%arg0: i32) -> (i32, i32, i32) {
    %c0_i32 = arith.constant 0 : i32
    %c0_i32_0 = arith.constant 0 : i32
    %c0_i32_1 = arith.constant 0 : i32
    return %c0_i32, %arg0, %c0_i32_0 : i32, i32, i32
  }
  func.func @transform_1(%arg0: i32) -> (i32, i32) {
    %c0_i32 = arith.constant 0 : i32
    %c0_i32_0 = arith.constant 0 : i32
    return %arg0, %c0_i32 : i32, i32
  }
  func.func @transform_2(%arg0: i32) -> (i32, i32) {
    %c0_i32 = arith.constant 0 : i32
    %c0_i32_0 = arith.constant 0 : i32
    %c0_i32_1 = arith.constant 0 : i32
    return %c0_i32, %c0_i32_0 : i32, i32
  }
  func.func @transform_3(%arg0: i32) -> (i32, i32) {
    %c0_i32 = arith.constant 0 : i32
    %c0_i32_0 = arith.constant 0 : i32
    %c0_i32_1 = arith.constant 0 : i32
    return %c0_i32, %c0_i32_0 : i32, i32
  }
  func.func @transform_4(%arg0: i32) -> (i32, i32) {
    %c0_i32 = arith.constant 0 : i32
    %c0_i32_0 = arith.constant 0 : i32
    %c0_i32_1 = arith.constant 0 : i32
    return %c0_i32, %c0_i32_0 : i32, i32
  }
  func.func @transform_5(%arg0: i32) -> (i32, i32) {
    %c0_i32 = arith.constant 0 : i32
    %c0_i32_0 = arith.constant 0 : i32
    %c0_i32_1 = arith.constant 0 : i32
    return %c0_i32, %c0_i32_0 : i32, i32
  }
  func.func @transform_6(%arg0: i32) -> (i32, i32) {
    %c0_i32 = arith.constant 0 : i32
    %c0_i32_0 = arith.constant 0 : i32
    %c0_i32_1 = arith.constant 0 : i32
    return %c0_i32, %c0_i32_0 : i32, i32
  }
  func.func @transform_7(%arg0: i32) -> (i32, i32) {
    %c0_i32 = arith.constant 0 : i32
    %c0_i32_0 = arith.constant 0 : i32
    return %arg0, %c0_i32 : i32, i32
  }
}

module attributes {stable_mosaic.version = 14 : i64} {
  func.func @_gru_body(%arg0: i32, %arg1: memref<2x2000x128xf32, #tpu.memory_space<vmem>>, %arg2: memref<2000x128xf32, #tpu.memory_space<vmem>>, %arg3: memref<128x128xf32, #tpu.memory_space<vmem>>, %arg4: memref<128x384xf32, #tpu.memory_space<vmem>>, %arg5: memref<1x384xf32, #tpu.memory_space<vmem>>, %arg6: memref<128x384xf32, #tpu.memory_space<vmem>>, %arg7: memref<1x384xf32, #tpu.memory_space<vmem>>, %arg8: memref<2000x128xf32, #tpu.memory_space<vmem>>) attributes {dimension_semantics = [#tpu.dimension_semantics<arbitrary>], iteration_bounds = array<i64: 5>, scalar_prefetch = 0 : i64, scratch_operands = 0 : i64, tpu.core_type = #tpu.core_type<tc>, window_params = [{transform_indices = @transform_0, window_bounds = array<i64: 2, 2000, 128>}, {transform_indices = @transform_1, window_bounds = array<i64: 2000, 128>}, {pipeline_mode = #tpu.pipeline_mode<synchronous>, transform_indices = @transform_2, window_bounds = array<i64: 128, 128>}, {pipeline_mode = #tpu.pipeline_mode<synchronous>, transform_indices = @transform_3, window_bounds = array<i64: 128, 384>}, {pipeline_mode = #tpu.pipeline_mode<synchronous>, transform_indices = @transform_4, window_bounds = array<i64: 1, 384>}, {pipeline_mode = #tpu.pipeline_mode<synchronous>, transform_indices = @transform_5, window_bounds = array<i64: 128, 384>}, {pipeline_mode = #tpu.pipeline_mode<synchronous>, transform_indices = @transform_6, window_bounds = array<i64: 1, 384>}, {transform_indices = @transform_7, window_bounds = array<i64: 2000, 128>}]} {
    %get3A = arith.constant 0 : index
    %get3A_0 = arith.constant 0 : index
    %get3A_1 = arith.constant 0 : index
    %get3A_2 = vector.load %arg1[%get3A, %get3A_0, %get3A_1] : memref<2x2000x128xf32, #tpu.memory_space<vmem>>, vector<1x2000x128xf32>
    %get3A_3 = vector.shape_cast %get3A_2 : vector<1x2000x128xf32> to vector<2000x128xf32>
    %get3A_4 = arith.constant 1 : index
    %get3A_5 = arith.constant 0 : index
    %get3A_6 = arith.constant 0 : index
    %get3A_7 = vector.load %arg1[%get3A_4, %get3A_5, %get3A_6] : memref<2x2000x128xf32, #tpu.memory_space<vmem>>, vector<1x2000x128xf32>
    %get3A_8 = vector.shape_cast %get3A_7 : vector<1x2000x128xf32> to vector<2000x128xf32>
    %add3A = arith.addf %get3A_3, %get3A_8 : vector<2000x128xf32>
    %get3A_9 = arith.constant 0 : index
    %get3A_10 = arith.constant 0 : index
    %get3A_11 = vector.load %arg2[%get3A_9, %get3A_10] : memref<2000x128xf32, #tpu.memory_space<vmem>>, vector<2000x128xf32>
    %get3A_12 = arith.constant 0 : index
    %get3A_13 = arith.constant 0 : index
    %get3A_14 = vector.load %arg3[%get3A_12, %get3A_13] : memref<128x128xf32, #tpu.memory_space<vmem>>, vector<128x128xf32>
    %dot_general3A = arith.constant dense<0.000000e+00> : vector<2000x128xf32>
    %dot_general3A_15 = tpu.matmul %add3A, %get3A_14, %dot_general3A {dimension_numbers = #tpu.dot_dimension_numbers<[1], [0], [0], [1], [0, 0, 1, 1], [], []>, transpose_lhs_hint = false} : vector<2000x128xf32>, vector<128x128xf32>, vector<2000x128xf32> -> vector<2000x128xf32>
    %get3A_16 = arith.constant 0 : index
    %get3A_17 = arith.constant 0 : index
    %get3A_18 = vector.load %arg4[%get3A_16, %get3A_17] : memref<128x384xf32, #tpu.memory_space<vmem>>, vector<128x384xf32>
    %dot_general3A_19 = arith.constant dense<0.000000e+00> : vector<2000x384xf32>
    %dot_general3A_20 = tpu.matmul %dot_general3A_15, %get3A_18, %dot_general3A_19 {dimension_numbers = #tpu.dot_dimension_numbers<[1], [0], [0], [1], [0, 0, 1, 1], [], []>, transpose_lhs_hint = false} : vector<2000x128xf32>, vector<128x384xf32>, vector<2000x384xf32> -> vector<2000x384xf32>
    %get3A_21 = arith.constant 0 : index
    %get3A_22 = arith.constant 0 : index
    %get3A_23 = vector.load %arg5[%get3A_21, %get3A_22] : memref<1x384xf32, #tpu.memory_space<vmem>>, vector<1x384xf32>
    %add3A_24 = vector.broadcast %get3A_23 : vector<1x384xf32> to vector<2000x384xf32>
    %add3A_25 = arith.addf %dot_general3A_20, %add3A_24 : vector<2000x384xf32>
    %get3A_26 = arith.constant 0 : index
    %get3A_27 = arith.constant 0 : index
    %get3A_28 = vector.load %arg6[%get3A_26, %get3A_27] : memref<128x384xf32, #tpu.memory_space<vmem>>, vector<128x384xf32>
    %dot_general3A_29 = arith.constant dense<0.000000e+00> : vector<2000x384xf32>
    %dot_general3A_30 = tpu.matmul %get3A_11, %get3A_28, %dot_general3A_29 {dimension_numbers = #tpu.dot_dimension_numbers<[1], [0], [0], [1], [0, 0, 1, 1], [], []>, transpose_lhs_hint = false} : vector<2000x128xf32>, vector<128x384xf32>, vector<2000x384xf32> -> vector<2000x384xf32>
    %get3A_31 = arith.constant 0 : index
    %get3A_32 = arith.constant 0 : index
    %get3A_33 = vector.load %arg7[%get3A_31, %get3A_32] : memref<1x384xf32, #tpu.memory_space<vmem>>, vector<1x384xf32>
    %add3A_34 = vector.broadcast %get3A_33 : vector<1x384xf32> to vector<2000x384xf32>
    %add3A_35 = arith.addf %dot_general3A_30, %add3A_34 : vector<2000x384xf32>
    %slice3A = vector.extract_strided_slice %add3A_25 {offsets = [0, 0], sizes = [2000, 128], strides = [1, 1]} : vector<2000x384xf32> to vector<2000x128xf32>
    %slice3A_36 = vector.extract_strided_slice %add3A_35 {offsets = [0, 0], sizes = [2000, 128], strides = [1, 1]} : vector<2000x384xf32> to vector<2000x128xf32>
    %add3A_37 = arith.addf %slice3A, %slice3A_36 : vector<2000x128xf32>
    %logistic3A = arith.negf %add3A_37 : vector<2000x128xf32>
    %logistic3A_38 = math.exp %logistic3A : vector<2000x128xf32>
    %logistic3A_39 = arith.constant 1.000000e+00 : f32
    %logistic3A_40 = vector.broadcast %logistic3A_39 : f32 to vector<2000x128xf32>
    %logistic3A_41 = arith.addf %logistic3A_40, %logistic3A_38 : vector<2000x128xf32>
    %logistic3A_42 = arith.divf %logistic3A_40, %logistic3A_41 : vector<2000x128xf32>
    %slice3A_43 = vector.extract_strided_slice %add3A_25 {offsets = [0, 128], sizes = [2000, 128], strides = [1, 1]} : vector<2000x384xf32> to vector<2000x128xf32>
    %slice3A_44 = vector.extract_strided_slice %add3A_35 {offsets = [0, 128], sizes = [2000, 128], strides = [1, 1]} : vector<2000x384xf32> to vector<2000x128xf32>
    %add3A_45 = arith.addf %slice3A_43, %slice3A_44 : vector<2000x128xf32>
    %logistic3A_46 = arith.negf %add3A_45 : vector<2000x128xf32>
    %logistic3A_47 = math.exp %logistic3A_46 : vector<2000x128xf32>
    %logistic3A_48 = arith.constant 1.000000e+00 : f32
    %logistic3A_49 = vector.broadcast %logistic3A_48 : f32 to vector<2000x128xf32>
    %logistic3A_50 = arith.addf %logistic3A_49, %logistic3A_47 : vector<2000x128xf32>
    %logistic3A_51 = arith.divf %logistic3A_49, %logistic3A_50 : vector<2000x128xf32>
    %slice3A_52 = vector.extract_strided_slice %add3A_25 {offsets = [0, 256], sizes = [2000, 128], strides = [1, 1]} : vector<2000x384xf32> to vector<2000x128xf32>
    %slice3A_53 = vector.extract_strided_slice %add3A_35 {offsets = [0, 256], sizes = [2000, 128], strides = [1, 1]} : vector<2000x384xf32> to vector<2000x128xf32>
    %mul3A = arith.mulf %logistic3A_42, %slice3A_53 : vector<2000x128xf32>
    %add3A_54 = arith.addf %slice3A_52, %mul3A : vector<2000x128xf32>
    %tanh3A = math.tanh %add3A_54 : vector<2000x128xf32>
    %sub3A = arith.constant 1.000000e+00 : f32
    %sub3A_55 = vector.broadcast %sub3A : f32 to vector<2000x128xf32>
    %sub3A_56 = arith.subf %sub3A_55, %logistic3A_51 : vector<2000x128xf32>
    %mul3A_57 = arith.mulf %sub3A_56, %tanh3A : vector<2000x128xf32>
    %mul3A_58 = arith.mulf %logistic3A_51, %get3A_11 : vector<2000x128xf32>
    %add3A_59 = arith.addf %mul3A_57, %mul3A_58 : vector<2000x128xf32>
    %swap3A = arith.constant 0 : index
    %swap3A_60 = arith.constant 0 : index
    %swap3A_61 = vector.load %arg8[%swap3A, %swap3A_60] : memref<2000x128xf32, #tpu.memory_space<vmem>>, vector<2000x128xf32>
    tpu.vector_store %arg8[%swap3A, %swap3A_60], %add3A_59 {strides = array<i32>} : memref<2000x128xf32, #tpu.memory_space<vmem>>, vector<2000x128xf32>,
    return
  }
  func.func @transform_0(%arg0: i32) -> (i32, i32, i32) {
    %c0_i32 = arith.constant 0 : i32
    %c0_i32_0 = arith.constant 0 : i32
    %c0_i32_1 = arith.constant 0 : i32
    return %c0_i32, %arg0, %c0_i32_0 : i32, i32, i32
  }
  func.func @transform_1(%arg0: i32) -> (i32, i32) {
    %c0_i32 = arith.constant 0 : i32
    %c0_i32_0 = arith.constant 0 : i32
    return %arg0, %c0_i32 : i32, i32
  }
  func.func @transform_2(%arg0: i32) -> (i32, i32) {
    %c0_i32 = arith.constant 0 : i32
    %c0_i32_0 = arith.constant 0 : i32
    %c0_i32_1 = arith.constant 0 : i32
    return %c0_i32, %c0_i32_0 : i32, i32
  }
  func.func @transform_3(%arg0: i32) -> (i32, i32) {
    %c0_i32 = arith.constant 0 : i32
    %c0_i32_0 = arith.constant 0 : i32
    %c0_i32_1 = arith.constant 0 : i32
    return %c0_i32, %c0_i32_0 : i32, i32
  }
  func.func @transform_4(%arg0: i32) -> (i32, i32) {
    %c0_i32 = arith.constant 0 : i32
    %c0_i32_0 = arith.constant 0 : i32
    %c0_i32_1 = arith.constant 0 : i32
    return %c0_i32, %c0_i32_0 : i32, i32
  }
  func.func @transform_5(%arg0: i32) -> (i32, i32) {
    %c0_i32 = arith.constant 0 : i32
    %c0_i32_0 = arith.constant 0 : i32
    %c0_i32_1 = arith.constant 0 : i32
    return %c0_i32, %c0_i32_0 : i32, i32
  }
  func.func @transform_6(%arg0: i32) -> (i32, i32) {
    %c0_i32 = arith.constant 0 : i32
    %c0_i32_0 = arith.constant 0 : i32
    %c0_i32_1 = arith.constant 0 : i32
    return %c0_i32, %c0_i32_0 : i32, i32
  }
  func.func @transform_7(%arg0: i32) -> (i32, i32) {
    %c0_i32 = arith.constant 0 : i32
    %c0_i32_0 = arith.constant 0 : i32
    return %arg0, %c0_i32 : i32, i32
  }
}

</mosaic_0001>

<sc_bundles>
// kernel: kernel.12.cloned.1.call-start
scs
__scs_entry_jumppad:
0x0: {  	(pc) =	sbr.rel $0x88, $3  }
0x1: {  	(tag) =	ssettag $0x0;
	lr =	simm.s32 $0x1  }
0x2: {  	[smem:$0x3F98] =	sst lr;
	_ =	strace $0xD0000000  }
0x3: {  	_ = 	snop  }
0x4: {  	_ = 	snop  }
0x5: {  	_ = 	snop  }
0x6: {  	_ = 	snop  }
0x7: {  	_ = 	snop  }
__scs_overlays_trampoline_lowered:
0x8: {  	[smem:$0x3FA7] =	sst s0  }
0x9: {  	[smem:$0x3FA8] =	sst s1  }
0xa: {  	[smem:$0x3FA9] =	sst s2  }
0xb: {  	[smem:$0x3FAA] =	sst s3  }
0xc: {  	[smem:$0x3FAB] =	sst s4  }
0xd: {  	[smem:$0x3FAC] =	sst s5  }
0xe: {  	[smem:$0x3FAD] =	sst s6  }
0xf: {  	[smem:$0x3FAE] =	sst s7  }
0x10: {  	[smem:$0x3FAF] =	sst s8  }
0x11: {  	[smem:$0x3FB0] =	sst s9;
	s0 =	simm.s32 @!p0 $0x0  }
0x12: {  	s1 =	sld [smem:$0x3F96];
	s0 =	simm.s32 @p0 $0x1  }
0x13: {  	[smem:$0x3FB1] =	sst s0;
	s0 =	simm.s32 @!p1 $0x0  }
0x14: {  	s2 =	sld [smem:$0x3F95];
	s0 =	simm.s32 @p1 $0x1  }
0x15: {  	[smem:$0x3FB2] =	sst s0;
	s0 =	simm.s32 @!p2 $0x0  }
0x16: {  	s3 =	sld [smem:$0x3FDB];
	s0 =	simm.s32 @p2 $0x1  }
0x17: {  	s4 =	simm.s32 $0x1BF5;
	[smem:$0x3FB4] =	sst s0  }
0x18: {  	s0 =	sld [smem:$0x3F97];
	_ =	swait.ge [sflag:s4], $0x0  }
0x19: {  	s7 =	sld [smem:$0x3F98]  }
0x1a: {  	s8 =	sadd.s32 $0xFFFFE003, lr  }
0x1b: {  	s9 =	sadd.s32 $0xFFFFFEF7, lr;
	s5 =	simm.s32 $0xFFFFFFFF;
	p2 =	slt.u32 s8, $0xFFFFF086  }
0x1c: {  	p1 =	slt.u32 s9, $0xF7A;
	s5 =	simm.s32 @!p2 $0x0  }
0x1d: {  	s5 =	simm.s32 @p1 $0x1;
	p0 =	seq.s32 s7, s2  }
0x1e: {  	s7 =	smul.u32 @!p0 $0xF7A, s2;
	p2 =	seq.s32 @!p0 s5, $0x0  }
0x1f: {  	s9 =	smul.u32 $0xF7A, s1;
	s8 =	simm.s32 @!p0 $0x1BF5;
	p2 =	por !p2, p0  }
0x20: {  	[sflag:s8] =	ssyncset.s32 @!p0 $0xFFFFF086;
	s6 =	sadd.s32 @!p0 s3, s7;
	s7 =	simm.s32 @!p0 $0x108  }
0x21: {  	s3 =	sadd.s32 s3, s9;
	s6 =	sadd.s32 @!p0 $0x88, s6;
	s7 =	simm.s32 @p2 $0x1082  }
0x22: {  	[simem:s7], [sflag:s8] =	dma.local @!p0 [hbm:s6], $0xF7A  }
0x23: {  	s9 =	sor.u32 $0xD0000000, s2;
	s6 =	simm.s32 $0x108;
	_ =	swait.ge @!p0 [sflag:s8], $0x0  }
0x24: {  	s3 =	sadd.s32 $0x88, s3;
	s6 =	simm.s32 @!p1 $0x1082;
	[sflag:s4] =	ssyncset.s32 $0xFFFFF086  }
0x25: {  	[simem:s6], [sflag:s4] =	dma.local [hbm:s3], $0xF7A  }
0x26: {  	[smem:$0x3F98] =	sst s1;
	(tag) =	ssettag s2;
	_ =	strace s9  }
0x27: {  	s1 =	sld [smem:$0x3FA8]  }
0x28: {  	s2 =	sld [smem:$0x3FA9]  }
0x29: {  	s4 =	sld [smem:$0x3FAB]  }
0x2a: {  	p0 =	seq.s32 s5, $0x0;
	s5 =	sld [smem:$0x3FAC]  }
0x2b: {  	s6 =	sld [smem:$0x3FAD]  }
0x2c: {  	s7 =	sld [smem:$0x3FAE]  }
0x2d: {  	s3 =	simm.s32 $0x108;
	s8 =	sld [smem:$0x3FAF]  }
0x2e: {  	s3 =	simm.s32 @!p0 $0x1082;
	s9 =	sld [smem:$0x3FB0]  }
0x2f: {  	lr =	sadd.s32 s0, s3;
	s0 =	sld [smem:$0x3FA7]  }
0x30: {  	s3 =	sld [smem:$0x3FAA]  }
0x31: {  	[smem:$0x3FB3] =	sst s10  }
0x32: {  	s10 =	sld [smem:$0x3FB1];
	_ =	sdelay $0x3  }
0x33: {  	p0 =	seq.s32 s10, $0x1;
	s10 =	sld [smem:$0x3FB3];
	_ =	sdelay $0x3  }
0x34: {  	[smem:$0x3FB3] =	sst s10  }
0x35: {  	s10 =	sld [smem:$0x3FB2];
	_ =	sdelay $0x3  }
0x36: {  	p1 =	seq.s32 s10, $0x1;
	s10 =	sld [smem:$0x3FB3];
	_ =	sdelay $0x3  }
0x37: {  	[smem:$0x3FB3] =	sst s10  }
0x38: {  	s10 =	sld [smem:$0x3FB4]  }
0x39: {  	_ = 	snop;
	(pc) =	sbr.ind lr, $3  }
0x3a: {  	_ = 	snop  }
0x3b: {  	_ = 	snop  }
0x3c: {  	p2 =	seq.s32 s10, $0x1;
	s10 =	sld [smem:$0x3FB3]  }
0x3d: {  	_ =	shalt  }
0x3e: {  	_ =	shalt  }
0x3f: {  	_ =	shalt  }
0x40: {  	_ =	shalt  }
0x41: {  	_ =	shalt  }
0x42: {  	_ =	shalt  }
0x43: {  	_ =	shalt  }
0x44: {  	_ =	shalt  }
0x45: {  	_ =	shalt  }
0x46: {  	_ =	shalt  }
0x47: {  	_ =	shalt  }
0x48: {  	_ =	shalt  }
0x49: {  	_ =	shalt  }
0x4a: {  	_ =	shalt  }
0x4b: {  	_ =	shalt  }
0x4c: {  	_ =	shalt  }
0x4d: {  	_ =	shalt  }
0x4e: {  	_ =	shalt  }
0x4f: {  	_ =	shalt  }
0x50: {  	_ =	shalt  }
0x51: {  	_ =	shalt  }
0x52: {  	_ =	shalt  }
0x53: {  	_ =	shalt  }
0x54: {  	_ =	shalt  }
0x55: {  	_ =	shalt  }
0x56: {  	_ =	shalt  }
0x57: {  	_ =	shalt  }
0x58: {  	_ =	shalt  }
0x59: {  	_ =	shalt  }
0x5a: {  	_ =	shalt  }
0x5b: {  	_ =	shalt  }
0x5c: {  	_ =	shalt  }
0x5d: {  	_ =	shalt  }
0x5e: {  	_ =	shalt  }
0x5f: {  	_ =	shalt  }
0x60: {  	_ =	shalt  }
0x61: {  	_ =	shalt  }
0x62: {  	_ =	shalt  }
0x63: {  	_ =	shalt  }
0x64: {  	_ =	shalt  }
0x65: {  	_ =	shalt  }
0x66: {  	_ =	shalt  }
0x67: {  	_ =	shalt  }
0x68: {  	_ =	shalt  }
0x69: {  	_ =	shalt  }
0x6a: {  	_ =	shalt  }
0x6b: {  	_ =	shalt  }
0x6c: {  	_ =	shalt  }
0x6d: {  	_ =	shalt  }
0x6e: {  	_ =	shalt  }
0x6f: {  	_ =	shalt  }
0x70: {  	_ =	shalt  }
0x71: {  	_ =	shalt  }
0x72: {  	_ =	shalt  }
0x73: {  	_ =	shalt  }
0x74: {  	_ =	shalt  }
0x75: {  	_ =	shalt  }
0x76: {  	_ =	shalt  }
0x77: {  	_ =	shalt  }
0x78: {  	_ =	shalt  }
0x79: {  	_ =	shalt  }
0x7a: {  	_ =	shalt  }
0x7b: {  	_ =	shalt  }
0x7c: {  	_ =	shalt  }
0x7d: {  	_ =	shalt  }
0x7e: {  	_ =	shalt  }
0x7f: {  	_ =	shalt  }
0x80: {  	_ =	shalt  }
0x81: {  	_ =	shalt  }
0x82: {  	_ =	shalt  }
0x83: {  	_ =	shalt  }
0x84: {  	_ =	shalt  }
0x85: {  	_ =	shalt  }
0x86: {  	_ =	shalt  }
0x87: {  	_ =	shalt  }
.Lfunc_end0:
.L_simem_size_0:
called_computation.1_lowered:
.L_overlay_start_0:
0x88: {  	s2 =	sld [smem:$0x3FD9]  }
0x89: {  	s3 =	sld [smem:$0x3FFE];
	_ =	sdelay $0x1  }
0x8a: {  	s1 =	srdreg.scid  }
0x8b: {  	s0 =	sand.u32 $0x1, s1  }
0x8c: {  	s17 =	sshll.u32 s0, $0xA;
	s2 =	sadd.s32 s3, s2  }
0x8d: {  	s2 =	sadd.s32 s2, s17  }
0x8e: {  	[smem:$0x3FBF] =	sst s2  }
0x8f: {  	_ = 	snop  }
0x90: {  	s2 =	sld [smem:$0x3FD0];
	(tm) =	ssettm $0x1  }
0x91: {  	s18 =	sld [smem:$0x3FFB];
	_ =	sdelay $0x3  }
0x92: {  	_ =	strace s18  }
0x93: {  	s3 =	sld [smem:$0x3FFC];
	_ =	sdelay $0x3  }
0x94: {  	_ =	strace s3  }
0x95: {  	s3 =	sld [smem:$0x3FFD];
	_ =	sdelay $0x3  }
0x96: {  	_ =	strace s3  }
0x97: {  	_ =	strace $0x8FFFFFFF  }
0x98: {  	s19 =	sld [smem:$0x3FDB];
	_ =	sdelay $0x1  }
0x99: {  	s4 =	simm.s32 $_scs_section_size  }
0x9a: {  	s5 =	simm.s32 $_size__tile_overlayer_lowered;
	s6 =	simm.s32 $_tile_overlayer_lowered  }
0x9b: {  	s22 =	simm.s32 $0x1BFF;
	s21 =	sshll.u32 s6, $0x1;
	s3 =	sadd.s32 s4, s19  }
0x9c: {  	s7 =	simm.s32 $0x0;
	s20 =	sshll.u32 s5, $0x1;
	s5 =	sadd.s32 s21, s3  }
0x9d: {  	[timem:s7], [sflag:s22] =	dma.local [hbm:s5], s20  }
0x9e: {  	_ =	swait.ge [sflag:s22], s20  }
0x9f: {  	s4 =	ssub.s32 $0x0, s20;
	[sflag:s22] =	ssyncset.done $0x0  }
0xa0: {  	[sflag:s22] =	ssyncadd.s32 s4;
	_ =	sdelay $0x1  }
0xa1: {  	s23 =	simm.s32 $0x1B8B  }
0xa2: {  	_ =	swait.ge [sflag:s23], $0x1  }
0xa3: {  	[sflag:s23] =	ssyncset.done $0x0  }
0xa4: {  	s25 =	simm.s32 $0x1B8E;
	s24 =	sld [smem:$0x3FFE];
	[sflag:s23] =	ssyncadd.s32 $0xFFFFFFFF  }
0xa5: {  	s26 =	simm.s32 $execute0_lowered;
	[smem:$0x3FD2] =	sst s25  }
0xa6: {  	s5 =	sshll.u32 s26, $0x1;
	_ =	strace $0x80000049;
	[dreg:$0x1] =	wrdreg $0xFFFFFFFF  }
0xa7: {  	s28 =	simm.s32 $_size_execute0_lowered;
	s3 =	sadd.s32 s3, s5;
	[dreg:$0x0] =	wrdreg $0x0  }
0xa8: {  	s5 =	sshll.u32 s28, $0x1;
	[dreg:$0x2] =	wrdreg s3  }
0xa9: {  	[dreg:$0x3] =	wrdreg s5  }
0xaa: {  	[dreg:$0x4] =	wrdreg $0xC0  }
0xab: {  	_ =	task [dreg:s7], $0x5FFFF  }
0xac: {  	[dreg:$0x1] =	wrdreg $0xFFFFFFFF  }
0xad: {  	[dreg:$0x0] =	wrdreg $0x60  }
0xae: {  	[dreg:$0x2] =	wrdreg s2  }
0xaf: {  	[dreg:$0x3] =	wrdreg s24  }
0xb0: {  	[dreg:$0x4] =	wrdreg $0x82000  }
0xb1: {  	[dreg:$0x5] =	wrdreg $0x9  }
0xb2: {  	_ =	task.clear_ibuf [dreg:s7], $0x6FFFF;
	_ =	strace $0x90000049  }
0xb3: {  	s29 =	simm.s32 $0x9;
	_ =	strace $0x8000004B  }
0xb4: {  	_ =	swait.ge [sflag:s29], $0x1  }
0xb5: {  	[sflag:s29] =	ssyncadd.s32 $0xFFFFFFFF  }
0xb6: {  	_ =	strace $0x9000004B  }
0xb7: {  	_ =	sfence  }
0xb8: {  	s30 =	sld [smem:$0x0];
	_ =	sdelay $0x2  }
0xb9: {  	s31 =	sshll.u32 s1, $0xD;
	s1 =	sshrl.u32 s1, $0x2  }
0xba: {  	s3 =	sand.u32 $0x4000, s31;
	s1 =	sadd.s32 s1, s30  }
0xbb: {  	s0 =	sor.u32 s3, s0;
	s1 =	sshll.u32 s1, $0x11  }
0xbc: {  	s0 =	sor.u32 s1, s0  }
0xbd: {  	s0 =	sadd.s32 $0x8F2B, s0  }
0xbe: {  	[sflag:s0] =	ssyncadd.remote.s32 $0x1  }
0xbf: {  	_ =	sfence.sel $0xFFFF  }
0xc0: {  	[dreg:$0x0] =	wrdreg $0xFFFFFFFF;
	(pc) =	sbr.abs _section_cstart, $3  }
0xc1: {  	[dreg:$0x1] =	wrdreg $0xFFFFFFFF  }
0xc2: {  	_ =	task.clear_ibuf [dreg:s7], $0x2FFFF;
	_ =	strace $0x9FFFFFFF  }
0xc3: {  	(tm) =	ssettm $0x7FFFFFFF  }
tec
execute0_lowered:
.L_overlay_start_1:
0x0: {  	(tag) =	ssettag $0x1  }
0x1: {  	s1 =	rddreg [dreg:$0x0]  }
0x2: {  	s0 =	rddreg [dreg:$0x1]  }
0x3: {  	s2 =	rddreg [dreg:$0x2];
	s4 =	simm.s32 $0x0;
	s3 =	srdreg.scid  }
0x4: {  	s10 =	stileid.u32;
	s28 =	simm.s32 $0x5;
	s29 =	simm.s32 $0x1  }
0x5: {  	s30 =	simm.s32 $0x2;
	s31 =	simm.s32 $0x4200;
	[smem:$0x7FF] =	sst s4  }
0x6: {  	s3 =	sand.u32 $0x1, s3;
	s8 =	smul.u32 $0x14000, s10;
	s9 =	sshll.u32 s10, $0x1  }
0x7: {  	s5 =	sadd.s32 $0x2E00, s0;
	s6 =	sadd.s32 $0xCE00, s0;
	s10 =	smul.u32 $0x50000, s10  }
0x8: {  	s7 =	smul.u32 $0x140000, s3;
	s9 =	sor.u32 s3, s9;
	s3 =	ssub.s32 $0x2, s3  }
0x9: {  	_ =	strace $0x8000004A;
	s19 =	sshrl.u32 s3, $0x1;
	s10 =	sshrl.u32 s10, $0x2  }
0xa: {  	s8 =	sadd.s32 s8, s7;
	s7 =	smul.u32 $0x2800, s9;
	s3 =	ssub.s32 s3, s19  }
0xb: {  	s8 =	sshrl.u32 s8, $0x3;
	s18 =	smax.u32 s3, $0x1;
	s3 =	simm.s32 $0x4  }
0xc: {  	s0 =	sadd.s32 s8, s0;
	s20 =	sshrl.u32 s7, $0x3;
	s8 =	simm.s32 $0x0  }
0xd: {  	s21 =	sadd.s32 s5, s20;
	s22 =	sor.u32 $0x10, s20;
	s11 =	sadd.s32 s6, s20  }
0xe: {  	s17 =	sadd.s32 $0x16E00, s0;
	s25 =	sadd.s32 $0x4F0, s20;
	[dreg:$0x4] =	wrdreg s21  }
0xf: {  	s26 =	sadd.s32 $0x4E0, s20;
	s0 =	simm.s32 $0x3;
	[dreg:$0x5] =	wrdreg s11  }
0x10: {  	s23 =	sadd.s32 s5, s22;
	s11 =	sadd.s32 s10, s2;
	s9 =	sadd.s32 s6, s22  }
0x11: {  	s19 =	sadd.s32 s5, s25;
	s20 =	sadd.s32 s6, s25;
	s21 =	sadd.s32 s5, s26  }
0x12: {  	s22 =	sadd.s32 s6, s26;
	s25 =	simm.s32 $0x180;
	[dreg:$0x6] =	wrdreg s23  }
0x13: {  	s26 =	simm.s32 $0x200;
	[dreg:$0x7] =	wrdreg s9;
	s24 =	sadd.s32 $0x4000, s11  }
0x14: {  	s14 =	sadd.s32 $0x8000, s11;
	s15 =	sadd.s32 $0xC000, s11;
	s16 =	sadd.s32 $0x10000, s11  }
0x15: {  	v0 =	vimm.f32 $0.0e+00;
	s23 =	simm.s32 $0x80;
	[dreg:$0x8] =	wrdreg s24;
	s24 =	simm.s32 $0x100  }
.LBB2_1:
0x16: {  	s9 =	rddreg [dreg:$0x4]  }
0x17: {  	[tilespmem:s4], [sflag:$0x1] =	stream.linear.gather [hbm4b:s9+s4], $0x80, $0x38;
	[tilespmem:$0x1C200] =	vst v63  }
0x18: {  	s10 =	rddreg [dreg:$0x5]  }
0x19: {  	[tilespmem:s23], [sflag:$0x1] =	stream.linear.gather [hbm4b:s10+s4], $0x80, $0x38;
	[tilespmem:$0x1C200] =	vst v63  }
0x1a: {  	s12 =	rddreg [dreg:$0x6]  }
0x1b: {  	[tilespmem:s24], [sflag:$0x2] =	stream.linear.gather [hbm4b:s12+s4], $0x80, $0x38;
	[tilespmem:$0x1C200] =	vst v63  }
0x1c: {  	s13 =	rddreg [dreg:$0x7];
	s9 =	simm.s32 $0x0;
	s10 =	simm.s32 $0x200  }
0x1d: {  	[tilespmem:s25], [sflag:$0x2] =	stream.linear.gather [hbm4b:s13+s4], $0x80, $0x38;
	[tilespmem:$0x1C200] =	vst v63  }
.LBB2_2:
0x1e: {  	p0 =	sne.s32 s10, $0xFE00;
	[tilespmem:s9+$0x270] =	vst v0  }
0x1f: {  	[tilespmem:s9+$0x200] =	vst v0  }
0x20: {  	[tilespmem:s9+$0x210] =	vst v0  }
.Ltmp0:
0x21: {  	[tilespmem:s9+$0x220] =	vst v0;
	(pc) =	sbr.rel @p0 .LBB2_2-.Ltmp0, $4  }
0x22: {  	[tilespmem:s9+$0x230] =	vst v0  }
0x23: {  	[tilespmem:s9+$0x240] =	vst v0  }
0x24: {  	[tilespmem:s9+$0x250] =	vst v0  }
0x25: {  	[tilespmem:s9+$0x260] =	vst v0;
	s9 =	sshra.s32 s10, $0x2;
	s10 =	sadd.s32 $0x200, s10  }
0x26: {  	[tilespmem:s9+$0x270] =	vst v0  }
0x27: {  	[tilespmem:s9+$0x200] =	vst v0  }
0x28: {  	[tilespmem:s9+$0x210] =	vst v0  }
0x29: {  	[tilespmem:s9+$0x220] =	vst v0  }
0x2a: {  	[tilespmem:s9+$0x230] =	vst v0  }
0x2b: {  	[tilespmem:s9+$0x240] =	vst v0  }
0x2c: {  	[tilespmem:s9+$0x250] =	vst v0  }
0x2d: {  	[tilespmem:s9+$0x260] =	vst v0  }
0x2e: {  	[spmem:s11] =	stream.linear.scatter [tilespmem:s26], [sflag:$0x5], $0x4000, $0x38;
	[tilespmem:$0x1C200] =	vst v63  }
0x2f: {  	_ =	swait.ge [sflag:s28], $0x4000  }
0x30: {  	[sflag:s28] =	ssyncset.done $0x0  }
0x31: {  	s10 =	rddreg [dreg:$0x8];
	[sflag:s28] =	ssyncadd.s32 $0xFFFFC000  }
0x32: {  	[spmem:s10] =	stream.linear.scatter [tilespmem:s26], [sflag:$0x5], $0x4000, $0x38;
	[tilespmem:$0x1C200] =	vst v63  }
0x33: {  	_ =	swait.ge [sflag:s28], $0x4000  }
0x34: {  	[sflag:s28] =	ssyncset.done $0x0  }
0x35: {  	[sflag:s28] =	ssyncadd.s32 $0xFFFFC000  }
0x36: {  	[spmem:s14] =	stream.linear.scatter [tilespmem:s26], [sflag:$0x5], $0x4000, $0x38;
	[tilespmem:$0x1C200] =	vst v63  }
0x37: {  	_ =	swait.ge [sflag:s28], $0x4000  }
0x38: {  	[sflag:s28] =	ssyncset.done $0x0  }
0x39: {  	[sflag:s28] =	ssyncadd.s32 $0xFFFFC000  }
0x3a: {  	[spmem:s15] =	stream.linear.scatter [tilespmem:s26], [sflag:$0x5], $0x4000, $0x38;
	[tilespmem:$0x1C200] =	vst v63  }
0x3b: {  	_ =	swait.ge [sflag:s28], $0x4000  }
0x3c: {  	[sflag:s28] =	ssyncset.done $0x0  }
0x3d: {  	[sflag:s28] =	ssyncadd.s32 $0xFFFFC000  }
0x3e: {  	[spmem:s16] =	stream.linear.scatter [tilespmem:s26], [sflag:$0x5], $0x4000, $0x38;
	[tilespmem:$0x1C200] =	vst v63  }
0x3f: {  	_ =	swait.ge [sflag:s28], $0x4000  }
0x40: {  	[sflag:s28] =	ssyncset.done $0x0  }
0x41: {  	[sflag:s28] =	ssyncadd.s32 $0xFFFFC000  }
0x42: {  	_ =	swait.ge [sflag:s29], $0x80  }
0x43: {  	[sflag:s29] =	ssyncset.done $0x0  }
0x44: {  	[sflag:s29] =	ssyncadd.s32 $0xFFFFFF80  }
0x45: {  	_ =	swait.ge [sflag:s29], $0x80  }
0x46: {  	[sflag:s29] =	ssyncset.done $0x0  }
0x47: {  	[sflag:s29] =	ssyncadd.s32 $0xFFFFFF80  }
0x48: {  	[tilespmem:s26], [sflag:$0x3] =	stream.indirect.gather [hbm4b:s1+s23], $0x80, s4, s23, $0xb8;
	[tilespmem:$0x1C200] =	vst v63  }
0x49: {  	[bflag:$0x0] =	sbarrier.arrive $0xFFFF  }
0x4a: {  	_ =	swait.ge [sflag:s30], $0x80  }
0x4b: {  	[sflag:s30] =	ssyncset.done $0x0  }
0x4c: {  	[sflag:s30] =	ssyncadd.s32 $0xFFFFFF80  }
0x4d: {  	_ =	swait.ge [sflag:s30], $0x80  }
0x4e: {  	[sflag:s30] =	ssyncset.done $0x0  }
0x4f: {  	[sflag:s30] =	ssyncadd.s32 $0xFFFFFF80  }
0x50: {  	[tilespmem:s31], [sflag:$0x4] =	stream.indirect.gather [hbm4b:s1+s23], $0x80, s24, s23, $0xb8;
	[tilespmem:$0x1C200] =	vst v63  }
0x51: {  	s12 =	simm.s32 $0x100;
	_ =	swait.ge [sflag:s0], $0x4000  }
0x52: {  	s10 =	sand.u32 $0x7C00, s12;
	[sflag:s0] =	ssyncset.done $0x0  }
0x53: {  	s9 =	sand.u32 $0x300, s12;
	s10 =	sadd.s32 s7, s10;
	[sflag:s0] =	ssyncadd.s32 $0xFFFFC000  }
0x54: {  	[spmem:s2] =	stream.indirect.scatter.add.f32 [tilespmem:s26], [sflag:$0x5], $0x80, s23, s23, $0xb8;
	[tilespmem:$0x1C200] =	vst v63  }
0x55: {  	s9 =	sor.u32 s9, s10;
	_ =	swait.ge [sflag:s28], $0x4000  }
0x56: {  	s9 =	sshrl.u32 s9, $0x3;
	[sflag:s28] =	ssyncset.done $0x0  }
0x57: {  	s13 =	sadd.s32 s5, s9;
	[sflag:s28] =	ssyncadd.s32 $0xFFFFC000  }
0x58: {  	[tilespmem:s4], [sflag:$0x1] =	stream.linear.gather [hbm4b:s13+s4], $0x80, $0x38;
	[tilespmem:$0x1C200] =	vst v63  }
0x59: {  	s9 =	sadd.s32 s6, s9  }
0x5a: {  	[tilespmem:s23], [sflag:$0x1] =	stream.linear.gather [hbm4b:s9+s4], $0x80, $0x38;
	[tilespmem:$0x1C200] =	vst v63  }
0x5b: {  	_ =	swait.ge [sflag:s3], $0x4000  }
0x5c: {  	[sflag:s3] =	ssyncset.done $0x0  }
0x5d: {  	[sflag:s3] =	ssyncadd.s32 $0xFFFFC000  }
0x5e: {  	_ =	swait.ge [sflag:s29], $0x80  }
0x5f: {  	[sflag:s29] =	ssyncset.done $0x0  }
0x60: {  	[sflag:s29] =	ssyncadd.s32 $0xFFFFFF80  }
0x61: {  	_ =	swait.ge [sflag:s29], $0x80  }
0x62: {  	s12 =	simm.s32 $0x180;
	[sflag:s29] =	ssyncset.done $0x0  }
0x63: {  	s13 =	sand.u32 $0x7C00, s12;
	[sflag:s29] =	ssyncadd.s32 $0xFFFFFF80  }
0x64: {  	[tilespmem:s26], [sflag:$0x3] =	stream.indirect.gather [hbm4b:s1+s23], $0x80, s4, s23, $0xb8;
	[tilespmem:$0x1C200] =	vst v63  }
0x65: {  	s10 =	sadd.s32 s7, s13;
	s9 =	sand.u32 $0x380, s12  }
0x66: {  	[spmem:s2] =	stream.indirect.scatter.add.f32 [tilespmem:s31], [sflag:$0x5], $0x80, s25, s23, $0xb8;
	[tilespmem:$0x1C200] =	vst v63  }
0x67: {  	s9 =	sor.u32 s9, s10;
	_ =	swait.ge [sflag:s28], $0x4000  }
0x68: {  	s10 =	sshrl.u32 s9, $0x3;
	[sflag:s28] =	ssyncset.done $0x0  }
0x69: {  	s9 =	sadd.s32 s5, s10;
	[sflag:s28] =	ssyncadd.s32 $0xFFFFC000  }
0x6a: {  	[tilespmem:s24], [sflag:$0x2] =	stream.linear.gather [hbm4b:s9+s4], $0x80, $0x38;
	[tilespmem:$0x1C200] =	vst v63  }
0x6b: {  	s12 =	sadd.s32 s6, s10;
	s9 =	simm.s32 $0x280  }
.LBB2_4:
0x6c: {  	p0 =	sne.s32 s9, $0x2680;
	s10 =	smov.u32 s9;
	s9 =	sadd.s32 $0x100, s9  }
0x6d: {  	[tilespmem:s25], [sflag:$0x2] =	stream.linear.gather [hbm4b:s12+s4], $0x80, $0x38;
	[tilespmem:$0x1C200] =	vst v63  }
0x6e: {  	_ =	swait.ge [sflag:s30], $0x80  }
0x6f: {  	[sflag:s30] =	ssyncset.done $0x0  }
0x70: {  	[sflag:s30] =	ssyncadd.s32 $0xFFFFFF80  }
0x71: {  	_ =	swait.ge [sflag:s30], $0x80  }
0x72: {  	[sflag:s30] =	ssyncset.done $0x0  }
0x73: {  	[sflag:s30] =	ssyncadd.s32 $0xFFFFFF80  }
0x74: {  	[tilespmem:s31], [sflag:$0x4] =	stream.indirect.gather [hbm4b:s1+s23], $0x80, s24, s23, $0xb8;
	[tilespmem:$0x1C200] =	vst v63  }
0x75: {  	_ =	swait.ge [sflag:s0], $0x4000  }
0x76: {  	s12 =	sadd.s32 $0xFFFFFF80, s10;
	[sflag:s0] =	ssyncset.done $0x0  }
0x77: {  	s13 =	sand.u32 $0x7C00, s12;
	s12 =	sand.u32 $0x300, s12;
	[sflag:s0] =	ssyncadd.s32 $0xFFFFC000  }
0x78: {  	[spmem:s2] =	stream.indirect.scatter.add.f32 [tilespmem:s26], [sflag:$0x5], $0x80, s23, s23, $0xb8;
	[tilespmem:$0x1C200] =	vst v63  }
0x79: {  	s13 =	sadd.s32 s7, s13;
	_ =	swait.ge [sflag:s28], $0x4000  }
0x7a: {  	s12 =	sor.u32 s12, s13;
	[sflag:s28] =	ssyncset.done $0x0  }
0x7b: {  	s12 =	sshrl.u32 s12, $0x3;
	[sflag:s28] =	ssyncadd.s32 $0xFFFFC000  }
0x7c: {  	s13 =	sadd.s32 s5, s12;
	s12 =	sadd.s32 s6, s12  }
0x7d: {  	[tilespmem:s4], [sflag:$0x1] =	stream.linear.gather [hbm4b:s13+s4], $0x80, $0x38;
	[tilespmem:$0x1C200] =	vst v63  }
0x7e: {  	_ = 	snop  }
0x7f: {  	[tilespmem:s23], [sflag:$0x1] =	stream.linear.gather [hbm4b:s12+s4], $0x80, $0x38;
	[tilespmem:$0x1C200] =	vst v63  }
0x80: {  	_ =	swait.ge [sflag:s3], $0x4000  }
0x81: {  	[sflag:s3] =	ssyncset.done $0x0  }
0x82: {  	[sflag:s3] =	ssyncadd.s32 $0xFFFFC000  }
0x83: {  	_ =	swait.ge [sflag:s29], $0x80  }
0x84: {  	[sflag:s29] =	ssyncset.done $0x0  }
0x85: {  	[sflag:s29] =	ssyncadd.s32 $0xFFFFFF80  }
0x86: {  	_ =	swait.ge [sflag:s29], $0x80  }
0x87: {  	[sflag:s29] =	ssyncset.done $0x0  }
0x88: {  	s12 =	sand.u32 $0x7C00, s10;
	[sflag:s29] =	ssyncadd.s32 $0xFFFFFF80  }
0x89: {  	[tilespmem:s26], [sflag:$0x3] =	stream.indirect.gather [hbm4b:s1+s23], $0x80, s4, s23, $0xb8;
	[tilespmem:$0x1C200] =	vst v63  }
0x8a: {  	s10 =	sand.u32 $0x380, s10;
	s12 =	sadd.s32 s7, s12  }
0x8b: {  	[spmem:s2] =	stream.indirect.scatter.add.f32 [tilespmem:s31], [sflag:$0x5], $0x80, s25, s23, $0xb8;
	[tilespmem:$0x1C200] =	vst v63  }
.Ltmp1:
0x8c: {  	_ = 	snop;
	(pc) =	sbr.rel @p0 .LBB2_4-.Ltmp1, $4  }
0x8d: {  	s10 =	sor.u32 s10, s12;
	_ =	swait.ge [sflag:s28], $0x4000  }
0x8e: {  	s10 =	sshrl.u32 s10, $0x3;
	[sflag:s28] =	ssyncset.done $0x0  }
0x8f: {  	s13 =	sadd.s32 s5, s10;
	s12 =	sadd.s32 s6, s10;
	[sflag:s28] =	ssyncadd.s32 $0xFFFFC000  }
0x90: {  	[tilespmem:s24], [sflag:$0x2] =	stream.linear.gather [hbm4b:s13+s4], $0x80, $0x38;
	[tilespmem:$0x1C200] =	vst v63  }
0x91: {  	[tilespmem:s25], [sflag:$0x2] =	stream.linear.gather [hbm4b:s12+s4], $0x80, $0x38;
	[tilespmem:$0x1C200] =	vst v63  }
0x92: {  	_ =	swait.ge [sflag:s30], $0x80  }
0x93: {  	[sflag:s30] =	ssyncset.done $0x0  }
0x94: {  	[sflag:s30] =	ssyncadd.s32 $0xFFFFFF80  }
0x95: {  	_ =	swait.ge [sflag:s30], $0x80  }
0x96: {  	[sflag:s30] =	ssyncset.done $0x0  }
0x97: {  	[sflag:s30] =	ssyncadd.s32 $0xFFFFFF80  }
0x98: {  	[tilespmem:s31], [sflag:$0x4] =	stream.indirect.gather [hbm4b:s1+s23], $0x80, s24, s23, $0xb8;
	[tilespmem:$0x1C200] =	vst v63  }
0x99: {  	_ =	swait.ge [sflag:s0], $0x4000  }
0x9a: {  	[sflag:s0] =	ssyncset.done $0x0  }
0x9b: {  	[sflag:s0] =	ssyncadd.s32 $0xFFFFC000  }
0x9c: {  	[spmem:s2] =	stream.indirect.scatter.add.f32 [tilespmem:s26], [sflag:$0x5], $0x80, s23, s23, $0xb8;
	[tilespmem:$0x1C200] =	vst v63  }
0x9d: {  	_ =	swait.ge [sflag:s28], $0x4000  }
0x9e: {  	[sflag:s28] =	ssyncset.done $0x0  }
0x9f: {  	[sflag:s28] =	ssyncadd.s32 $0xFFFFC000  }
0xa0: {  	[tilespmem:s4], [sflag:$0x1] =	stream.linear.gather [hbm4b:s21+s4], $0x80, $0x38;
	[tilespmem:$0x1C200] =	vst v63  }
0xa1: {  	_ = 	snop  }
0xa2: {  	[tilespmem:s23], [sflag:$0x1] =	stream.linear.gather [hbm4b:s22+s4], $0x80, $0x38;
	[tilespmem:$0x1C200] =	vst v63  }
0xa3: {  	_ =	swait.ge [sflag:s3], $0x4000  }
0xa4: {  	[sflag:s3] =	ssyncset.done $0x0  }
0xa5: {  	[sflag:s3] =	ssyncadd.s32 $0xFFFFC000  }
0xa6: {  	_ =	swait.ge [sflag:s29], $0x80  }
0xa7: {  	[sflag:s29] =	ssyncset.done $0x0  }
0xa8: {  	[sflag:s29] =	ssyncadd.s32 $0xFFFFFF80  }
0xa9: {  	_ =	swait.ge [sflag:s29], $0x80  }
0xaa: {  	[sflag:s29] =	ssyncset.done $0x0  }
0xab: {  	[sflag:s29] =	ssyncadd.s32 $0xFFFFFF80  }
0xac: {  	[tilespmem:s26], [sflag:$0x3] =	stream.indirect.gather [hbm4b:s1+s23], $0x80, s4, s23, $0xb8;
	[tilespmem:$0x1C200] =	vst v63  }
0xad: {  	_ = 	snop  }
0xae: {  	[spmem:s2] =	stream.indirect.scatter.add.f32 [tilespmem:s31], [sflag:$0x5], $0x80, s25, s23, $0xb8;
	[tilespmem:$0x1C200] =	vst v63  }
0xaf: {  	_ =	swait.ge [sflag:s28], $0x4000  }
0xb0: {  	[sflag:s28] =	ssyncset.done $0x0  }
0xb1: {  	[sflag:s28] =	ssyncadd.s32 $0xFFFFC000  }
0xb2: {  	[tilespmem:s24], [sflag:$0x2] =	stream.linear.gather [hbm4b:s19+s4], $0x80, $0x38;
	[tilespmem:$0x1C200] =	vst v63  }
0xb3: {  	_ = 	snop  }
0xb4: {  	[tilespmem:s25], [sflag:$0x2] =	stream.linear.gather [hbm4b:s20+s4], $0x80, $0x38;
	[tilespmem:$0x1C200] =	vst v63  }
0xb5: {  	_ =	swait.ge [sflag:s30], $0x80  }
0xb6: {  	[sflag:s30] =	ssyncset.done $0x0  }
0xb7: {  	[sflag:s30] =	ssyncadd.s32 $0xFFFFFF80  }
0xb8: {  	_ =	swait.ge [sflag:s30], $0x80  }
0xb9: {  	[sflag:s30] =	ssyncset.done $0x0  }
0xba: {  	[sflag:s30] =	ssyncadd.s32 $0xFFFFFF80  }
0xbb: {  	[tilespmem:s31], [sflag:$0x4] =	stream.indirect.gather [hbm4b:s1+s23], $0x80, s24, s23, $0xb8;
	[tilespmem:$0x1C200] =	vst v63  }
0xbc: {  	_ =	swait.ge [sflag:s0], $0x4000  }
0xbd: {  	[sflag:s0] =	ssyncset.done $0x0  }
0xbe: {  	[sflag:s0] =	ssyncadd.s32 $0xFFFFC000  }
0xbf: {  	[spmem:s2] =	stream.indirect.scatter.add.f32 [tilespmem:s26], [sflag:$0x5], $0x80, s23, s23, $0xb8;
	[tilespmem:$0x1C200] =	vst v63  }
0xc0: {  	_ =	swait.ge [sflag:s28], $0x4000  }
0xc1: {  	[sflag:s28] =	ssyncset.done $0x0  }
0xc2: {  	[sflag:s28] =	ssyncadd.s32 $0xFFFFC000  }
0xc3: {  	[tilespmem:s4], [sflag:$0x1] =	stream.linear.gather [hbm4b:s19+s4], $0x80, $0x38;
	[tilespmem:$0x1C200] =	vst v63  }
0xc4: {  	_ = 	snop  }
0xc5: {  	[tilespmem:s23], [sflag:$0x1] =	stream.linear.gather [hbm4b:s20+s4], $0x80, $0x38;
	[tilespmem:$0x1C200] =	vst v63  }
0xc6: {  	_ =	swait.ge [sflag:s3], $0x4000  }
0xc7: {  	[sflag:s3] =	ssyncset.done $0x0  }
0xc8: {  	[sflag:s3] =	ssyncadd.s32 $0xFFFFC000  }
0xc9: {  	_ =	swait.ge [sflag:s29], $0x80  }
0xca: {  	[sflag:s29] =	ssyncset.done $0x0  }
0xcb: {  	[sflag:s29] =	ssyncadd.s32 $0xFFFFFF80  }
0xcc: {  	_ =	swait.ge [sflag:s29], $0x80  }
0xcd: {  	[sflag:s29] =	ssyncset.done $0x0  }
0xce: {  	[sflag:s29] =	ssyncadd.s32 $0xFFFFFF80  }
0xcf: {  	[tilespmem:s26], [sflag:$0x3] =	stream.indirect.gather [hbm4b:s1+s23], $0x80, s4, s23, $0xb8;
	[tilespmem:$0x1C200] =	vst v63  }
0xd0: {  	_ = 	snop  }
0xd1: {  	[spmem:s2] =	stream.indirect.scatter.add.f32 [tilespmem:s31], [sflag:$0x5], $0x80, s25, s23, $0xb8;
	[tilespmem:$0x1C200] =	vst v63  }
0xd2: {  	_ =	swait.ge [sflag:s28], $0x4000  }
0xd3: {  	[sflag:s28] =	ssyncset.done $0x0  }
0xd4: {  	[sflag:s28] =	ssyncadd.s32 $0xFFFFC000  }
0xd5: {  	[tilespmem:s24], [sflag:$0x2] =	stream.linear.gather [hbm4b:s19+s4], $0x80, $0x38;
	[tilespmem:$0x1C200] =	vst v63  }
0xd6: {  	_ = 	snop  }
0xd7: {  	[tilespmem:s25], [sflag:$0x2] =	stream.linear.gather [hbm4b:s20+s4], $0x80, $0x38;
	[tilespmem:$0x1C200] =	vst v63  }
0xd8: {  	_ =	swait.ge [sflag:s0], $0x4000  }
0xd9: {  	[sflag:s0] =	ssyncset.done $0x0  }
0xda: {  	[sflag:s0] =	ssyncadd.s32 $0xFFFFC000  }
0xdb: {  	_ =	swait.ge [sflag:s30], $0x80  }
0xdc: {  	[sflag:s30] =	ssyncset.done $0x0  }
0xdd: {  	[sflag:s30] =	ssyncadd.s32 $0xFFFFFF80  }
0xde: {  	s9 =	stileid.u32;
	_ =	swait.ge [sflag:s30], $0x80  }
0xdf: {  	s10 =	sshrl.u32 s11, $0x3;
	s8 =	sadd.s32 $0x1, s8;
	[sflag:s30] =	ssyncset.done $0x0  }
0xe0: {  	s9 =	sshll.u32 s9, $0x6;
	p0 =	sne.s32 s8, s18;
	[sflag:s30] =	ssyncadd.s32 $0xFFFFFF80  }
.Ltmp2:
0xe1: {  	s9 =	sor.u32 $0x1C05, s9;
	[bflag:$0x0] =	sbarrier.arrive $0xFFFF;
	(pc) =	sbr.rel @p0 .LBB2_1-.Ltmp2, $4  }
0xe2: {  	[hbm:s17], [sflag:s9] =	dma.local [spmem:s10], $0x2800  }
0xe3: {  	_ =	swait.ge [sflag:s28], $0x2800  }
0xe4: {  	[sflag:s28] =	ssyncset.done $0x0  }
0xe5: {  	[sflag:s28] =	ssyncadd.s32 $0xFFFFD800  }
0xe6: {  	_ =	sfence.sel $0x180000  }
0xe7: {  	[bflag:$0x0] =	sbarrier.arrive $0xFFFF  }
0xe8: {  	_ =	strace $0x9000004A  }
0xe9: {  	s0 =	stileid.u32;
	[bflag:$0x2] =	sbarrier.arrive $0xFFFF  }
0xea: {  	p0 =	sne.s32 s0, $0x0;
	s0 =	rddreg [dreg:$0x3]  }
0xeb: {  	s0 =	sadd.s32 @!p0 $0x100000, s0  }
0xec: {  	[sflag:s0] =	ssyncadd.tile.s32 @!p0 $0x1;
	_ =	shalt  }
.Lfunc_end2:
_tile_overlayer_lowered:
.L_overlay_start_2:
0xed: {  	(tag) =	ssettag $0x2  }
0xee: {  	s0 =	rddreg [dreg:$0x0];
	s2 =	stileid.u32  }
0xef: {  	s1 =	rddreg [dreg:$0x1];
	p0 =	sne.s32 s2, $0x0  }
0xf0: {  	s3 =	rddreg [dreg:$0x2];
	[bflag:$0x3] =	sbarrier.arrive $0xFFFF;
	s2 =	simm.s32 @!p0 $0x1C05  }
0xf1: {  	[timem:s3], [sflag:s2] =	dma.local @!p0 [hbm:s0], s1  }
0xf2: {  	s0 =	simm.s32 @!p0 $0x5  }
0xf3: {  	_ =	swait.ge @!p0 [sflag:s0], s1  }
0xf4: {  	s1 =	ssub.s32 @!p0 $0x0, s1;
	[sflag:s0] =	ssyncset.done @!p0 $0x0  }
0xf5: {  	[sflag:s0] =	ssyncadd.s32 @!p0 s1  }
0xf6: {  	[bflag:$0x3] =	sbarrier.arrive $0xFFFF  }
0xf7: {  	_ =	shalt  }

// kernel: kernel.15.cloned.1.call-start
scs
__scs_entry_jumppad:
0x0: {  	(pc) =	sbr.rel $0x88, $3  }
0x1: {  	(tag) =	ssettag $0x0;
	lr =	simm.s32 $0x1  }
0x2: {  	[smem:$0x3F98] =	sst lr;
	_ =	strace $0xD0000000  }
0x3: {  	_ = 	snop  }
0x4: {  	_ = 	snop  }
0x5: {  	_ = 	snop  }
0x6: {  	_ = 	snop  }
0x7: {  	_ = 	snop  }
__scs_overlays_trampoline_lowered:
0x8: {  	[smem:$0x3FA7] =	sst s0  }
0x9: {  	[smem:$0x3FA8] =	sst s1  }
0xa: {  	[smem:$0x3FA9] =	sst s2  }
0xb: {  	[smem:$0x3FAA] =	sst s3  }
0xc: {  	[smem:$0x3FAB] =	sst s4  }
0xd: {  	[smem:$0x3FAC] =	sst s5  }
0xe: {  	[smem:$0x3FAD] =	sst s6  }
0xf: {  	[smem:$0x3FAE] =	sst s7  }
0x10: {  	[smem:$0x3FAF] =	sst s8  }
0x11: {  	[smem:$0x3FB0] =	sst s9;
	s0 =	simm.s32 @!p0 $0x0  }
0x12: {  	s1 =	sld [smem:$0x3F96];
	s0 =	simm.s32 @p0 $0x1  }
0x13: {  	[smem:$0x3FB1] =	sst s0;
	s0 =	simm.s32 @!p1 $0x0  }
0x14: {  	s2 =	sld [smem:$0x3F95];
	s0 =	simm.s32 @p1 $0x1  }
0x15: {  	[smem:$0x3FB2] =	sst s0;
	s0 =	simm.s32 @!p2 $0x0  }
0x16: {  	s3 =	sld [smem:$0x3FDB];
	s0 =	simm.s32 @p2 $0x1  }
0x17: {  	s4 =	simm.s32 $0x1BF5;
	[smem:$0x3FB4] =	sst s0  }
0x18: {  	s0 =	sld [smem:$0x3F97];
	_ =	swait.ge [sflag:s4], $0x0  }
0x19: {  	s7 =	sld [smem:$0x3F98]  }
0x1a: {  	s8 =	sadd.s32 $0xFFFFE003, lr  }
0x1b: {  	s9 =	sadd.s32 $0xFFFFFEF7, lr;
	s5 =	simm.s32 $0xFFFFFFFF;
	p2 =	slt.u32 s8, $0xFFFFF086  }
0x1c: {  	p1 =	slt.u32 s9, $0xF7A;
	s5 =	simm.s32 @!p2 $0x0  }
0x1d: {  	s5 =	simm.s32 @p1 $0x1;
	p0 =	seq.s32 s7, s2  }
0x1e: {  	s7 =	smul.u32 @!p0 $0xF7A, s2;
	p2 =	seq.s32 @!p0 s5, $0x0  }
0x1f: {  	s9 =	smul.u32 $0xF7A, s1;
	s8 =	simm.s32 @!p0 $0x1BF5;
	p2 =	por !p2, p0  }
0x20: {  	[sflag:s8] =	ssyncset.s32 @!p0 $0xFFFFF086;
	s6 =	sadd.s32 @!p0 s3, s7;
	s7 =	simm.s32 @!p0 $0x108  }
0x21: {  	s3 =	sadd.s32 s3, s9;
	s6 =	sadd.s32 @!p0 $0x88, s6;
	s7 =	simm.s32 @p2 $0x1082  }
0x22: {  	[simem:s7], [sflag:s8] =	dma.local @!p0 [hbm:s6], $0xF7A  }
0x23: {  	s9 =	sor.u32 $0xD0000000, s2;
	s6 =	simm.s32 $0x108;
	_ =	swait.ge @!p0 [sflag:s8], $0x0  }
0x24: {  	s3 =	sadd.s32 $0x88, s3;
	s6 =	simm.s32 @!p1 $0x1082;
	[sflag:s4] =	ssyncset.s32 $0xFFFFF086  }
0x25: {  	[simem:s6], [sflag:s4] =	dma.local [hbm:s3], $0xF7A  }
0x26: {  	[smem:$0x3F98] =	sst s1;
	(tag) =	ssettag s2;
	_ =	strace s9  }
0x27: {  	s1 =	sld [smem:$0x3FA8]  }
0x28: {  	s2 =	sld [smem:$0x3FA9]  }
0x29: {  	s4 =	sld [smem:$0x3FAB]  }
0x2a: {  	p0 =	seq.s32 s5, $0x0;
	s5 =	sld [smem:$0x3FAC]  }
0x2b: {  	s6 =	sld [smem:$0x3FAD]  }
0x2c: {  	s7 =	sld [smem:$0x3FAE]  }
0x2d: {  	s3 =	simm.s32 $0x108;
	s8 =	sld [smem:$0x3FAF]  }
0x2e: {  	s3 =	simm.s32 @!p0 $0x1082;
	s9 =	sld [smem:$0x3FB0]  }
0x2f: {  	lr =	sadd.s32 s0, s3;
	s0 =	sld [smem:$0x3FA7]  }
0x30: {  	s3 =	sld [smem:$0x3FAA]  }
0x31: {  	[smem:$0x3FB3] =	sst s10  }
0x32: {  	s10 =	sld [smem:$0x3FB1];
	_ =	sdelay $0x3  }
0x33: {  	p0 =	seq.s32 s10, $0x1;
	s10 =	sld [smem:$0x3FB3];
	_ =	sdelay $0x3  }
0x34: {  	[smem:$0x3FB3] =	sst s10  }
0x35: {  	s10 =	sld [smem:$0x3FB2];
	_ =	sdelay $0x3  }
0x36: {  	p1 =	seq.s32 s10, $0x1;
	s10 =	sld [smem:$0x3FB3];
	_ =	sdelay $0x3  }
0x37: {  	[smem:$0x3FB3] =	sst s10  }
0x38: {  	s10 =	sld [smem:$0x3FB4]  }
0x39: {  	_ = 	snop;
	(pc) =	sbr.ind lr, $3  }
0x3a: {  	_ = 	snop  }
0x3b: {  	_ = 	snop  }
0x3c: {  	p2 =	seq.s32 s10, $0x1;
	s10 =	sld [smem:$0x3FB3]  }
0x3d: {  	_ =	shalt  }
0x3e: {  	_ =	shalt  }
0x3f: {  	_ =	shalt  }
0x40: {  	_ =	shalt  }
0x41: {  	_ =	shalt  }
0x42: {  	_ =	shalt  }
0x43: {  	_ =	shalt  }
0x44: {  	_ =	shalt  }
0x45: {  	_ =	shalt  }
0x46: {  	_ =	shalt  }
0x47: {  	_ =	shalt  }
0x48: {  	_ =	shalt  }
0x49: {  	_ =	shalt  }
0x4a: {  	_ =	shalt  }
0x4b: {  	_ =	shalt  }
0x4c: {  	_ =	shalt  }
0x4d: {  	_ =	shalt  }
0x4e: {  	_ =	shalt  }
0x4f: {  	_ =	shalt  }
0x50: {  	_ =	shalt  }
0x51: {  	_ =	shalt  }
0x52: {  	_ =	shalt  }
0x53: {  	_ =	shalt  }
0x54: {  	_ =	shalt  }
0x55: {  	_ =	shalt  }
0x56: {  	_ =	shalt  }
0x57: {  	_ =	shalt  }
0x58: {  	_ =	shalt  }
0x59: {  	_ =	shalt  }
0x5a: {  	_ =	shalt  }
0x5b: {  	_ =	shalt  }
0x5c: {  	_ =	shalt  }
0x5d: {  	_ =	shalt  }
0x5e: {  	_ =	shalt  }
0x5f: {  	_ =	shalt  }
0x60: {  	_ =	shalt  }
0x61: {  	_ =	shalt  }
0x62: {  	_ =	shalt  }
0x63: {  	_ =	shalt  }
0x64: {  	_ =	shalt  }
0x65: {  	_ =	shalt  }
0x66: {  	_ =	shalt  }
0x67: {  	_ =	shalt  }
0x68: {  	_ =	shalt  }
0x69: {  	_ =	shalt  }
0x6a: {  	_ =	shalt  }
0x6b: {  	_ =	shalt  }
0x6c: {  	_ =	shalt  }
0x6d: {  	_ =	shalt  }
0x6e: {  	_ =	shalt  }
0x6f: {  	_ =	shalt  }
0x70: {  	_ =	shalt  }
0x71: {  	_ =	shalt  }
0x72: {  	_ =	shalt  }
0x73: {  	_ =	shalt  }
0x74: {  	_ =	shalt  }
0x75: {  	_ =	shalt  }
0x76: {  	_ =	shalt  }
0x77: {  	_ =	shalt  }
0x78: {  	_ =	shalt  }
0x79: {  	_ =	shalt  }
0x7a: {  	_ =	shalt  }
0x7b: {  	_ =	shalt  }
0x7c: {  	_ =	shalt  }
0x7d: {  	_ =	shalt  }
0x7e: {  	_ =	shalt  }
0x7f: {  	_ =	shalt  }
0x80: {  	_ =	shalt  }
0x81: {  	_ =	shalt  }
0x82: {  	_ =	shalt  }
0x83: {  	_ =	shalt  }
0x84: {  	_ =	shalt  }
0x85: {  	_ =	shalt  }
0x86: {  	_ =	shalt  }
0x87: {  	_ =	shalt  }
.Lfunc_end0:
.L_simem_size_0:
called_computation.2_lowered:
.L_overlay_start_0:
0x88: {  	s2 =	sld [smem:$0x3FD9]  }
0x89: {  	s3 =	sld [smem:$0x3FFE];
	_ =	sdelay $0x1  }
0x8a: {  	s1 =	srdreg.scid  }
0x8b: {  	s0 =	sand.u32 $0x1, s1  }
0x8c: {  	s17 =	sshll.u32 s0, $0xA;
	s2 =	sadd.s32 s3, s2  }
0x8d: {  	s2 =	sadd.s32 s2, s17  }
0x8e: {  	[smem:$0x3FBF] =	sst s2  }
0x8f: {  	_ = 	snop  }
0x90: {  	s2 =	sld [smem:$0x3FD0];
	(tm) =	ssettm $0x1  }
0x91: {  	s18 =	sld [smem:$0x3FFB];
	_ =	sdelay $0x3  }
0x92: {  	_ =	strace s18  }
0x93: {  	s3 =	sld [smem:$0x3FFC];
	_ =	sdelay $0x3  }
0x94: {  	_ =	strace s3  }
0x95: {  	s3 =	sld [smem:$0x3FFD];
	_ =	sdelay $0x3  }
0x96: {  	_ =	strace s3  }
0x97: {  	_ =	strace $0x8FFFFFFF  }
0x98: {  	s19 =	sld [smem:$0x3FDB];
	_ =	sdelay $0x1  }
0x99: {  	s4 =	simm.s32 $_scs_section_size  }
0x9a: {  	s5 =	simm.s32 $_size__tile_overlayer_lowered;
	s6 =	simm.s32 $_tile_overlayer_lowered  }
0x9b: {  	s22 =	simm.s32 $0x1BFF;
	s21 =	sshll.u32 s6, $0x1;
	s3 =	sadd.s32 s4, s19  }
0x9c: {  	s7 =	simm.s32 $0x0;
	s20 =	sshll.u32 s5, $0x1;
	s5 =	sadd.s32 s21, s3  }
0x9d: {  	[timem:s7], [sflag:s22] =	dma.local [hbm:s5], s20  }
0x9e: {  	_ =	swait.ge [sflag:s22], s20  }
0x9f: {  	s4 =	ssub.s32 $0x0, s20;
	[sflag:s22] =	ssyncset.done $0x0  }
0xa0: {  	[sflag:s22] =	ssyncadd.s32 s4;
	_ =	sdelay $0x1  }
0xa1: {  	s23 =	simm.s32 $0x1B8B  }
0xa2: {  	_ =	swait.ge [sflag:s23], $0x1  }
0xa3: {  	[sflag:s23] =	ssyncset.done $0x0  }
0xa4: {  	s25 =	simm.s32 $0x1B8E;
	s24 =	sld [smem:$0x3FFE];
	[sflag:s23] =	ssyncadd.s32 $0xFFFFFFFF  }
0xa5: {  	s26 =	simm.s32 $execute0_lowered;
	[smem:$0x3FD2] =	sst s25  }
0xa6: {  	s5 =	sshll.u32 s26, $0x1;
	_ =	strace $0x8000004C;
	[dreg:$0x1] =	wrdreg $0xFFFFFFFF  }
0xa7: {  	s28 =	simm.s32 $_size_execute0_lowered;
	s3 =	sadd.s32 s3, s5;
	[dreg:$0x0] =	wrdreg $0x0  }
0xa8: {  	s5 =	sshll.u32 s28, $0x1;
	[dreg:$0x2] =	wrdreg s3  }
0xa9: {  	[dreg:$0x3] =	wrdreg s5  }
0xaa: {  	[dreg:$0x4] =	wrdreg $0xC0  }
0xab: {  	_ =	task [dreg:s7], $0x5FFFF  }
0xac: {  	[dreg:$0x1] =	wrdreg $0xFFFFFFFF  }
0xad: {  	[dreg:$0x0] =	wrdreg $0x60  }
0xae: {  	[dreg:$0x2] =	wrdreg s2  }
0xaf: {  	[dreg:$0x3] =	wrdreg s24  }
0xb0: {  	[dreg:$0x4] =	wrdreg $0x82000  }
0xb1: {  	[dreg:$0x5] =	wrdreg $0x9  }
0xb2: {  	_ =	task.clear_ibuf [dreg:s7], $0x6FFFF;
	_ =	strace $0x9000004C  }
0xb3: {  	s29 =	simm.s32 $0x9;
	_ =	strace $0x8000004E  }
0xb4: {  	_ =	swait.ge [sflag:s29], $0x1  }
0xb5: {  	[sflag:s29] =	ssyncadd.s32 $0xFFFFFFFF  }
0xb6: {  	_ =	strace $0x9000004E  }
0xb7: {  	_ =	sfence  }
0xb8: {  	s30 =	sld [smem:$0x0];
	_ =	sdelay $0x2  }
0xb9: {  	s31 =	sshll.u32 s1, $0xD;
	s1 =	sshrl.u32 s1, $0x2  }
0xba: {  	s3 =	sand.u32 $0x4000, s31;
	s1 =	sadd.s32 s1, s30  }
0xbb: {  	s0 =	sor.u32 s3, s0;
	s1 =	sshll.u32 s1, $0x11  }
0xbc: {  	s0 =	sor.u32 s1, s0  }
0xbd: {  	s0 =	sadd.s32 $0x8F2B, s0  }
0xbe: {  	[sflag:s0] =	ssyncadd.remote.s32 $0x1  }
0xbf: {  	_ =	sfence.sel $0xFFFF  }
0xc0: {  	[dreg:$0x0] =	wrdreg $0xFFFFFFFF;
	(pc) =	sbr.abs _section_cstart, $3  }
0xc1: {  	[dreg:$0x1] =	wrdreg $0xFFFFFFFF  }
0xc2: {  	_ =	task.clear_ibuf [dreg:s7], $0x2FFFF;
	_ =	strace $0x9FFFFFFF  }
0xc3: {  	(tm) =	ssettm $0x7FFFFFFF  }
tec
execute0_lowered:
.L_overlay_start_1:
0x0: {  	(tag) =	ssettag $0x1  }
0x1: {  	s1 =	rddreg [dreg:$0x0]  }
0x2: {  	s0 =	rddreg [dreg:$0x1]  }
0x3: {  	s2 =	rddreg [dreg:$0x2];
	s4 =	simm.s32 $0x0;
	s3 =	srdreg.scid  }
0x4: {  	s10 =	stileid.u32;
	s28 =	simm.s32 $0x5;
	s29 =	simm.s32 $0x1  }
0x5: {  	s30 =	simm.s32 $0x2;
	s31 =	simm.s32 $0x4200;
	[smem:$0x7FF] =	sst s4  }
0x6: {  	s3 =	sand.u32 $0x1, s3;
	s8 =	smul.u32 $0x14000, s10;
	s9 =	sshll.u32 s10, $0x1  }
0x7: {  	s5 =	sadd.s32 $0x2E00, s0;
	s6 =	sadd.s32 $0xCE00, s0;
	s10 =	smul.u32 $0x50000, s10  }
0x8: {  	s7 =	smul.u32 $0x140000, s3;
	s9 =	sor.u32 s3, s9;
	s3 =	ssub.s32 $0x2, s3  }
0x9: {  	_ =	strace $0x8000004D;
	s19 =	sshrl.u32 s3, $0x1;
	s10 =	sshrl.u32 s10, $0x2  }
0xa: {  	s8 =	sadd.s32 s8, s7;
	s7 =	smul.u32 $0x2800, s9;
	s3 =	ssub.s32 s3, s19  }
0xb: {  	s8 =	sshrl.u32 s8, $0x3;
	s18 =	smax.u32 s3, $0x1;
	s3 =	simm.s32 $0x4  }
0xc: {  	s0 =	sadd.s32 s8, s0;
	s20 =	sshrl.u32 s7, $0x3;
	s8 =	simm.s32 $0x0  }
0xd: {  	s21 =	sadd.s32 s5, s20;
	s22 =	sor.u32 $0x10, s20;
	s11 =	sadd.s32 s6, s20  }
0xe: {  	s17 =	sadd.s32 $0x16E00, s0;
	s25 =	sadd.s32 $0x4F0, s20;
	[dreg:$0x4] =	wrdreg s21  }
0xf: {  	s26 =	sadd.s32 $0x4E0, s20;
	s0 =	simm.s32 $0x3;
	[dreg:$0x5] =	wrdreg s11  }
0x10: {  	s23 =	sadd.s32 s5, s22;
	s11 =	sadd.s32 s10, s2;
	s9 =	sadd.s32 s6, s22  }
0x11: {  	s19 =	sadd.s32 s5, s25;
	s20 =	sadd.s32 s6, s25;
	s21 =	sadd.s32 s5, s26  }
0x12: {  	s22 =	sadd.s32 s6, s26;
	s25 =	simm.s32 $0x180;
	[dreg:$0x6] =	wrdreg s23  }
0x13: {  	s26 =	simm.s32 $0x200;
	[dreg:$0x7] =	wrdreg s9;
	s24 =	sadd.s32 $0x4000, s11  }
0x14: {  	s14 =	sadd.s32 $0x8000, s11;
	s15 =	sadd.s32 $0xC000, s11;
	s16 =	sadd.s32 $0x10000, s11  }
0x15: {  	v0 =	vimm.f32 $0.0e+00;
	s23 =	simm.s32 $0x80;
	[dreg:$0x8] =	wrdreg s24;
	s24 =	simm.s32 $0x100  }
.LBB2_1:
0x16: {  	s9 =	rddreg [dreg:$0x4]  }
0x17: {  	[tilespmem:s4], [sflag:$0x1] =	stream.linear.gather [hbm4b:s9+s4], $0x80, $0x38;
	[tilespmem:$0x1C200] =	vst v63  }
0x18: {  	s10 =	rddreg [dreg:$0x5]  }
0x19: {  	[tilespmem:s23], [sflag:$0x1] =	stream.linear.gather [hbm4b:s10+s4], $0x80, $0x38;
	[tilespmem:$0x1C200] =	vst v63  }
0x1a: {  	s12 =	rddreg [dreg:$0x6]  }
0x1b: {  	[tilespmem:s24], [sflag:$0x2] =	stream.linear.gather [hbm4b:s12+s4], $0x80, $0x38;
	[tilespmem:$0x1C200] =	vst v63  }
0x1c: {  	s13 =	rddreg [dreg:$0x7];
	s9 =	simm.s32 $0x0;
	s10 =	simm.s32 $0x200  }
0x1d: {  	[tilespmem:s25], [sflag:$0x2] =	stream.linear.gather [hbm4b:s13+s4], $0x80, $0x38;
	[tilespmem:$0x1C200] =	vst v63  }
.LBB2_2:
0x1e: {  	p0 =	sne.s32 s10, $0xFE00;
	[tilespmem:s9+$0x270] =	vst v0  }
0x1f: {  	[tilespmem:s9+$0x200] =	vst v0  }
0x20: {  	[tilespmem:s9+$0x210] =	vst v0  }
.Ltmp0:
0x21: {  	[tilespmem:s9+$0x220] =	vst v0;
	(pc) =	sbr.rel @p0 .LBB2_2-.Ltmp0, $4  }
0x22: {  	[tilespmem:s9+$0x230] =	vst v0  }
0x23: {  	[tilespmem:s9+$0x240] =	vst v0  }
0x24: {  	[tilespmem:s9+$0x250] =	vst v0  }
0x25: {  	[tilespmem:s9+$0x260] =	vst v0;
	s9 =	sshra.s32 s10, $0x2;
	s10 =	sadd.s32 $0x200, s10  }
0x26: {  	[tilespmem:s9+$0x270] =	vst v0  }
0x27: {  	[tilespmem:s9+$0x200] =	vst v0  }
0x28: {  	[tilespmem:s9+$0x210] =	vst v0  }
0x29: {  	[tilespmem:s9+$0x220] =	vst v0  }
0x2a: {  	[tilespmem:s9+$0x230] =	vst v0  }
0x2b: {  	[tilespmem:s9+$0x240] =	vst v0  }
0x2c: {  	[tilespmem:s9+$0x250] =	vst v0  }
0x2d: {  	[tilespmem:s9+$0x260] =	vst v0  }
0x2e: {  	[spmem:s11] =	stream.linear.scatter [tilespmem:s26], [sflag:$0x5], $0x4000, $0x38;
	[tilespmem:$0x1C200] =	vst v63  }
0x2f: {  	_ =	swait.ge [sflag:s28], $0x4000  }
0x30: {  	[sflag:s28] =	ssyncset.done $0x0  }
0x31: {  	s10 =	rddreg [dreg:$0x8];
	[sflag:s28] =	ssyncadd.s32 $0xFFFFC000  }
0x32: {  	[spmem:s10] =	stream.linear.scatter [tilespmem:s26], [sflag:$0x5], $0x4000, $0x38;
	[tilespmem:$0x1C200] =	vst v63  }
0x33: {  	_ =	swait.ge [sflag:s28], $0x4000  }
0x34: {  	[sflag:s28] =	ssyncset.done $0x0  }
0x35: {  	[sflag:s28] =	ssyncadd.s32 $0xFFFFC000  }
0x36: {  	[spmem:s14] =	stream.linear.scatter [tilespmem:s26], [sflag:$0x5], $0x4000, $0x38;
	[tilespmem:$0x1C200] =	vst v63  }
0x37: {  	_ =	swait.ge [sflag:s28], $0x4000  }
0x38: {  	[sflag:s28] =	ssyncset.done $0x0  }
0x39: {  	[sflag:s28] =	ssyncadd.s32 $0xFFFFC000  }
0x3a: {  	[spmem:s15] =	stream.linear.scatter [tilespmem:s26], [sflag:$0x5], $0x4000, $0x38;
	[tilespmem:$0x1C200] =	vst v63  }
0x3b: {  	_ =	swait.ge [sflag:s28], $0x4000  }
0x3c: {  	[sflag:s28] =	ssyncset.done $0x0  }
0x3d: {  	[sflag:s28] =	ssyncadd.s32 $0xFFFFC000  }
0x3e: {  	[spmem:s16] =	stream.linear.scatter [tilespmem:s26], [sflag:$0x5], $0x4000, $0x38;
	[tilespmem:$0x1C200] =	vst v63  }
0x3f: {  	_ =	swait.ge [sflag:s28], $0x4000  }
0x40: {  	[sflag:s28] =	ssyncset.done $0x0  }
0x41: {  	[sflag:s28] =	ssyncadd.s32 $0xFFFFC000  }
0x42: {  	_ =	swait.ge [sflag:s29], $0x80  }
0x43: {  	[sflag:s29] =	ssyncset.done $0x0  }
0x44: {  	[sflag:s29] =	ssyncadd.s32 $0xFFFFFF80  }
0x45: {  	_ =	swait.ge [sflag:s29], $0x80  }
0x46: {  	[sflag:s29] =	ssyncset.done $0x0  }
0x47: {  	[sflag:s29] =	ssyncadd.s32 $0xFFFFFF80  }
0x48: {  	[tilespmem:s26], [sflag:$0x3] =	stream.indirect.gather [hbm4b:s1+s23], $0x80, s4, s23, $0xb8;
	[tilespmem:$0x1C200] =	vst v63  }
0x49: {  	[bflag:$0x0] =	sbarrier.arrive $0xFFFF  }
0x4a: {  	_ =	swait.ge [sflag:s30], $0x80  }
0x4b: {  	[sflag:s30] =	ssyncset.done $0x0  }
0x4c: {  	[sflag:s30] =	ssyncadd.s32 $0xFFFFFF80  }
0x4d: {  	_ =	swait.ge [sflag:s30], $0x80  }
0x4e: {  	[sflag:s30] =	ssyncset.done $0x0  }
0x4f: {  	[sflag:s30] =	ssyncadd.s32 $0xFFFFFF80  }
0x50: {  	[tilespmem:s31], [sflag:$0x4] =	stream.indirect.gather [hbm4b:s1+s23], $0x80, s24, s23, $0xb8;
	[tilespmem:$0x1C200] =	vst v63  }
0x51: {  	s12 =	simm.s32 $0x100;
	_ =	swait.ge [sflag:s0], $0x4000  }
0x52: {  	s10 =	sand.u32 $0x7C00, s12;
	[sflag:s0] =	ssyncset.done $0x0  }
0x53: {  	s9 =	sand.u32 $0x300, s12;
	s10 =	sadd.s32 s7, s10;
	[sflag:s0] =	ssyncadd.s32 $0xFFFFC000  }
0x54: {  	[spmem:s2] =	stream.indirect.scatter.add.f32 [tilespmem:s26], [sflag:$0x5], $0x80, s23, s23, $0xb8;
	[tilespmem:$0x1C200] =	vst v63  }
0x55: {  	s9 =	sor.u32 s9, s10;
	_ =	swait.ge [sflag:s28], $0x4000  }
0x56: {  	s9 =	sshrl.u32 s9, $0x3;
	[sflag:s28] =	ssyncset.done $0x0  }
0x57: {  	s13 =	sadd.s32 s5, s9;
	[sflag:s28] =	ssyncadd.s32 $0xFFFFC000  }
0x58: {  	[tilespmem:s4], [sflag:$0x1] =	stream.linear.gather [hbm4b:s13+s4], $0x80, $0x38;
	[tilespmem:$0x1C200] =	vst v63  }
0x59: {  	s9 =	sadd.s32 s6, s9  }
0x5a: {  	[tilespmem:s23], [sflag:$0x1] =	stream.linear.gather [hbm4b:s9+s4], $0x80, $0x38;
	[tilespmem:$0x1C200] =	vst v63  }
0x5b: {  	_ =	swait.ge [sflag:s3], $0x4000  }
0x5c: {  	[sflag:s3] =	ssyncset.done $0x0  }
0x5d: {  	[sflag:s3] =	ssyncadd.s32 $0xFFFFC000  }
0x5e: {  	_ =	swait.ge [sflag:s29], $0x80  }
0x5f: {  	[sflag:s29] =	ssyncset.done $0x0  }
0x60: {  	[sflag:s29] =	ssyncadd.s32 $0xFFFFFF80  }
0x61: {  	_ =	swait.ge [sflag:s29], $0x80  }
0x62: {  	s12 =	simm.s32 $0x180;
	[sflag:s29] =	ssyncset.done $0x0  }
0x63: {  	s13 =	sand.u32 $0x7C00, s12;
	[sflag:s29] =	ssyncadd.s32 $0xFFFFFF80  }
0x64: {  	[tilespmem:s26], [sflag:$0x3] =	stream.indirect.gather [hbm4b:s1+s23], $0x80, s4, s23, $0xb8;
	[tilespmem:$0x1C200] =	vst v63  }
0x65: {  	s10 =	sadd.s32 s7, s13;
	s9 =	sand.u32 $0x380, s12  }
0x66: {  	[spmem:s2] =	stream.indirect.scatter.add.f32 [tilespmem:s31], [sflag:$0x5], $0x80, s25, s23, $0xb8;
	[tilespmem:$0x1C200] =	vst v63  }
0x67: {  	s9 =	sor.u32 s9, s10;
	_ =	swait.ge [sflag:s28], $0x4000  }
0x68: {  	s10 =	sshrl.u32 s9, $0x3;
	[sflag:s28] =	ssyncset.done $0x0  }
0x69: {  	s9 =	sadd.s32 s5, s10;
	[sflag:s28] =	ssyncadd.s32 $0xFFFFC000  }
0x6a: {  	[tilespmem:s24], [sflag:$0x2] =	stream.linear.gather [hbm4b:s9+s4], $0x80, $0x38;
	[tilespmem:$0x1C200] =	vst v63  }
0x6b: {  	s12 =	sadd.s32 s6, s10;
	s9 =	simm.s32 $0x280  }
.LBB2_4:
0x6c: {  	p0 =	sne.s32 s9, $0x2680;
	s10 =	smov.u32 s9;
	s9 =	sadd.s32 $0x100, s9  }
0x6d: {  	[tilespmem:s25], [sflag:$0x2] =	stream.linear.gather [hbm4b:s12+s4], $0x80, $0x38;
	[tilespmem:$0x1C200] =	vst v63  }
0x6e: {  	_ =	swait.ge [sflag:s30], $0x80  }
0x6f: {  	[sflag:s30] =	ssyncset.done $0x0  }
0x70: {  	[sflag:s30] =	ssyncadd.s32 $0xFFFFFF80  }
0x71: {  	_ =	swait.ge [sflag:s30], $0x80  }
0x72: {  	[sflag:s30] =	ssyncset.done $0x0  }
0x73: {  	[sflag:s30] =	ssyncadd.s32 $0xFFFFFF80  }
0x74: {  	[tilespmem:s31], [sflag:$0x4] =	stream.indirect.gather [hbm4b:s1+s23], $0x80, s24, s23, $0xb8;
	[tilespmem:$0x1C200] =	vst v63  }
0x75: {  	_ =	swait.ge [sflag:s0], $0x4000  }
0x76: {  	s12 =	sadd.s32 $0xFFFFFF80, s10;
	[sflag:s0] =	ssyncset.done $0x0  }
0x77: {  	s13 =	sand.u32 $0x7C00, s12;
	s12 =	sand.u32 $0x300, s12;
	[sflag:s0] =	ssyncadd.s32 $0xFFFFC000  }
0x78: {  	[spmem:s2] =	stream.indirect.scatter.add.f32 [tilespmem:s26], [sflag:$0x5], $0x80, s23, s23, $0xb8;
	[tilespmem:$0x1C200] =	vst v63  }
0x79: {  	s13 =	sadd.s32 s7, s13;
	_ =	swait.ge [sflag:s28], $0x4000  }
0x7a: {  	s12 =	sor.u32 s12, s13;
	[sflag:s28] =	ssyncset.done $0x0  }
0x7b: {  	s12 =	sshrl.u32 s12, $0x3;
	[sflag:s28] =	ssyncadd.s32 $0xFFFFC000  }
0x7c: {  	s13 =	sadd.s32 s5, s12;
	s12 =	sadd.s32 s6, s12  }
0x7d: {  	[tilespmem:s4], [sflag:$0x1] =	stream.linear.gather [hbm4b:s13+s4], $0x80, $0x38;
	[tilespmem:$0x1C200] =	vst v63  }
0x7e: {  	_ = 	snop  }
0x7f: {  	[tilespmem:s23], [sflag:$0x1] =	stream.linear.gather [hbm4b:s12+s4], $0x80, $0x38;
	[tilespmem:$0x1C200] =	vst v63  }
0x80: {  	_ =	swait.ge [sflag:s3], $0x4000  }
0x81: {  	[sflag:s3] =	ssyncset.done $0x0  }
0x82: {  	[sflag:s3] =	ssyncadd.s32 $0xFFFFC000  }
0x83: {  	_ =	swait.ge [sflag:s29], $0x80  }
0x84: {  	[sflag:s29] =	ssyncset.done $0x0  }
0x85: {  	[sflag:s29] =	ssyncadd.s32 $0xFFFFFF80  }
0x86: {  	_ =	swait.ge [sflag:s29], $0x80  }
0x87: {  	[sflag:s29] =	ssyncset.done $0x0  }
0x88: {  	s12 =	sand.u32 $0x7C00, s10;
	[sflag:s29] =	ssyncadd.s32 $0xFFFFFF80  }
0x89: {  	[tilespmem:s26], [sflag:$0x3] =	stream.indirect.gather [hbm4b:s1+s23], $0x80, s4, s23, $0xb8;
	[tilespmem:$0x1C200] =	vst v63  }
0x8a: {  	s10 =	sand.u32 $0x380, s10;
	s12 =	sadd.s32 s7, s12  }
0x8b: {  	[spmem:s2] =	stream.indirect.scatter.add.f32 [tilespmem:s31], [sflag:$0x5], $0x80, s25, s23, $0xb8;
	[tilespmem:$0x1C200] =	vst v63  }
.Ltmp1:
0x8c: {  	_ = 	snop;
	(pc) =	sbr.rel @p0 .LBB2_4-.Ltmp1, $4  }
0x8d: {  	s10 =	sor.u32 s10, s12;
	_ =	swait.ge [sflag:s28], $0x4000  }
0x8e: {  	s10 =	sshrl.u32 s10, $0x3;
	[sflag:s28] =	ssyncset.done $0x0  }
0x8f: {  	s13 =	sadd.s32 s5, s10;
	s12 =	sadd.s32 s6, s10;
	[sflag:s28] =	ssyncadd.s32 $0xFFFFC000  }
0x90: {  	[tilespmem:s24], [sflag:$0x2] =	stream.linear.gather [hbm4b:s13+s4], $0x80, $0x38;
	[tilespmem:$0x1C200] =	vst v63  }
0x91: {  	[tilespmem:s25], [sflag:$0x2] =	stream.linear.gather [hbm4b:s12+s4], $0x80, $0x38;
	[tilespmem:$0x1C200] =	vst v63  }
0x92: {  	_ =	swait.ge [sflag:s30], $0x80  }
0x93: {  	[sflag:s30] =	ssyncset.done $0x0  }
0x94: {  	[sflag:s30] =	ssyncadd.s32 $0xFFFFFF80  }
0x95: {  	_ =	swait.ge [sflag:s30], $0x80  }
0x96: {  	[sflag:s30] =	ssyncset.done $0x0  }
0x97: {  	[sflag:s30] =	ssyncadd.s32 $0xFFFFFF80  }
0x98: {  	[tilespmem:s31], [sflag:$0x4] =	stream.indirect.gather [hbm4b:s1+s23], $0x80, s24, s23, $0xb8;
	[tilespmem:$0x1C200] =	vst v63  }
0x99: {  	_ =	swait.ge [sflag:s0], $0x4000  }
0x9a: {  	[sflag:s0] =	ssyncset.done $0x0  }
0x9b: {  	[sflag:s0] =	ssyncadd.s32 $0xFFFFC000  }
0x9c: {  	[spmem:s2] =	stream.indirect.scatter.add.f32 [tilespmem:s26], [sflag:$0x5], $0x80, s23, s23, $0xb8;
	[tilespmem:$0x1C200] =	vst v63  }
0x9d: {  	_ =	swait.ge [sflag:s28], $0x4000  }
0x9e: {  	[sflag:s28] =	ssyncset.done $0x0  }
0x9f: {  	[sflag:s28] =	ssyncadd.s32 $0xFFFFC000  }
0xa0: {  	[tilespmem:s4], [sflag:$0x1] =	stream.linear.gather [hbm4b:s21+s4], $0x80, $0x38;
	[tilespmem:$0x1C200] =	vst v63  }
0xa1: {  	_ = 	snop  }
0xa2: {  	[tilespmem:s23], [sflag:$0x1] =	stream.linear.gather [hbm4b:s22+s4], $0x80, $0x38;
	[tilespmem:$0x1C200] =	vst v63  }
0xa3: {  	_ =	swait.ge [sflag:s3], $0x4000  }
0xa4: {  	[sflag:s3] =	ssyncset.done $0x0  }
0xa5: {  	[sflag:s3] =	ssyncadd.s32 $0xFFFFC000  }
0xa6: {  	_ =	swait.ge [sflag:s29], $0x80  }
0xa7: {  	[sflag:s29] =	ssyncset.done $0x0  }
0xa8: {  	[sflag:s29] =	ssyncadd.s32 $0xFFFFFF80  }
0xa9: {  	_ =	swait.ge [sflag:s29], $0x80  }
0xaa: {  	[sflag:s29] =	ssyncset.done $0x0  }
0xab: {  	[sflag:s29] =	ssyncadd.s32 $0xFFFFFF80  }
0xac: {  	[tilespmem:s26], [sflag:$0x3] =	stream.indirect.gather [hbm4b:s1+s23], $0x80, s4, s23, $0xb8;
	[tilespmem:$0x1C200] =	vst v63  }
0xad: {  	_ = 	snop  }
0xae: {  	[spmem:s2] =	stream.indirect.scatter.add.f32 [tilespmem:s31], [sflag:$0x5], $0x80, s25, s23, $0xb8;
	[tilespmem:$0x1C200] =	vst v63  }
0xaf: {  	_ =	swait.ge [sflag:s28], $0x4000  }
0xb0: {  	[sflag:s28] =	ssyncset.done $0x0  }
0xb1: {  	[sflag:s28] =	ssyncadd.s32 $0xFFFFC000  }
0xb2: {  	[tilespmem:s24], [sflag:$0x2] =	stream.linear.gather [hbm4b:s19+s4], $0x80, $0x38;
	[tilespmem:$0x1C200] =	vst v63  }
0xb3: {  	_ = 	snop  }
0xb4: {  	[tilespmem:s25], [sflag:$0x2] =	stream.linear.gather [hbm4b:s20+s4], $0x80, $0x38;
	[tilespmem:$0x1C200] =	vst v63  }
0xb5: {  	_ =	swait.ge [sflag:s30], $0x80  }
0xb6: {  	[sflag:s30] =	ssyncset.done $0x0  }
0xb7: {  	[sflag:s30] =	ssyncadd.s32 $0xFFFFFF80  }
0xb8: {  	_ =	swait.ge [sflag:s30], $0x80  }
0xb9: {  	[sflag:s30] =	ssyncset.done $0x0  }
0xba: {  	[sflag:s30] =	ssyncadd.s32 $0xFFFFFF80  }
0xbb: {  	[tilespmem:s31], [sflag:$0x4] =	stream.indirect.gather [hbm4b:s1+s23], $0x80, s24, s23, $0xb8;
	[tilespmem:$0x1C200] =	vst v63  }
0xbc: {  	_ =	swait.ge [sflag:s0], $0x4000  }
0xbd: {  	[sflag:s0] =	ssyncset.done $0x0  }
0xbe: {  	[sflag:s0] =	ssyncadd.s32 $0xFFFFC000  }
0xbf: {  	[spmem:s2] =	stream.indirect.scatter.add.f32 [tilespmem:s26], [sflag:$0x5], $0x80, s23, s23, $0xb8;
	[tilespmem:$0x1C200] =	vst v63  }
0xc0: {  	_ =	swait.ge [sflag:s28], $0x4000  }
0xc1: {  	[sflag:s28] =	ssyncset.done $0x0  }
0xc2: {  	[sflag:s28] =	ssyncadd.s32 $0xFFFFC000  }
0xc3: {  	[tilespmem:s4], [sflag:$0x1] =	stream.linear.gather [hbm4b:s19+s4], $0x80, $0x38;
	[tilespmem:$0x1C200] =	vst v63  }
0xc4: {  	_ = 	snop  }
0xc5: {  	[tilespmem:s23], [sflag:$0x1] =	stream.linear.gather [hbm4b:s20+s4], $0x80, $0x38;
	[tilespmem:$0x1C200] =	vst v63  }
0xc6: {  	_ =	swait.ge [sflag:s3], $0x4000  }
0xc7: {  	[sflag:s3] =	ssyncset.done $0x0  }
0xc8: {  	[sflag:s3] =	ssyncadd.s32 $0xFFFFC000  }
0xc9: {  	_ =	swait.ge [sflag:s29], $0x80  }
0xca: {  	[sflag:s29] =	ssyncset.done $0x0  }
0xcb: {  	[sflag:s29] =	ssyncadd.s32 $0xFFFFFF80  }
0xcc: {  	_ =	swait.ge [sflag:s29], $0x80  }
0xcd: {  	[sflag:s29] =	ssyncset.done $0x0  }
0xce: {  	[sflag:s29] =	ssyncadd.s32 $0xFFFFFF80  }
0xcf: {  	[tilespmem:s26], [sflag:$0x3] =	stream.indirect.gather [hbm4b:s1+s23], $0x80, s4, s23, $0xb8;
	[tilespmem:$0x1C200] =	vst v63  }
0xd0: {  	_ = 	snop  }
0xd1: {  	[spmem:s2] =	stream.indirect.scatter.add.f32 [tilespmem:s31], [sflag:$0x5], $0x80, s25, s23, $0xb8;
	[tilespmem:$0x1C200] =	vst v63  }
0xd2: {  	_ =	swait.ge [sflag:s28], $0x4000  }
0xd3: {  	[sflag:s28] =	ssyncset.done $0x0  }
0xd4: {  	[sflag:s28] =	ssyncadd.s32 $0xFFFFC000  }
0xd5: {  	[tilespmem:s24], [sflag:$0x2] =	stream.linear.gather [hbm4b:s19+s4], $0x80, $0x38;
	[tilespmem:$0x1C200] =	vst v63  }
0xd6: {  	_ = 	snop  }
0xd7: {  	[tilespmem:s25], [sflag:$0x2] =	stream.linear.gather [hbm4b:s20+s4], $0x80, $0x38;
	[tilespmem:$0x1C200] =	vst v63  }
0xd8: {  	_ =	swait.ge [sflag:s0], $0x4000  }
0xd9: {  	[sflag:s0] =	ssyncset.done $0x0  }
0xda: {  	[sflag:s0] =	ssyncadd.s32 $0xFFFFC000  }
0xdb: {  	_ =	swait.ge [sflag:s30], $0x80  }
0xdc: {  	[sflag:s30] =	ssyncset.done $0x0  }
0xdd: {  	[sflag:s30] =	ssyncadd.s32 $0xFFFFFF80  }
0xde: {  	s9 =	stileid.u32;
	_ =	swait.ge [sflag:s30], $0x80  }
0xdf: {  	s10 =	sshrl.u32 s11, $0x3;
	s8 =	sadd.s32 $0x1, s8;
	[sflag:s30] =	ssyncset.done $0x0  }
0xe0: {  	s9 =	sshll.u32 s9, $0x6;
	p0 =	sne.s32 s8, s18;
	[sflag:s30] =	ssyncadd.s32 $0xFFFFFF80  }
.Ltmp2:
0xe1: {  	s9 =	sor.u32 $0x1C05, s9;
	[bflag:$0x0] =	sbarrier.arrive $0xFFFF;
	(pc) =	sbr.rel @p0 .LBB2_1-.Ltmp2, $4  }
0xe2: {  	[hbm:s17], [sflag:s9] =	dma.local [spmem:s10], $0x2800  }
0xe3: {  	_ =	swait.ge [sflag:s28], $0x2800  }
0xe4: {  	[sflag:s28] =	ssyncset.done $0x0  }
0xe5: {  	[sflag:s28] =	ssyncadd.s32 $0xFFFFD800  }
0xe6: {  	_ =	sfence.sel $0x180000  }
0xe7: {  	[bflag:$0x0] =	sbarrier.arrive $0xFFFF  }
0xe8: {  	_ =	strace $0x9000004D  }
0xe9: {  	s0 =	stileid.u32;
	[bflag:$0x2] =	sbarrier.arrive $0xFFFF  }
0xea: {  	p0 =	sne.s32 s0, $0x0;
	s0 =	rddreg [dreg:$0x3]  }
0xeb: {  	s0 =	sadd.s32 @!p0 $0x100000, s0  }
0xec: {  	[sflag:s0] =	ssyncadd.tile.s32 @!p0 $0x1;
	_ =	shalt  }
.Lfunc_end2:
_tile_overlayer_lowered:
.L_overlay_start_2:
0xed: {  	(tag) =	ssettag $0x2  }
0xee: {  	s0 =	rddreg [dreg:$0x0];
	s2 =	stileid.u32  }
0xef: {  	s1 =	rddreg [dreg:$0x1];
	p0 =	sne.s32 s2, $0x0  }
0xf0: {  	s3 =	rddreg [dreg:$0x2];
	[bflag:$0x3] =	sbarrier.arrive $0xFFFF;
	s2 =	simm.s32 @!p0 $0x1C05  }
0xf1: {  	[timem:s3], [sflag:s2] =	dma.local @!p0 [hbm:s0], s1  }
0xf2: {  	s0 =	simm.s32 @!p0 $0x5  }
0xf3: {  	_ =	swait.ge @!p0 [sflag:s0], s1  }
0xf4: {  	s1 =	ssub.s32 @!p0 $0x0, s1;
	[sflag:s0] =	ssyncset.done @!p0 $0x0  }
0xf5: {  	[sflag:s0] =	ssyncadd.s32 @!p0 s1  }
0xf6: {  	[bflag:$0x3] =	sbarrier.arrive $0xFFFF  }
0xf7: {  	_ =	shalt  }

// kernel: kernel.9.cloned.1.call-start
scs
__scs_entry_jumppad:
0x0: {  	(pc) =	sbr.rel $0x88, $3  }
0x1: {  	(tag) =	ssettag $0x0;
	lr =	simm.s32 $0x1  }
0x2: {  	[smem:$0x3F98] =	sst lr;
	_ =	strace $0xD0000000  }
0x3: {  	_ = 	snop  }
0x4: {  	_ = 	snop  }
0x5: {  	_ = 	snop  }
0x6: {  	_ = 	snop  }
0x7: {  	_ = 	snop  }
__scs_overlays_trampoline_lowered:
0x8: {  	[smem:$0x3FA7] =	sst s0  }
0x9: {  	[smem:$0x3FA8] =	sst s1  }
0xa: {  	[smem:$0x3FA9] =	sst s2  }
0xb: {  	[smem:$0x3FAA] =	sst s3  }
0xc: {  	[smem:$0x3FAB] =	sst s4  }
0xd: {  	[smem:$0x3FAC] =	sst s5  }
0xe: {  	[smem:$0x3FAD] =	sst s6  }
0xf: {  	[smem:$0x3FAE] =	sst s7  }
0x10: {  	[smem:$0x3FAF] =	sst s8  }
0x11: {  	[smem:$0x3FB0] =	sst s9;
	s0 =	simm.s32 @!p0 $0x0  }
0x12: {  	s1 =	sld [smem:$0x3F96];
	s0 =	simm.s32 @p0 $0x1  }
0x13: {  	[smem:$0x3FB1] =	sst s0;
	s0 =	simm.s32 @!p1 $0x0  }
0x14: {  	s2 =	sld [smem:$0x3F95];
	s0 =	simm.s32 @p1 $0x1  }
0x15: {  	[smem:$0x3FB2] =	sst s0;
	s0 =	simm.s32 @!p2 $0x0  }
0x16: {  	s3 =	sld [smem:$0x3FDB];
	s0 =	simm.s32 @p2 $0x1  }
0x17: {  	s4 =	simm.s32 $0x1BF5;
	[smem:$0x3FB4] =	sst s0  }
0x18: {  	s0 =	sld [smem:$0x3F97];
	_ =	swait.ge [sflag:s4], $0x0  }
0x19: {  	s7 =	sld [smem:$0x3F98]  }
0x1a: {  	s8 =	sadd.s32 $0xFFFFE003, lr  }
0x1b: {  	s9 =	sadd.s32 $0xFFFFFEF7, lr;
	s5 =	simm.s32 $0xFFFFFFFF;
	p2 =	slt.u32 s8, $0xFFFFF086  }
0x1c: {  	p1 =	slt.u32 s9, $0xF7A;
	s5 =	simm.s32 @!p2 $0x0  }
0x1d: {  	s5 =	simm.s32 @p1 $0x1;
	p0 =	seq.s32 s7, s2  }
0x1e: {  	s7 =	smul.u32 @!p0 $0xF7A, s2;
	p2 =	seq.s32 @!p0 s5, $0x0  }
0x1f: {  	s9 =	smul.u32 $0xF7A, s1;
	s8 =	simm.s32 @!p0 $0x1BF5;
	p2 =	por !p2, p0  }
0x20: {  	[sflag:s8] =	ssyncset.s32 @!p0 $0xFFFFF086;
	s6 =	sadd.s32 @!p0 s3, s7;
	s7 =	simm.s32 @!p0 $0x108  }
0x21: {  	s3 =	sadd.s32 s3, s9;
	s6 =	sadd.s32 @!p0 $0x88, s6;
	s7 =	simm.s32 @p2 $0x1082  }
0x22: {  	[simem:s7], [sflag:s8] =	dma.local @!p0 [hbm:s6], $0xF7A  }
0x23: {  	s9 =	sor.u32 $0xD0000000, s2;
	s6 =	simm.s32 $0x108;
	_ =	swait.ge @!p0 [sflag:s8], $0x0  }
0x24: {  	s3 =	sadd.s32 $0x88, s3;
	s6 =	simm.s32 @!p1 $0x1082;
	[sflag:s4] =	ssyncset.s32 $0xFFFFF086  }
0x25: {  	[simem:s6], [sflag:s4] =	dma.local [hbm:s3], $0xF7A  }
0x26: {  	[smem:$0x3F98] =	sst s1;
	(tag) =	ssettag s2;
	_ =	strace s9  }
0x27: {  	s1 =	sld [smem:$0x3FA8]  }
0x28: {  	s2 =	sld [smem:$0x3FA9]  }
0x29: {  	s4 =	sld [smem:$0x3FAB]  }
0x2a: {  	p0 =	seq.s32 s5, $0x0;
	s5 =	sld [smem:$0x3FAC]  }
0x2b: {  	s6 =	sld [smem:$0x3FAD]  }
0x2c: {  	s7 =	sld [smem:$0x3FAE]  }
0x2d: {  	s3 =	simm.s32 $0x108;
	s8 =	sld [smem:$0x3FAF]  }
0x2e: {  	s3 =	simm.s32 @!p0 $0x1082;
	s9 =	sld [smem:$0x3FB0]  }
0x2f: {  	lr =	sadd.s32 s0, s3;
	s0 =	sld [smem:$0x3FA7]  }
0x30: {  	s3 =	sld [smem:$0x3FAA]  }
0x31: {  	[smem:$0x3FB3] =	sst s10  }
0x32: {  	s10 =	sld [smem:$0x3FB1];
	_ =	sdelay $0x3  }
0x33: {  	p0 =	seq.s32 s10, $0x1;
	s10 =	sld [smem:$0x3FB3];
	_ =	sdelay $0x3  }
0x34: {  	[smem:$0x3FB3] =	sst s10  }
0x35: {  	s10 =	sld [smem:$0x3FB2];
	_ =	sdelay $0x3  }
0x36: {  	p1 =	seq.s32 s10, $0x1;
	s10 =	sld [smem:$0x3FB3];
	_ =	sdelay $0x3  }
0x37: {  	[smem:$0x3FB3] =	sst s10  }
0x38: {  	s10 =	sld [smem:$0x3FB4]  }
0x39: {  	_ = 	snop;
	(pc) =	sbr.ind lr, $3  }
0x3a: {  	_ = 	snop  }
0x3b: {  	_ = 	snop  }
0x3c: {  	p2 =	seq.s32 s10, $0x1;
	s10 =	sld [smem:$0x3FB3]  }
0x3d: {  	_ =	shalt  }
0x3e: {  	_ =	shalt  }
0x3f: {  	_ =	shalt  }
0x40: {  	_ =	shalt  }
0x41: {  	_ =	shalt  }
0x42: {  	_ =	shalt  }
0x43: {  	_ =	shalt  }
0x44: {  	_ =	shalt  }
0x45: {  	_ =	shalt  }
0x46: {  	_ =	shalt  }
0x47: {  	_ =	shalt  }
0x48: {  	_ =	shalt  }
0x49: {  	_ =	shalt  }
0x4a: {  	_ =	shalt  }
0x4b: {  	_ =	shalt  }
0x4c: {  	_ =	shalt  }
0x4d: {  	_ =	shalt  }
0x4e: {  	_ =	shalt  }
0x4f: {  	_ =	shalt  }
0x50: {  	_ =	shalt  }
0x51: {  	_ =	shalt  }
0x52: {  	_ =	shalt  }
0x53: {  	_ =	shalt  }
0x54: {  	_ =	shalt  }
0x55: {  	_ =	shalt  }
0x56: {  	_ =	shalt  }
0x57: {  	_ =	shalt  }
0x58: {  	_ =	shalt  }
0x59: {  	_ =	shalt  }
0x5a: {  	_ =	shalt  }
0x5b: {  	_ =	shalt  }
0x5c: {  	_ =	shalt  }
0x5d: {  	_ =	shalt  }
0x5e: {  	_ =	shalt  }
0x5f: {  	_ =	shalt  }
0x60: {  	_ =	shalt  }
0x61: {  	_ =	shalt  }
0x62: {  	_ =	shalt  }
0x63: {  	_ =	shalt  }
0x64: {  	_ =	shalt  }
0x65: {  	_ =	shalt  }
0x66: {  	_ =	shalt  }
0x67: {  	_ =	shalt  }
0x68: {  	_ =	shalt  }
0x69: {  	_ =	shalt  }
0x6a: {  	_ =	shalt  }
0x6b: {  	_ =	shalt  }
0x6c: {  	_ =	shalt  }
0x6d: {  	_ =	shalt  }
0x6e: {  	_ =	shalt  }
0x6f: {  	_ =	shalt  }
0x70: {  	_ =	shalt  }
0x71: {  	_ =	shalt  }
0x72: {  	_ =	shalt  }
0x73: {  	_ =	shalt  }
0x74: {  	_ =	shalt  }
0x75: {  	_ =	shalt  }
0x76: {  	_ =	shalt  }
0x77: {  	_ =	shalt  }
0x78: {  	_ =	shalt  }
0x79: {  	_ =	shalt  }
0x7a: {  	_ =	shalt  }
0x7b: {  	_ =	shalt  }
0x7c: {  	_ =	shalt  }
0x7d: {  	_ =	shalt  }
0x7e: {  	_ =	shalt  }
0x7f: {  	_ =	shalt  }
0x80: {  	_ =	shalt  }
0x81: {  	_ =	shalt  }
0x82: {  	_ =	shalt  }
0x83: {  	_ =	shalt  }
0x84: {  	_ =	shalt  }
0x85: {  	_ =	shalt  }
0x86: {  	_ =	shalt  }
0x87: {  	_ =	shalt  }
.Lfunc_end0:
.L_simem_size_0:
called_computation_lowered:
.L_overlay_start_0:
0x88: {  	s2 =	sld [smem:$0x3FD9]  }
0x89: {  	s3 =	sld [smem:$0x3FFE];
	_ =	sdelay $0x1  }
0x8a: {  	s1 =	srdreg.scid  }
0x8b: {  	s0 =	sand.u32 $0x1, s1  }
0x8c: {  	s17 =	sshll.u32 s0, $0xA;
	s2 =	sadd.s32 s3, s2  }
0x8d: {  	s2 =	sadd.s32 s2, s17  }
0x8e: {  	[smem:$0x3FBF] =	sst s2  }
0x8f: {  	_ = 	snop  }
0x90: {  	s2 =	sld [smem:$0x3FD0];
	(tm) =	ssettm $0x1  }
0x91: {  	s18 =	sld [smem:$0x3FFB];
	_ =	sdelay $0x3  }
0x92: {  	_ =	strace s18  }
0x93: {  	s3 =	sld [smem:$0x3FFC];
	_ =	sdelay $0x3  }
0x94: {  	_ =	strace s3  }
0x95: {  	s3 =	sld [smem:$0x3FFD];
	_ =	sdelay $0x3  }
0x96: {  	_ =	strace s3  }
0x97: {  	_ =	strace $0x8FFFFFFF  }
0x98: {  	s19 =	sld [smem:$0x3FDB];
	_ =	sdelay $0x1  }
0x99: {  	s4 =	simm.s32 $_scs_section_size  }
0x9a: {  	s5 =	simm.s32 $_size__tile_overlayer_lowered;
	s6 =	simm.s32 $_tile_overlayer_lowered  }
0x9b: {  	s22 =	simm.s32 $0x1BFF;
	s21 =	sshll.u32 s6, $0x1;
	s3 =	sadd.s32 s4, s19  }
0x9c: {  	s7 =	simm.s32 $0x0;
	s20 =	sshll.u32 s5, $0x1;
	s5 =	sadd.s32 s21, s3  }
0x9d: {  	[timem:s7], [sflag:s22] =	dma.local [hbm:s5], s20  }
0x9e: {  	_ =	swait.ge [sflag:s22], s20  }
0x9f: {  	s4 =	ssub.s32 $0x0, s20;
	[sflag:s22] =	ssyncset.done $0x0  }
0xa0: {  	[sflag:s22] =	ssyncadd.s32 s4;
	_ =	sdelay $0x1  }
0xa1: {  	s23 =	simm.s32 $0x1B8B  }
0xa2: {  	_ =	swait.ge [sflag:s23], $0x1  }
0xa3: {  	[sflag:s23] =	ssyncset.done $0x0  }
0xa4: {  	s25 =	simm.s32 $0x1B8E;
	s24 =	sld [smem:$0x3FFE];
	[sflag:s23] =	ssyncadd.s32 $0xFFFFFFFF  }
0xa5: {  	s26 =	simm.s32 $execute0_lowered;
	[smem:$0x3FD2] =	sst s25  }
0xa6: {  	s5 =	sshll.u32 s26, $0x1;
	_ =	strace $0x80000046;
	[dreg:$0x1] =	wrdreg $0xFFFFFFFF  }
0xa7: {  	s28 =	simm.s32 $_size_execute0_lowered;
	s3 =	sadd.s32 s3, s5;
	[dreg:$0x0] =	wrdreg $0x0  }
0xa8: {  	s5 =	sshll.u32 s28, $0x1;
	[dreg:$0x2] =	wrdreg s3  }
0xa9: {  	[dreg:$0x3] =	wrdreg s5  }
0xaa: {  	[dreg:$0x4] =	wrdreg $0xC0  }
0xab: {  	_ =	task [dreg:s7], $0x5FFFF  }
0xac: {  	[dreg:$0x1] =	wrdreg $0xFFFFFFFF  }
0xad: {  	[dreg:$0x0] =	wrdreg $0x60  }
0xae: {  	[dreg:$0x2] =	wrdreg s2  }
0xaf: {  	[dreg:$0x3] =	wrdreg s24  }
0xb0: {  	[dreg:$0x4] =	wrdreg $0x82000  }
0xb1: {  	[dreg:$0x5] =	wrdreg $0x9  }
0xb2: {  	_ =	task.clear_ibuf [dreg:s7], $0x6FFFF;
	_ =	strace $0x90000046  }
0xb3: {  	s29 =	simm.s32 $0x9;
	_ =	strace $0x80000048  }
0xb4: {  	_ =	swait.ge [sflag:s29], $0x1  }
0xb5: {  	[sflag:s29] =	ssyncadd.s32 $0xFFFFFFFF  }
0xb6: {  	_ =	strace $0x90000048  }
0xb7: {  	_ =	sfence  }
0xb8: {  	s30 =	sld [smem:$0x0];
	_ =	sdelay $0x2  }
0xb9: {  	s31 =	sshll.u32 s1, $0xD;
	s1 =	sshrl.u32 s1, $0x2  }
0xba: {  	s3 =	sand.u32 $0x4000, s31;
	s1 =	sadd.s32 s1, s30  }
0xbb: {  	s0 =	sor.u32 s3, s0;
	s1 =	sshll.u32 s1, $0x11  }
0xbc: {  	s0 =	sor.u32 s1, s0  }
0xbd: {  	s0 =	sadd.s32 $0x8F2B, s0  }
0xbe: {  	[sflag:s0] =	ssyncadd.remote.s32 $0x1  }
0xbf: {  	_ =	sfence.sel $0xFFFF  }
0xc0: {  	[dreg:$0x0] =	wrdreg $0xFFFFFFFF;
	(pc) =	sbr.abs _section_cstart, $3  }
0xc1: {  	[dreg:$0x1] =	wrdreg $0xFFFFFFFF  }
0xc2: {  	_ =	task.clear_ibuf [dreg:s7], $0x2FFFF;
	_ =	strace $0x9FFFFFFF  }
0xc3: {  	(tm) =	ssettm $0x7FFFFFFF  }
tec
execute0_lowered:
.L_overlay_start_1:
0x0: {  	(tag) =	ssettag $0x1  }
0x1: {  	s1 =	rddreg [dreg:$0x0]  }
0x2: {  	s0 =	rddreg [dreg:$0x1]  }
0x3: {  	s2 =	rddreg [dreg:$0x2];
	s4 =	simm.s32 $0x0;
	s3 =	srdreg.scid  }
0x4: {  	s10 =	stileid.u32;
	s28 =	simm.s32 $0x5;
	s29 =	simm.s32 $0x1  }
0x5: {  	s30 =	simm.s32 $0x2;
	s31 =	simm.s32 $0x4200;
	[smem:$0x7FF] =	sst s4  }
0x6: {  	s3 =	sand.u32 $0x1, s3;
	s8 =	smul.u32 $0x14000, s10;
	s9 =	sshll.u32 s10, $0x1  }
0x7: {  	s5 =	sadd.s32 $0x2E00, s0;
	s6 =	sadd.s32 $0xCE00, s0;
	s10 =	smul.u32 $0x50000, s10  }
0x8: {  	s7 =	smul.u32 $0x140000, s3;
	s9 =	sor.u32 s3, s9;
	s3 =	ssub.s32 $0x2, s3  }
0x9: {  	_ =	strace $0x80000047;
	s19 =	sshrl.u32 s3, $0x1;
	s10 =	sshrl.u32 s10, $0x2  }
0xa: {  	s8 =	sadd.s32 s8, s7;
	s7 =	smul.u32 $0x2800, s9;
	s3 =	ssub.s32 s3, s19  }
0xb: {  	s8 =	sshrl.u32 s8, $0x3;
	s18 =	smax.u32 s3, $0x1;
	s3 =	simm.s32 $0x4  }
0xc: {  	s0 =	sadd.s32 s8, s0;
	s20 =	sshrl.u32 s7, $0x3;
	s8 =	simm.s32 $0x0  }
0xd: {  	s21 =	sadd.s32 s5, s20;
	s22 =	sor.u32 $0x10, s20;
	s11 =	sadd.s32 s6, s20  }
0xe: {  	s17 =	sadd.s32 $0x16E00, s0;
	s25 =	sadd.s32 $0x4F0, s20;
	[dreg:$0x4] =	wrdreg s21  }
0xf: {  	s26 =	sadd.s32 $0x4E0, s20;
	s0 =	simm.s32 $0x3;
	[dreg:$0x5] =	wrdreg s11  }
0x10: {  	s23 =	sadd.s32 s5, s22;
	s11 =	sadd.s32 s10, s2;
	s9 =	sadd.s32 s6, s22  }
0x11: {  	s19 =	sadd.s32 s5, s25;
	s20 =	sadd.s32 s6, s25;
	s21 =	sadd.s32 s5, s26  }
0x12: {  	s22 =	sadd.s32 s6, s26;
	s25 =	simm.s32 $0x180;
	[dreg:$0x6] =	wrdreg s23  }
0x13: {  	s26 =	simm.s32 $0x200;
	[dreg:$0x7] =	wrdreg s9;
	s24 =	sadd.s32 $0x4000, s11  }
0x14: {  	s14 =	sadd.s32 $0x8000, s11;
	s15 =	sadd.s32 $0xC000, s11;
	s16 =	sadd.s32 $0x10000, s11  }
0x15: {  	v0 =	vimm.f32 $0.0e+00;
	s23 =	simm.s32 $0x80;
	[dreg:$0x8] =	wrdreg s24;
	s24 =	simm.s32 $0x100  }
.LBB2_1:
0x16: {  	s9 =	rddreg [dreg:$0x4]  }
0x17: {  	[tilespmem:s4], [sflag:$0x1] =	stream.linear.gather [hbm4b:s9+s4], $0x80, $0x38;
	[tilespmem:$0x1C200] =	vst v63  }
0x18: {  	s10 =	rddreg [dreg:$0x5]  }
0x19: {  	[tilespmem:s23], [sflag:$0x1] =	stream.linear.gather [hbm4b:s10+s4], $0x80, $0x38;
	[tilespmem:$0x1C200] =	vst v63  }
0x1a: {  	s12 =	rddreg [dreg:$0x6]  }
0x1b: {  	[tilespmem:s24], [sflag:$0x2] =	stream.linear.gather [hbm4b:s12+s4], $0x80, $0x38;
	[tilespmem:$0x1C200] =	vst v63  }
0x1c: {  	s13 =	rddreg [dreg:$0x7];
	s9 =	simm.s32 $0x0;
	s10 =	simm.s32 $0x200  }
0x1d: {  	[tilespmem:s25], [sflag:$0x2] =	stream.linear.gather [hbm4b:s13+s4], $0x80, $0x38;
	[tilespmem:$0x1C200] =	vst v63  }
.LBB2_2:
0x1e: {  	p0 =	sne.s32 s10, $0xFE00;
	[tilespmem:s9+$0x270] =	vst v0  }
0x1f: {  	[tilespmem:s9+$0x200] =	vst v0  }
0x20: {  	[tilespmem:s9+$0x210] =	vst v0  }
.Ltmp0:
0x21: {  	[tilespmem:s9+$0x220] =	vst v0;
	(pc) =	sbr.rel @p0 .LBB2_2-.Ltmp0, $4  }
0x22: {  	[tilespmem:s9+$0x230] =	vst v0  }
0x23: {  	[tilespmem:s9+$0x240] =	vst v0  }
0x24: {  	[tilespmem:s9+$0x250] =	vst v0  }
0x25: {  	[tilespmem:s9+$0x260] =	vst v0;
	s9 =	sshra.s32 s10, $0x2;
	s10 =	sadd.s32 $0x200, s10  }
0x26: {  	[tilespmem:s9+$0x270] =	vst v0  }
0x27: {  	[tilespmem:s9+$0x200] =	vst v0  }
0x28: {  	[tilespmem:s9+$0x210] =	vst v0  }
0x29: {  	[tilespmem:s9+$0x220] =	vst v0  }
0x2a: {  	[tilespmem:s9+$0x230] =	vst v0  }
0x2b: {  	[tilespmem:s9+$0x240] =	vst v0  }
0x2c: {  	[tilespmem:s9+$0x250] =	vst v0  }
0x2d: {  	[tilespmem:s9+$0x260] =	vst v0  }
0x2e: {  	[spmem:s11] =	stream.linear.scatter [tilespmem:s26], [sflag:$0x5], $0x4000, $0x38;
	[tilespmem:$0x1C200] =	vst v63  }
0x2f: {  	_ =	swait.ge [sflag:s28], $0x4000  }
0x30: {  	[sflag:s28] =	ssyncset.done $0x0  }
0x31: {  	s10 =	rddreg [dreg:$0x8];
	[sflag:s28] =	ssyncadd.s32 $0xFFFFC000  }
0x32: {  	[spmem:s10] =	stream.linear.scatter [tilespmem:s26], [sflag:$0x5], $0x4000, $0x38;
	[tilespmem:$0x1C200] =	vst v63  }
0x33: {  	_ =	swait.ge [sflag:s28], $0x4000  }
0x34: {  	[sflag:s28] =	ssyncset.done $0x0  }
0x35: {  	[sflag:s28] =	ssyncadd.s32 $0xFFFFC000  }
0x36: {  	[spmem:s14] =	stream.linear.scatter [tilespmem:s26], [sflag:$0x5], $0x4000, $0x38;
	[tilespmem:$0x1C200] =	vst v63  }
0x37: {  	_ =	swait.ge [sflag:s28], $0x4000  }
0x38: {  	[sflag:s28] =	ssyncset.done $0x0  }
0x39: {  	[sflag:s28] =	ssyncadd.s32 $0xFFFFC000  }
0x3a: {  	[spmem:s15] =	stream.linear.scatter [tilespmem:s26], [sflag:$0x5], $0x4000, $0x38;
	[tilespmem:$0x1C200] =	vst v63  }
0x3b: {  	_ =	swait.ge [sflag:s28], $0x4000  }
0x3c: {  	[sflag:s28] =	ssyncset.done $0x0  }
0x3d: {  	[sflag:s28] =	ssyncadd.s32 $0xFFFFC000  }
0x3e: {  	[spmem:s16] =	stream.linear.scatter [tilespmem:s26], [sflag:$0x5], $0x4000, $0x38;
	[tilespmem:$0x1C200] =	vst v63  }
0x3f: {  	_ =	swait.ge [sflag:s28], $0x4000  }
0x40: {  	[sflag:s28] =	ssyncset.done $0x0  }
0x41: {  	[sflag:s28] =	ssyncadd.s32 $0xFFFFC000  }
0x42: {  	_ =	swait.ge [sflag:s29], $0x80  }
0x43: {  	[sflag:s29] =	ssyncset.done $0x0  }
0x44: {  	[sflag:s29] =	ssyncadd.s32 $0xFFFFFF80  }
0x45: {  	_ =	swait.ge [sflag:s29], $0x80  }
0x46: {  	[sflag:s29] =	ssyncset.done $0x0  }
0x47: {  	[sflag:s29] =	ssyncadd.s32 $0xFFFFFF80  }
0x48: {  	[tilespmem:s26], [sflag:$0x3] =	stream.indirect.gather [hbm4b:s1+s23], $0x80, s4, s23, $0xb8;
	[tilespmem:$0x1C200] =	vst v63  }
0x49: {  	[bflag:$0x0] =	sbarrier.arrive $0xFFFF  }
0x4a: {  	_ =	swait.ge [sflag:s30], $0x80  }
0x4b: {  	[sflag:s30] =	ssyncset.done $0x0  }
0x4c: {  	[sflag:s30] =	ssyncadd.s32 $0xFFFFFF80  }
0x4d: {  	_ =	swait.ge [sflag:s30], $0x80  }
0x4e: {  	[sflag:s30] =	ssyncset.done $0x0  }
0x4f: {  	[sflag:s30] =	ssyncadd.s32 $0xFFFFFF80  }
0x50: {  	[tilespmem:s31], [sflag:$0x4] =	stream.indirect.gather [hbm4b:s1+s23], $0x80, s24, s23, $0xb8;
	[tilespmem:$0x1C200] =	vst v63  }
0x51: {  	s12 =	simm.s32 $0x100;
	_ =	swait.ge [sflag:s0], $0x4000  }
0x52: {  	s10 =	sand.u32 $0x7C00, s12;
	[sflag:s0] =	ssyncset.done $0x0  }
0x53: {  	s9 =	sand.u32 $0x300, s12;
	s10 =	sadd.s32 s7, s10;
	[sflag:s0] =	ssyncadd.s32 $0xFFFFC000  }
0x54: {  	[spmem:s2] =	stream.indirect.scatter.add.f32 [tilespmem:s26], [sflag:$0x5], $0x80, s23, s23, $0xb8;
	[tilespmem:$0x1C200] =	vst v63  }
0x55: {  	s9 =	sor.u32 s9, s10;
	_ =	swait.ge [sflag:s28], $0x4000  }
0x56: {  	s9 =	sshrl.u32 s9, $0x3;
	[sflag:s28] =	ssyncset.done $0x0  }
0x57: {  	s13 =	sadd.s32 s5, s9;
	[sflag:s28] =	ssyncadd.s32 $0xFFFFC000  }
0x58: {  	[tilespmem:s4], [sflag:$0x1] =	stream.linear.gather [hbm4b:s13+s4], $0x80, $0x38;
	[tilespmem:$0x1C200] =	vst v63  }
0x59: {  	s9 =	sadd.s32 s6, s9  }
0x5a: {  	[tilespmem:s23], [sflag:$0x1] =	stream.linear.gather [hbm4b:s9+s4], $0x80, $0x38;
	[tilespmem:$0x1C200] =	vst v63  }
0x5b: {  	_ =	swait.ge [sflag:s3], $0x4000  }
0x5c: {  	[sflag:s3] =	ssyncset.done $0x0  }
0x5d: {  	[sflag:s3] =	ssyncadd.s32 $0xFFFFC000  }
0x5e: {  	_ =	swait.ge [sflag:s29], $0x80  }
0x5f: {  	[sflag:s29] =	ssyncset.done $0x0  }
0x60: {  	[sflag:s29] =	ssyncadd.s32 $0xFFFFFF80  }
0x61: {  	_ =	swait.ge [sflag:s29], $0x80  }
0x62: {  	s12 =	simm.s32 $0x180;
	[sflag:s29] =	ssyncset.done $0x0  }
0x63: {  	s13 =	sand.u32 $0x7C00, s12;
	[sflag:s29] =	ssyncadd.s32 $0xFFFFFF80  }
0x64: {  	[tilespmem:s26], [sflag:$0x3] =	stream.indirect.gather [hbm4b:s1+s23], $0x80, s4, s23, $0xb8;
	[tilespmem:$0x1C200] =	vst v63  }
0x65: {  	s10 =	sadd.s32 s7, s13;
	s9 =	sand.u32 $0x380, s12  }
0x66: {  	[spmem:s2] =	stream.indirect.scatter.add.f32 [tilespmem:s31], [sflag:$0x5], $0x80, s25, s23, $0xb8;
	[tilespmem:$0x1C200] =	vst v63  }
0x67: {  	s9 =	sor.u32 s9, s10;
	_ =	swait.ge [sflag:s28], $0x4000  }
0x68: {  	s10 =	sshrl.u32 s9, $0x3;
	[sflag:s28] =	ssyncset.done $0x0  }
0x69: {  	s9 =	sadd.s32 s5, s10;
	[sflag:s28] =	ssyncadd.s32 $0xFFFFC000  }
0x6a: {  	[tilespmem:s24], [sflag:$0x2] =	stream.linear.gather [hbm4b:s9+s4], $0x80, $0x38;
	[tilespmem:$0x1C200] =	vst v63  }
0x6b: {  	s12 =	sadd.s32 s6, s10;
	s9 =	simm.s32 $0x280  }
.LBB2_4:
0x6c: {  	p0 =	sne.s32 s9, $0x2680;
	s10 =	smov.u32 s9;
	s9 =	sadd.s32 $0x100, s9  }
0x6d: {  	[tilespmem:s25], [sflag:$0x2] =	stream.linear.gather [hbm4b:s12+s4], $0x80, $0x38;
	[tilespmem:$0x1C200] =	vst v63  }
0x6e: {  	_ =	swait.ge [sflag:s30], $0x80  }
0x6f: {  	[sflag:s30] =	ssyncset.done $0x0  }
0x70: {  	[sflag:s30] =	ssyncadd.s32 $0xFFFFFF80  }
0x71: {  	_ =	swait.ge [sflag:s30], $0x80  }
0x72: {  	[sflag:s30] =	ssyncset.done $0x0  }
0x73: {  	[sflag:s30] =	ssyncadd.s32 $0xFFFFFF80  }
0x74: {  	[tilespmem:s31], [sflag:$0x4] =	stream.indirect.gather [hbm4b:s1+s23], $0x80, s24, s23, $0xb8;
	[tilespmem:$0x1C200] =	vst v63  }
0x75: {  	_ =	swait.ge [sflag:s0], $0x4000  }
0x76: {  	s12 =	sadd.s32 $0xFFFFFF80, s10;
	[sflag:s0] =	ssyncset.done $0x0  }
0x77: {  	s13 =	sand.u32 $0x7C00, s12;
	s12 =	sand.u32 $0x300, s12;
	[sflag:s0] =	ssyncadd.s32 $0xFFFFC000  }
0x78: {  	[spmem:s2] =	stream.indirect.scatter.add.f32 [tilespmem:s26], [sflag:$0x5], $0x80, s23, s23, $0xb8;
	[tilespmem:$0x1C200] =	vst v63  }
0x79: {  	s13 =	sadd.s32 s7, s13;
	_ =	swait.ge [sflag:s28], $0x4000  }
0x7a: {  	s12 =	sor.u32 s12, s13;
	[sflag:s28] =	ssyncset.done $0x0  }
0x7b: {  	s12 =	sshrl.u32 s12, $0x3;
	[sflag:s28] =	ssyncadd.s32 $0xFFFFC000  }
0x7c: {  	s13 =	sadd.s32 s5, s12;
	s12 =	sadd.s32 s6, s12  }
0x7d: {  	[tilespmem:s4], [sflag:$0x1] =	stream.linear.gather [hbm4b:s13+s4], $0x80, $0x38;
	[tilespmem:$0x1C200] =	vst v63  }
0x7e: {  	_ = 	snop  }
0x7f: {  	[tilespmem:s23], [sflag:$0x1] =	stream.linear.gather [hbm4b:s12+s4], $0x80, $0x38;
	[tilespmem:$0x1C200] =	vst v63  }
0x80: {  	_ =	swait.ge [sflag:s3], $0x4000  }
0x81: {  	[sflag:s3] =	ssyncset.done $0x0  }
0x82: {  	[sflag:s3] =	ssyncadd.s32 $0xFFFFC000  }
0x83: {  	_ =	swait.ge [sflag:s29], $0x80  }
0x84: {  	[sflag:s29] =	ssyncset.done $0x0  }
0x85: {  	[sflag:s29] =	ssyncadd.s32 $0xFFFFFF80  }
0x86: {  	_ =	swait.ge [sflag:s29], $0x80  }
0x87: {  	[sflag:s29] =	ssyncset.done $0x0  }
0x88: {  	s12 =	sand.u32 $0x7C00, s10;
	[sflag:s29] =	ssyncadd.s32 $0xFFFFFF80  }
0x89: {  	[tilespmem:s26], [sflag:$0x3] =	stream.indirect.gather [hbm4b:s1+s23], $0x80, s4, s23, $0xb8;
	[tilespmem:$0x1C200] =	vst v63  }
0x8a: {  	s10 =	sand.u32 $0x380, s10;
	s12 =	sadd.s32 s7, s12  }
0x8b: {  	[spmem:s2] =	stream.indirect.scatter.add.f32 [tilespmem:s31], [sflag:$0x5], $0x80, s25, s23, $0xb8;
	[tilespmem:$0x1C200] =	vst v63  }
.Ltmp1:
0x8c: {  	_ = 	snop;
	(pc) =	sbr.rel @p0 .LBB2_4-.Ltmp1, $4  }
0x8d: {  	s10 =	sor.u32 s10, s12;
	_ =	swait.ge [sflag:s28], $0x4000  }
0x8e: {  	s10 =	sshrl.u32 s10, $0x3;
	[sflag:s28] =	ssyncset.done $0x0  }
0x8f: {  	s13 =	sadd.s32 s5, s10;
	s12 =	sadd.s32 s6, s10;
	[sflag:s28] =	ssyncadd.s32 $0xFFFFC000  }
0x90: {  	[tilespmem:s24], [sflag:$0x2] =	stream.linear.gather [hbm4b:s13+s4], $0x80, $0x38;
	[tilespmem:$0x1C200] =	vst v63  }
0x91: {  	[tilespmem:s25], [sflag:$0x2] =	stream.linear.gather [hbm4b:s12+s4], $0x80, $0x38;
	[tilespmem:$0x1C200] =	vst v63  }
0x92: {  	_ =	swait.ge [sflag:s30], $0x80  }
0x93: {  	[sflag:s30] =	ssyncset.done $0x0  }
0x94: {  	[sflag:s30] =	ssyncadd.s32 $0xFFFFFF80  }
0x95: {  	_ =	swait.ge [sflag:s30], $0x80  }
0x96: {  	[sflag:s30] =	ssyncset.done $0x0  }
0x97: {  	[sflag:s30] =	ssyncadd.s32 $0xFFFFFF80  }
0x98: {  	[tilespmem:s31], [sflag:$0x4] =	stream.indirect.gather [hbm4b:s1+s23], $0x80, s24, s23, $0xb8;
	[tilespmem:$0x1C200] =	vst v63  }
0x99: {  	_ =	swait.ge [sflag:s0], $0x4000  }
0x9a: {  	[sflag:s0] =	ssyncset.done $0x0  }
0x9b: {  	[sflag:s0] =	ssyncadd.s32 $0xFFFFC000  }
0x9c: {  	[spmem:s2] =	stream.indirect.scatter.add.f32 [tilespmem:s26], [sflag:$0x5], $0x80, s23, s23, $0xb8;
	[tilespmem:$0x1C200] =	vst v63  }
0x9d: {  	_ =	swait.ge [sflag:s28], $0x4000  }
0x9e: {  	[sflag:s28] =	ssyncset.done $0x0  }
0x9f: {  	[sflag:s28] =	ssyncadd.s32 $0xFFFFC000  }
0xa0: {  	[tilespmem:s4], [sflag:$0x1] =	stream.linear.gather [hbm4b:s21+s4], $0x80, $0x38;
	[tilespmem:$0x1C200] =	vst v63  }
0xa1: {  	_ = 	snop  }
0xa2: {  	[tilespmem:s23], [sflag:$0x1] =	stream.linear.gather [hbm4b:s22+s4], $0x80, $0x38;
	[tilespmem:$0x1C200] =	vst v63  }
0xa3: {  	_ =	swait.ge [sflag:s3], $0x4000  }
0xa4: {  	[sflag:s3] =	ssyncset.done $0x0  }
0xa5: {  	[sflag:s3] =	ssyncadd.s32 $0xFFFFC000  }
0xa6: {  	_ =	swait.ge [sflag:s29], $0x80  }
0xa7: {  	[sflag:s29] =	ssyncset.done $0x0  }
0xa8: {  	[sflag:s29] =	ssyncadd.s32 $0xFFFFFF80  }
0xa9: {  	_ =	swait.ge [sflag:s29], $0x80  }
0xaa: {  	[sflag:s29] =	ssyncset.done $0x0  }
0xab: {  	[sflag:s29] =	ssyncadd.s32 $0xFFFFFF80  }
0xac: {  	[tilespmem:s26], [sflag:$0x3] =	stream.indirect.gather [hbm4b:s1+s23], $0x80, s4, s23, $0xb8;
	[tilespmem:$0x1C200] =	vst v63  }
0xad: {  	_ = 	snop  }
0xae: {  	[spmem:s2] =	stream.indirect.scatter.add.f32 [tilespmem:s31], [sflag:$0x5], $0x80, s25, s23, $0xb8;
	[tilespmem:$0x1C200] =	vst v63  }
0xaf: {  	_ =	swait.ge [sflag:s28], $0x4000  }
0xb0: {  	[sflag:s28] =	ssyncset.done $0x0  }
0xb1: {  	[sflag:s28] =	ssyncadd.s32 $0xFFFFC000  }
0xb2: {  	[tilespmem:s24], [sflag:$0x2] =	stream.linear.gather [hbm4b:s19+s4], $0x80, $0x38;
	[tilespmem:$0x1C200] =	vst v63  }
0xb3: {  	_ = 	snop  }
0xb4: {  	[tilespmem:s25], [sflag:$0x2] =	stream.linear.gather [hbm4b:s20+s4], $0x80, $0x38;
	[tilespmem:$0x1C200] =	vst v63  }
0xb5: {  	_ =	swait.ge [sflag:s30], $0x80  }
0xb6: {  	[sflag:s30] =	ssyncset.done $0x0  }
0xb7: {  	[sflag:s30] =	ssyncadd.s32 $0xFFFFFF80  }
0xb8: {  	_ =	swait.ge [sflag:s30], $0x80  }
0xb9: {  	[sflag:s30] =	ssyncset.done $0x0  }
0xba: {  	[sflag:s30] =	ssyncadd.s32 $0xFFFFFF80  }
0xbb: {  	[tilespmem:s31], [sflag:$0x4] =	stream.indirect.gather [hbm4b:s1+s23], $0x80, s24, s23, $0xb8;
	[tilespmem:$0x1C200] =	vst v63  }
0xbc: {  	_ =	swait.ge [sflag:s0], $0x4000  }
0xbd: {  	[sflag:s0] =	ssyncset.done $0x0  }
0xbe: {  	[sflag:s0] =	ssyncadd.s32 $0xFFFFC000  }
0xbf: {  	[spmem:s2] =	stream.indirect.scatter.add.f32 [tilespmem:s26], [sflag:$0x5], $0x80, s23, s23, $0xb8;
	[tilespmem:$0x1C200] =	vst v63  }
0xc0: {  	_ =	swait.ge [sflag:s28], $0x4000  }
0xc1: {  	[sflag:s28] =	ssyncset.done $0x0  }
0xc2: {  	[sflag:s28] =	ssyncadd.s32 $0xFFFFC000  }
0xc3: {  	[tilespmem:s4], [sflag:$0x1] =	stream.linear.gather [hbm4b:s19+s4], $0x80, $0x38;
	[tilespmem:$0x1C200] =	vst v63  }
0xc4: {  	_ = 	snop  }
0xc5: {  	[tilespmem:s23], [sflag:$0x1] =	stream.linear.gather [hbm4b:s20+s4], $0x80, $0x38;
	[tilespmem:$0x1C200] =	vst v63  }
0xc6: {  	_ =	swait.ge [sflag:s3], $0x4000  }
0xc7: {  	[sflag:s3] =	ssyncset.done $0x0  }
0xc8: {  	[sflag:s3] =	ssyncadd.s32 $0xFFFFC000  }
0xc9: {  	_ =	swait.ge [sflag:s29], $0x80  }
0xca: {  	[sflag:s29] =	ssyncset.done $0x0  }
0xcb: {  	[sflag:s29] =	ssyncadd.s32 $0xFFFFFF80  }
0xcc: {  	_ =	swait.ge [sflag:s29], $0x80  }
0xcd: {  	[sflag:s29] =	ssyncset.done $0x0  }
0xce: {  	[sflag:s29] =	ssyncadd.s32 $0xFFFFFF80  }
0xcf: {  	[tilespmem:s26], [sflag:$0x3] =	stream.indirect.gather [hbm4b:s1+s23], $0x80, s4, s23, $0xb8;
	[tilespmem:$0x1C200] =	vst v63  }
0xd0: {  	_ = 	snop  }
0xd1: {  	[spmem:s2] =	stream.indirect.scatter.add.f32 [tilespmem:s31], [sflag:$0x5], $0x80, s25, s23, $0xb8;
	[tilespmem:$0x1C200] =	vst v63  }
0xd2: {  	_ =	swait.ge [sflag:s28], $0x4000  }
0xd3: {  	[sflag:s28] =	ssyncset.done $0x0  }
0xd4: {  	[sflag:s28] =	ssyncadd.s32 $0xFFFFC000  }
0xd5: {  	[tilespmem:s24], [sflag:$0x2] =	stream.linear.gather [hbm4b:s19+s4], $0x80, $0x38;
	[tilespmem:$0x1C200] =	vst v63  }
0xd6: {  	_ = 	snop  }
0xd7: {  	[tilespmem:s25], [sflag:$0x2] =	stream.linear.gather [hbm4b:s20+s4], $0x80, $0x38;
	[tilespmem:$0x1C200] =	vst v63  }
0xd8: {  	_ =	swait.ge [sflag:s0], $0x4000  }
0xd9: {  	[sflag:s0] =	ssyncset.done $0x0  }
0xda: {  	[sflag:s0] =	ssyncadd.s32 $0xFFFFC000  }
0xdb: {  	_ =	swait.ge [sflag:s30], $0x80  }
0xdc: {  	[sflag:s30] =	ssyncset.done $0x0  }
0xdd: {  	[sflag:s30] =	ssyncadd.s32 $0xFFFFFF80  }
0xde: {  	s9 =	stileid.u32;
	_ =	swait.ge [sflag:s30], $0x80  }
0xdf: {  	s10 =	sshrl.u32 s11, $0x3;
	s8 =	sadd.s32 $0x1, s8;
	[sflag:s30] =	ssyncset.done $0x0  }
0xe0: {  	s9 =	sshll.u32 s9, $0x6;
	p0 =	sne.s32 s8, s18;
	[sflag:s30] =	ssyncadd.s32 $0xFFFFFF80  }
.Ltmp2:
0xe1: {  	s9 =	sor.u32 $0x1C05, s9;
	[bflag:$0x0] =	sbarrier.arrive $0xFFFF;
	(pc) =	sbr.rel @p0 .LBB2_1-.Ltmp2, $4  }
0xe2: {  	[hbm:s17], [sflag:s9] =	dma.local [spmem:s10], $0x2800  }
0xe3: {  	_ =	swait.ge [sflag:s28], $0x2800  }
0xe4: {  	[sflag:s28] =	ssyncset.done $0x0  }
0xe5: {  	[sflag:s28] =	ssyncadd.s32 $0xFFFFD800  }
0xe6: {  	_ =	sfence.sel $0x180000  }
0xe7: {  	[bflag:$0x0] =	sbarrier.arrive $0xFFFF  }
0xe8: {  	_ =	strace $0x90000047  }
0xe9: {  	s0 =	stileid.u32;
	[bflag:$0x2] =	sbarrier.arrive $0xFFFF  }
0xea: {  	p0 =	sne.s32 s0, $0x0;
	s0 =	rddreg [dreg:$0x3]  }
0xeb: {  	s0 =	sadd.s32 @!p0 $0x100000, s0  }
0xec: {  	[sflag:s0] =	ssyncadd.tile.s32 @!p0 $0x1;
	_ =	shalt  }
.Lfunc_end2:
_tile_overlayer_lowered:
.L_overlay_start_2:
0xed: {  	(tag) =	ssettag $0x2  }
0xee: {  	s0 =	rddreg [dreg:$0x0];
	s2 =	stileid.u32  }
0xef: {  	s1 =	rddreg [dreg:$0x1];
	p0 =	sne.s32 s2, $0x0  }
0xf0: {  	s3 =	rddreg [dreg:$0x2];
	[bflag:$0x3] =	sbarrier.arrive $0xFFFF;
	s2 =	simm.s32 @!p0 $0x1C05  }
0xf1: {  	[timem:s3], [sflag:s2] =	dma.local @!p0 [hbm:s0], s1  }
0xf2: {  	s0 =	simm.s32 @!p0 $0x5  }
0xf3: {  	_ =	swait.ge @!p0 [sflag:s0], s1  }
0xf4: {  	s1 =	ssub.s32 @!p0 $0x0, s1;
	[sflag:s0] =	ssyncset.done @!p0 $0x0  }
0xf5: {  	[sflag:s0] =	ssyncadd.s32 @!p0 s1  }
0xf6: {  	[bflag:$0x3] =	sbarrier.arrive $0xFFFF  }
0xf7: {  	_ =	shalt  }

</sc_bundles>
